<compile_context>
chip_gen: v7x
topology: tpu7x:2x2x1
jax: 0.10.2.dev20260603
libtpu: 0.0.44.dev20260713+nightly
codegen_flags: <defaults>
</compile_context>

<pallas_src>
import functools

import jax
import jax.numpy as jnp
from jax import lax
from jax.experimental import pallas as pl
from jax.experimental.pallas import tpu as pltpu
from jax.experimental.pallas import tpu_sc as plsc

NC = 2
NS = 16
LANES = 16
CH = 256
NBUF = 6


@functools.lru_cache(maxsize=None)
def _sc_scatter_kernel(n, d, e):
    dh = d // NC
    assert d % NC == 0 and dh % LANES == 0
    epw = e // NS
    assert e % NS == 0 and epw % 8 == 0
    nch = epw // CH
    tail = epw - nch * CH
    assert nch % NBUF == 0 and nch >= NBUF
    wb = (n // NS) & ~7
    rem = n - NS * wb
    zb = next(z for z in range(min(CH, wb), 0, -1)
              if wb % z == 0 and z % 8 == 0)
    assert rem % 8 == 0 and rem <= wb

    def body(x_hbm, edge_hbm, sum_hbm, deg_hbm, *refs):
        src_v = refs[0:NBUF]
        dst_v = refs[NBUF:2 * NBUF]
        rows_v = refs[2 * NBUF:3 * NBUF]
        src_t, dst_t, rows_t, ones_v, zdeg_v, acc_sh, accd_sh = \
            refs[3 * NBUF:3 * NBUF + 7]
        semi = refs[3 * NBUF + 7:3 * NBUF + 7 + NBUF]
        semg = refs[3 * NBUF + 7 + NBUF:3 * NBUF + 7 + 2 * NBUF]
        sems = refs[3 * NBUF + 7 + 2 * NBUF:3 * NBUF + 7 + 3 * NBUF]
        semd = refs[3 * NBUF + 7 + 3 * NBUF:3 * NBUF + 7 + 4 * NBUF]
        semt = refs[3 * NBUF + 7 + 4 * NBUF]

        c = lax.axis_index("c")
        s = lax.axis_index("s")
        zero16 = jnp.zeros((LANES,), jnp.float32)
        zero32b = jnp.zeros((2 * LANES,), jnp.bfloat16)
        e0 = jnp.where(lax.iota(jnp.int32, LANES) == 0,
                       jnp.float32(1.0), jnp.float32(0.0))
        row_off = c * n

        def idx_issue(b, base):
            pltpu.async_copy(edge_hbm.at[pl.ds(base, CH)], src_v[b], semi[b])
            pltpu.async_copy(edge_hbm.at[pl.ds(e + base, CH)], dst_v[b],
                             semi[b])

        def idx_wait(b):
            pltpu.make_async_copy(edge_hbm.at[pl.ds(0, CH)], src_v[b],
                                  semi[b]).wait()
            pltpu.make_async_copy(edge_hbm.at[pl.ds(0, CH)], dst_v[b],
                                  semi[b]).wait()

        def gather_issue(b):
            for j in range(CH // LANES):
                sl = pl.ds(j * LANES, LANES)
                src_v[b][sl] = src_v[b][sl] + row_off
            pltpu.async_copy(x_hbm.at[src_v[b]], rows_v[b], semg[b])

        def gather_wait(b):
            pltpu.make_async_copy(x_hbm.at[src_v[b]], rows_v[b],
                                  semg[b]).wait()

        def scat_issue(b):
            pltpu.async_copy(rows_v[b], acc_sh.at[dst_v[b]], sems[b],
                             add=True)
            @pl.when(c == b % 2)
            def _():
                pltpu.async_copy(ones_v, accd_sh.at[dst_v[b]], semd[b],
                                 add=True)

        def scat_wait(b):
            pltpu.make_async_copy(rows_v[b], acc_sh.at[dst_v[b]],
                                  sems[b]).wait()

            @pl.when(c == b % 2)
            def _():
                pltpu.make_async_copy(ones_v, accd_sh.at[dst_v[b]],
                                      semd[b]).wait()

        def zrow(i, carry):
            for j in range(dh // (2 * LANES)):
                rows_v[0][i, pl.ds(j * 2 * LANES, 2 * LANES)] = zero32b
            ones_v[i, :] = e0
            return carry
        lax.fori_loop(0, CH, zrow, 0)

        def zdeg(i, carry):
            zdeg_v[i, :] = zero16
            return carry
        lax.fori_loop(0, wb, zdeg, 0)

        base_row = s * wb
        for j in range(wb // zb):
            pltpu.sync_copy(rows_v[0].at[pl.ds(0, zb)],
                            acc_sh.at[pl.ds(base_row + j * zb, zb)])
        pltpu.sync_copy(zdeg_v, accd_sh.at[pl.ds(base_row, wb)])
        if rem:
            @pl.when(s == 0)
            def _():
                pltpu.sync_copy(rows_v[0].at[pl.ds(0, rem)],
                                acc_sh.at[pl.ds(NS * wb, rem)])
                pltpu.sync_copy(zdeg_v.at[pl.ds(0, rem)],
                                accd_sh.at[pl.ds(NS * wb, rem)])
        plsc.subcore_barrier()

        ebase = s * epw

        pltpu.sync_copy(edge_hbm.at[pl.ds(ebase, CH)], src_v[0])
        pltpu.sync_copy(edge_hbm.at[pl.ds(e + ebase, CH)], dst_v[0])
        gather_issue(0)
        idx_issue(1, ebase + CH)
        idx_wait(1)
        gather_issue(1)
        idx_issue(2, ebase + 2 * CH)

        def sext(g, carry):
            for b in range(NBUF):
                i = g * NBUF + b
                b2 = (b + 2) % NBUF
                b3 = (b + 3) % NBUF

                @pl.when(i >= 3)
                def _():
                    scat_wait(b3)

                @pl.when(i + 3 < nch)
                def _():
                    idx_issue(b3, ebase + (i + 3) * CH)

                @pl.when(i + 2 < nch)
                def _():
                    idx_wait(b2)
                    gather_issue(b2)

                gather_wait(b)
                scat_issue(b)
            return carry
        lax.fori_loop(0, nch // NBUF, sext, 0)
        for k in (nch - 3, nch - 2, nch - 1):
            scat_wait(k % NBUF)

        if tail:
            bt = ebase + nch * CH
            pltpu.sync_copy(edge_hbm.at[pl.ds(bt, tail)], src_t)
            pltpu.sync_copy(edge_hbm.at[pl.ds(e + bt, tail)], dst_t)
            for j in range(tail // LANES):
                sl = pl.ds(j * LANES, LANES)
                src_t[sl] = src_t[sl] + row_off
            pltpu.async_copy(x_hbm.at[src_t], rows_t, semt).wait()
            pltpu.sync_copy(rows_t, acc_sh.at[dst_t], add=True)

            @pl.when(c == 1)
            def _():
                pltpu.sync_copy(ones_v.at[pl.ds(0, tail)],
                                accd_sh.at[dst_t], add=True)
        plsc.subcore_barrier()

        out_base = c * n + base_row
        pltpu.sync_copy(acc_sh.at[pl.ds(base_row, wb)],
                        sum_hbm.at[pl.ds(out_base, wb)])
        pltpu.sync_copy(accd_sh.at[pl.ds(base_row, wb)],
                        deg_hbm.at[pl.ds(out_base, wb)])
        if rem:
            @pl.when(s == 0)
            def _():
                pltpu.sync_copy(acc_sh.at[pl.ds(NS * wb, rem)],
                                sum_hbm.at[pl.ds(c * n + NS * wb, rem)])
                pltpu.sync_copy(accd_sh.at[pl.ds(NS * wb, rem)],
                                deg_hbm.at[pl.ds(c * n + NS * wb, rem)])

    scratch = (
        [pltpu.VMEM((CH,), jnp.int32) for _ in range(NBUF)]
        + [pltpu.VMEM((CH,), jnp.int32) for _ in range(NBUF)]
        + [pltpu.VMEM((CH, dh), jnp.bfloat16) for _ in range(NBUF)]
        + [
            pltpu.VMEM((max(tail, 8),), jnp.int32),
            pltpu.VMEM((max(tail, 8),), jnp.int32),
            pltpu.VMEM((max(tail, 8), dh), jnp.bfloat16),
            pltpu.VMEM((CH, LANES), jnp.float32),
            pltpu.VMEM((wb, LANES), jnp.float32),
            pltpu.MemorySpace.VMEM_SHARED((n, dh), jnp.bfloat16),
            pltpu.MemorySpace.VMEM_SHARED((n, LANES), jnp.float32),
        ]
        + [pltpu.SemaphoreType.DMA for _ in range(4 * NBUF + 1)]
    )

    return pl.kernel(
        body,
        out_type=(jax.ShapeDtypeStruct((NC * n, dh), jnp.bfloat16),
                  jax.ShapeDtypeStruct((NC * n, LANES), jnp.float32)),
        mesh=plsc.VectorSubcoreMesh(core_axis_name="c", subcore_axis_name="s"),
        compiler_params=pltpu.CompilerParams(use_tc_tiling_on_sc=False),
        scratch_types=scratch,
    )


def _tc_self_body(x_ref, w_ref, b_ref, o_ref):
    o_ref[...] = (
        jnp.dot(x_ref[...], w_ref[0], preferred_element_type=jnp.float32)
        + b_ref[...])


def _tc_body(o1_ref, s_ref, d_ref, w_ref, o_ref):
    ssum = jnp.concatenate([s_ref[0], s_ref[1]],
                           axis=1).astype(jnp.float32)
    deg = jnp.sum(d_ref[0] + d_ref[1], axis=1, keepdims=True)
    h = ssum / jnp.maximum(deg, 1.0)
    o_ref[...] = (
        o1_ref[...]
        + jnp.dot(h, w_ref[1], preferred_element_type=jnp.float32))


def kernel(x, edge_index, W_neigh, b_neigh):
    n, d = x.shape
    e = edge_index.shape[1]
    dout = W_neigh.shape[1]
    dh = d // NC

    xs = x.reshape(n, NC, dh).swapaxes(0, 1).reshape(NC * n, dh)
    xs = xs.astype(jnp.bfloat16)
    sums, degs = _sc_scatter_kernel(n, d, e)(xs, edge_index.reshape(-1))
    sums = sums.reshape(NC, n, dh)
    degs = degs.reshape(NC, n, LANES)
    w = W_neigh.reshape(2, d, dout)
    b = b_neigh.reshape(1, dout)

    rb = 2000 if n % 2000 == 0 else n
    out1 = pl.pallas_call(
        _tc_self_body,
        grid=(n // rb,),
        in_specs=[
            pl.BlockSpec((rb, d), lambda i: (i, 0)),
            pl.BlockSpec((2, d, dout), lambda i: (0, 0, 0)),
            pl.BlockSpec((1, dout), lambda i: (0, 0)),
        ],
        out_specs=pl.BlockSpec((rb, dout), lambda i: (i, 0)),
        out_shape=jax.ShapeDtypeStruct((n, dout), jnp.float32),
    )(x, w, b)
    out = pl.pallas_call(
        _tc_body,
        grid=(n // rb,),
        in_specs=[
            pl.BlockSpec((rb, dout), lambda i: (i, 0)),
            pl.BlockSpec((NC, rb, dh), lambda i: (0, i, 0)),
            pl.BlockSpec((NC, rb, LANES), lambda i: (0, i, 0)),
            pl.BlockSpec((2, d, dout), lambda i: (0, 0, 0)),
        ],
        out_specs=pl.BlockSpec((rb, dout), lambda i: (i, 0)),
        out_shape=jax.ShapeDtypeStruct((n, dout), jnp.float32),
    )(out1, sums, degs, w)
    return out

# --- scband reference (transcript-rebuilt; emitter-appended) ---
"""Pipeline reference for scband-sageconv-128849019134 (READ-ONLY COPY).

The authoritative reference and input builder live on the scoring server;
editing this copy changes nothing except your own understanding.
"""

import jax, jax.numpy as jnp
import numpy as np

N = 10000
E = 320000
D_IN = 128
D_OUT = 128

def setup_inputs(seed: int = 0) -> dict:
    key = jax.random.key(seed)
    k1, k2, k3 = jax.random.split(key, 3)
    x = jax.random.normal(k1, (N, D_IN), dtype=jnp.float32)
    edge_index = jax.random.randint(k2, (2, E), 0, N, dtype=jnp.int32)
    # fc_neigh: Dense(out_feats) applied to concat([h_self, h_neigh]) -> [2*D_IN, D_OUT]
    W_neigh = jax.random.normal(k3, (2 * D_IN, D_OUT), dtype=jnp.float32) * 0.05
    b_neigh = jnp.zeros((D_OUT,), dtype=jnp.float32)
    return {"x": x, "edge_index": edge_index, "W_neigh": W_neigh, "b_neigh": b_neigh}

def reference(x, edge_index, W_neigh, b_neigh):
    # SAGEConv with aggregator_type='mean', feat_drop=0, no edge feats, no norm/activation.
    src = edge_index[0]
    dst = edge_index[1]
    n_nodes = x.shape[0]
    # message: m = h_src gathered along edges
    m = jnp.take(x, src, axis=0)
    # mean reducer over incoming edges per destination node
    msg_sum = jax.ops.segment_sum(m, dst, num_segments=n_nodes)
    deg = jax.ops.segment_sum(jnp.ones((m.shape[0],), dtype=x.dtype), dst, num_segments=n_nodes)
    h_neigh = msg_sum / jnp.maximum(deg, 1.0)[:, None]
    # rst = fc_neigh(concat([h_self, h_neigh]))
    rst = jnp.concatenate([x, h_neigh], axis=1) @ W_neigh + b_neigh
    return rst

if False:  # reference __main__ guard neutralized (emitter)
    out = reference(**setup_inputs())
    print(out.shape, out.dtype)

if __name__ == "__main__":
    import jax
    _d = setup_inputs()
    print(jax.jit(kernel)(*tuple(_d.values())))

</pallas_src>

<mosaic_0001>
#map = affine_map<(d0, d1) -> (0, 0)>
#map1 = affine_map<(d0, d1) -> (0)>
module attributes {stable_mosaic.version = 14 : i64} {
  func.func @body(%arg0: i32, %arg1: i32, %arg2: memref<20000x64xbf16, #tpu.memory_space<hbm>>, %arg3: memref<640000xi32, #tpu.memory_space<hbm>>, %arg4: memref<20000x64xbf16, #tpu.memory_space<hbm>>, %arg5: memref<20000x16xf32, #tpu.memory_space<hbm>>, %arg6: memref<256xi32, #tpu.memory_space<vmem>>, %arg7: memref<256xi32, #tpu.memory_space<vmem>>, %arg8: memref<256xi32, #tpu.memory_space<vmem>>, %arg9: memref<256xi32, #tpu.memory_space<vmem>>, %arg10: memref<256xi32, #tpu.memory_space<vmem>>, %arg11: memref<256xi32, #tpu.memory_space<vmem>>, %arg12: memref<256xi32, #tpu.memory_space<vmem>>, %arg13: memref<256xi32, #tpu.memory_space<vmem>>, %arg14: memref<256xi32, #tpu.memory_space<vmem>>, %arg15: memref<256xi32, #tpu.memory_space<vmem>>, %arg16: memref<256xi32, #tpu.memory_space<vmem>>, %arg17: memref<256xi32, #tpu.memory_space<vmem>>, %arg18: memref<256x64xbf16, #tpu.memory_space<vmem>>, %arg19: memref<256x64xbf16, #tpu.memory_space<vmem>>, %arg20: memref<256x64xbf16, #tpu.memory_space<vmem>>, %arg21: memref<256x64xbf16, #tpu.memory_space<vmem>>, %arg22: memref<256x64xbf16, #tpu.memory_space<vmem>>, %arg23: memref<256x64xbf16, #tpu.memory_space<vmem>>, %arg24: memref<32xi32, #tpu.memory_space<vmem>>, %arg25: memref<32xi32, #tpu.memory_space<vmem>>, %arg26: memref<32x64xbf16, #tpu.memory_space<vmem>>, %arg27: memref<256x16xf32, #tpu.memory_space<vmem>>, %arg28: memref<624x16xf32, #tpu.memory_space<vmem>>, %arg29: memref<10000x64xbf16, #tpu.memory_space<vmem_shared>>, %arg30: memref<10000x16xf32, #tpu.memory_space<vmem_shared>>, %arg31: memref<!tpu.dma_semaphore, #tpu.memory_space<semaphore_mem>>, %arg32: memref<!tpu.dma_semaphore, #tpu.memory_space<semaphore_mem>>, %arg33: memref<!tpu.dma_semaphore, #tpu.memory_space<semaphore_mem>>, %arg34: memref<!tpu.dma_semaphore, #tpu.memory_space<semaphore_mem>>, %arg35: memref<!tpu.dma_semaphore, #tpu.memory_space<semaphore_mem>>, %arg36: memref<!tpu.dma_semaphore, #tpu.memory_space<semaphore_mem>>, %arg37: memref<!tpu.dma_semaphore, #tpu.memory_space<semaphore_mem>>, %arg38: memref<!tpu.dma_semaphore, #tpu.memory_space<semaphore_mem>>, %arg39: memref<!tpu.dma_semaphore, #tpu.memory_space<semaphore_mem>>, %arg40: memref<!tpu.dma_semaphore, #tpu.memory_space<semaphore_mem>>, %arg41: memref<!tpu.dma_semaphore, #tpu.memory_space<semaphore_mem>>, %arg42: memref<!tpu.dma_semaphore, #tpu.memory_space<semaphore_mem>>, %arg43: memref<!tpu.dma_semaphore, #tpu.memory_space<semaphore_mem>>, %arg44: memref<!tpu.dma_semaphore, #tpu.memory_space<semaphore_mem>>, %arg45: memref<!tpu.dma_semaphore, #tpu.memory_space<semaphore_mem>>, %arg46: memref<!tpu.dma_semaphore, #tpu.memory_space<semaphore_mem>>, %arg47: memref<!tpu.dma_semaphore, #tpu.memory_space<semaphore_mem>>, %arg48: memref<!tpu.dma_semaphore, #tpu.memory_space<semaphore_mem>>, %arg49: memref<!tpu.dma_semaphore, #tpu.memory_space<semaphore_mem>>, %arg50: memref<!tpu.dma_semaphore, #tpu.memory_space<semaphore_mem>>, %arg51: memref<!tpu.dma_semaphore, #tpu.memory_space<semaphore_mem>>, %arg52: memref<!tpu.dma_semaphore, #tpu.memory_space<semaphore_mem>>, %arg53: memref<!tpu.dma_semaphore, #tpu.memory_space<semaphore_mem>>, %arg54: memref<!tpu.dma_semaphore, #tpu.memory_space<semaphore_mem>>, %arg55: memref<!tpu.dma_semaphore, #tpu.memory_space<semaphore_mem>>) attributes {dimension_semantics = [#tpu.dimension_semantics<core_parallel>, #tpu.dimension_semantics<subcore_parallel>], iteration_bounds = array<i64: 2, 16>, scalar_prefetch = 0 : i64, scratch_operands = 50 : i64, tpu.core_type = #tpu.core_type<sc_vector_subcore>, window_params = [{transform_indices = #map}, {transform_indices = #map1}, {transform_indices = #map}, {transform_indices = #map}]} {
    %broadcast_in_dim3A = arith.constant 0.000000e+00 : f32
    %broadcast_in_dim3A_0 = vector.broadcast %broadcast_in_dim3A : f32 to vector<16xf32>
    %broadcast_in_dim3A_1 = arith.constant 0.000000e+00 : bf16
    %broadcast_in_dim3A_2 = vector.broadcast %broadcast_in_dim3A_1 : bf16 to vector<32xbf16>
    %iota3A = tpu.iota {dimensions = array<i32: 0>} : vector<16xi32>
    %eq3A = arith.constant 0 : i32
    %eq3A_3 = vector.broadcast %eq3A : i32 to vector<16xi32>
    %eq3A_4 = arith.cmpi eq, %iota3A, %eq3A_3 : vector<16xi32>
    %jit3A = arith.constant 1.000000e+00 : f32
    %jit3A_5 = arith.constant 0.000000e+00 : f32
    %broadcast_in_dim3A_6 = vector.broadcast %jit3A : f32 to vector<16xf32>
    %broadcast_in_dim3A_7 = vector.broadcast %jit3A_5 : f32 to vector<16xf32>
    %select_n3A = arith.select %eq3A_4, %broadcast_in_dim3A_6, %broadcast_in_dim3A_7 : vector<16xi1>, vector<16xf32>
    %mul3A = arith.constant 10000 : i32
    %mul3A_8 = arith.muli %arg0, %mul3A : i32
    %scan3A = arith.constant 0 : i32
    %scan3A_9 = arith.constant 0 : i32
    %scan3A_10 = arith.constant 256 : i32
    %scan3A_11 = arith.addi %scan3A_9, %scan3A_10 : i32
    %scan3A_12 = arith.constant 1 : i32
    scf.for %scan3A_420 = %scan3A_9 to %scan3A_11 step %scan3A_12  : i32 {
      %swap3A_421 = arith.index_cast %scan3A_420 : i32 to index
      %swap3A_422 = arith.constant 0 : index
      %swap3A_423 = tpu.vector_load %arg18[%swap3A_421, %swap3A_422] {strides = array<i32>} : memref<256x64xbf16, #tpu.memory_space<vmem>>, vector<1x32xbf16>,
      %swap3A_424 = vector.shape_cast %swap3A_423 : vector<1x32xbf16> to vector<32xbf16>
      %swap3A_425 = vector.shape_cast %broadcast_in_dim3A_2 : vector<32xbf16> to vector<1x32xbf16>
      tpu.vector_store %arg18[%swap3A_421, %swap3A_422], %swap3A_425 {strides = array<i32>} : memref<256x64xbf16, #tpu.memory_space<vmem>>, vector<1x32xbf16>,
      %swap3A_426 = arith.index_cast %scan3A_420 : i32 to index
      %swap3A_427 = arith.constant 32 : index
      %swap3A_428 = tpu.vector_load %arg18[%swap3A_426, %swap3A_427] {strides = array<i32>} : memref<256x64xbf16, #tpu.memory_space<vmem>>, vector<1x32xbf16>,
      %swap3A_429 = vector.shape_cast %swap3A_428 : vector<1x32xbf16> to vector<32xbf16>
      %swap3A_430 = vector.shape_cast %broadcast_in_dim3A_2 : vector<32xbf16> to vector<1x32xbf16>
      tpu.vector_store %arg18[%swap3A_426, %swap3A_427], %swap3A_430 {strides = array<i32>} : memref<256x64xbf16, #tpu.memory_space<vmem>>, vector<1x32xbf16>,
      %swap3A_431 = arith.index_cast %scan3A_420 : i32 to index
      %swap3A_432 = arith.constant 0 : index
      %swap3A_433 = tpu.vector_load %arg27[%swap3A_431, %swap3A_432] {strides = array<i32>} : memref<256x16xf32, #tpu.memory_space<vmem>>, vector<1x16xf32>,
      %swap3A_434 = vector.shape_cast %swap3A_433 : vector<1x16xf32> to vector<16xf32>
      %swap3A_435 = vector.shape_cast %select_n3A : vector<16xf32> to vector<1x16xf32>
      tpu.vector_store %arg27[%swap3A_431, %swap3A_432], %swap3A_435 {strides = array<i32>} : memref<256x16xf32, #tpu.memory_space<vmem>>, vector<1x16xf32>,
    }
    %scan3A_13 = arith.constant 256 : i32
    %scan3A_14 = arith.constant 0 : i32
    %scan3A_15 = arith.constant 0 : i32
    %scan3A_16 = arith.constant 624 : i32
    %scan3A_17 = arith.addi %scan3A_15, %scan3A_16 : i32
    %scan3A_18 = arith.constant 1 : i32
    scf.for %scan3A_420 = %scan3A_15 to %scan3A_17 step %scan3A_18  : i32 {
      %swap3A_421 = arith.index_cast %scan3A_420 : i32 to index
      %swap3A_422 = arith.constant 0 : index
      %swap3A_423 = tpu.vector_load %arg28[%swap3A_421, %swap3A_422] {strides = array<i32>} : memref<624x16xf32, #tpu.memory_space<vmem>>, vector<1x16xf32>,
      %swap3A_424 = vector.shape_cast %swap3A_423 : vector<1x16xf32> to vector<16xf32>
      %swap3A_425 = vector.shape_cast %broadcast_in_dim3A_0 : vector<16xf32> to vector<1x16xf32>
      tpu.vector_store %arg28[%swap3A_421, %swap3A_422], %swap3A_425 {strides = array<i32>} : memref<624x16xf32, #tpu.memory_space<vmem>>, vector<1x16xf32>,
    }
    %scan3A_19 = arith.constant 624 : i32
    %mul3A_20 = arith.constant 624 : i32
    %mul3A_21 = arith.muli %arg1, %mul3A_20 : i32
    %add3A = arith.constant 0 : i32
    %add3A_22 = arith.addi %mul3A_21, %add3A : i32
    "tpu.region"() ({
      %run_scoped3A = tpu.sem_alloc : memref<!tpu.dma_semaphore, #tpu.memory_space<semaphore_mem>>
      %dma_start3A_420 = arith.constant 0 : i32
      %dma_start3A_421 = arith.constant 0 : i32
      %dma_start3A_422 = tpu.memref_slice %arg18[%dma_start3A_420, %dma_start3A_421] : memref<256x64xbf16, #tpu.memory_space<vmem>> -> memref<208x64xbf16, #tpu.memory_space<vmem>>
      %dma_start3A_423 = arith.constant 0 : i32
      %dma_start3A_424 = tpu.memref_slice %arg29[%add3A_22, %dma_start3A_423] : memref<10000x64xbf16, #tpu.memory_space<vmem_shared>> -> memref<208x64xbf16, #tpu.memory_space<vmem_shared>>
      %dma_start3A_425 = arith.constant 0 : i32
      %dma_start3A_426 = tpu.memref_slice %arg29[%add3A_22, %dma_start3A_425] : memref<10000x64xbf16, #tpu.memory_space<vmem_shared>> -> memref<208x64xbf16, #tpu.memory_space<vmem_shared>>
      %dma_start3A_427 = arith.constant 0 : i32
      %dma_start3A_428 = arith.constant 0 : i32
      %dma_start3A_429 = tpu.memref_slice %arg18[%dma_start3A_427, %dma_start3A_428] : memref<256x64xbf16, #tpu.memory_space<vmem>> -> memref<208x64xbf16, #tpu.memory_space<vmem>>
      tpu.enqueue_dma source(%dma_start3A_429 : memref<208x64xbf16, #tpu.memory_space<vmem>>) target(%dma_start3A_426 : memref<208x64xbf16, #tpu.memory_space<vmem_shared>>) target_semaphore(%run_scoped3A : memref<!tpu.dma_semaphore, #tpu.memory_space<semaphore_mem>>)
      %dma_wait3A_430 = arith.constant 0 : i32
      %dma_wait3A_431 = arith.constant 0 : i32
      %dma_wait3A_432 = tpu.memref_slice %arg18[%dma_wait3A_430, %dma_wait3A_431] : memref<256x64xbf16, #tpu.memory_space<vmem>> -> memref<208x64xbf16, #tpu.memory_space<vmem>>
      %dma_wait3A_433 = arith.constant 0 : i32
      %dma_wait3A_434 = tpu.memref_slice %arg29[%add3A_22, %dma_wait3A_433] : memref<10000x64xbf16, #tpu.memory_space<vmem_shared>> -> memref<208x64xbf16, #tpu.memory_space<vmem_shared>>
      %dma_wait3A_435 = arith.constant 0 : i32
      %dma_wait3A_436 = tpu.memref_slice %arg29[%add3A_22, %dma_wait3A_435] : memref<10000x64xbf16, #tpu.memory_space<vmem_shared>> -> memref<208x64xbf16, #tpu.memory_space<vmem_shared>>
      %dma_wait3A_437 = arith.constant 0 : i32
      %dma_wait3A_438 = arith.constant 0 : i32
      %dma_wait3A_439 = tpu.memref_slice %arg18[%dma_wait3A_437, %dma_wait3A_438] : memref<256x64xbf16, #tpu.memory_space<vmem>> -> memref<208x64xbf16, #tpu.memory_space<vmem>>
      tpu.wait_dma2 semaphore(%run_scoped3A : memref<!tpu.dma_semaphore, #tpu.memory_space<semaphore_mem>>) src(%dma_wait3A_439 : memref<208x64xbf16, #tpu.memory_space<vmem>>) dst(%dma_wait3A_436 : memref<208x64xbf16, #tpu.memory_space<vmem_shared>>)
      tpu.yield
    }) : () -> ()
    %add3A_23 = arith.constant 208 : i32
    %add3A_24 = arith.addi %mul3A_21, %add3A_23 : i32
    "tpu.region"() ({
      %run_scoped3A = tpu.sem_alloc : memref<!tpu.dma_semaphore, #tpu.memory_space<semaphore_mem>>
      %dma_start3A_420 = arith.constant 0 : i32
      %dma_start3A_421 = arith.constant 0 : i32
      %dma_start3A_422 = tpu.memref_slice %arg18[%dma_start3A_420, %dma_start3A_421] : memref<256x64xbf16, #tpu.memory_space<vmem>> -> memref<208x64xbf16, #tpu.memory_space<vmem>>
      %dma_start3A_423 = arith.constant 0 : i32
      %dma_start3A_424 = tpu.memref_slice %arg29[%add3A_24, %dma_start3A_423] : memref<10000x64xbf16, #tpu.memory_space<vmem_shared>> -> memref<208x64xbf16, #tpu.memory_space<vmem_shared>>
      %dma_start3A_425 = arith.constant 0 : i32
      %dma_start3A_426 = tpu.memref_slice %arg29[%add3A_24, %dma_start3A_425] : memref<10000x64xbf16, #tpu.memory_space<vmem_shared>> -> memref<208x64xbf16, #tpu.memory_space<vmem_shared>>
      %dma_start3A_427 = arith.constant 0 : i32
      %dma_start3A_428 = arith.constant 0 : i32
      %dma_start3A_429 = tpu.memref_slice %arg18[%dma_start3A_427, %dma_start3A_428] : memref<256x64xbf16, #tpu.memory_space<vmem>> -> memref<208x64xbf16, #tpu.memory_space<vmem>>
      tpu.enqueue_dma source(%dma_start3A_429 : memref<208x64xbf16, #tpu.memory_space<vmem>>) target(%dma_start3A_426 : memref<208x64xbf16, #tpu.memory_space<vmem_shared>>) target_semaphore(%run_scoped3A : memref<!tpu.dma_semaphore, #tpu.memory_space<semaphore_mem>>)
      %dma_wait3A_430 = arith.constant 0 : i32
      %dma_wait3A_431 = arith.constant 0 : i32
      %dma_wait3A_432 = tpu.memref_slice %arg18[%dma_wait3A_430, %dma_wait3A_431] : memref<256x64xbf16, #tpu.memory_space<vmem>> -> memref<208x64xbf16, #tpu.memory_space<vmem>>
      %dma_wait3A_433 = arith.constant 0 : i32
      %dma_wait3A_434 = tpu.memref_slice %arg29[%add3A_24, %dma_wait3A_433] : memref<10000x64xbf16, #tpu.memory_space<vmem_shared>> -> memref<208x64xbf16, #tpu.memory_space<vmem_shared>>
      %dma_wait3A_435 = arith.constant 0 : i32
      %dma_wait3A_436 = tpu.memref_slice %arg29[%add3A_24, %dma_wait3A_435] : memref<10000x64xbf16, #tpu.memory_space<vmem_shared>> -> memref<208x64xbf16, #tpu.memory_space<vmem_shared>>
      %dma_wait3A_437 = arith.constant 0 : i32
      %dma_wait3A_438 = arith.constant 0 : i32
      %dma_wait3A_439 = tpu.memref_slice %arg18[%dma_wait3A_437, %dma_wait3A_438] : memref<256x64xbf16, #tpu.memory_space<vmem>> -> memref<208x64xbf16, #tpu.memory_space<vmem>>
      tpu.wait_dma2 semaphore(%run_scoped3A : memref<!tpu.dma_semaphore, #tpu.memory_space<semaphore_mem>>) src(%dma_wait3A_439 : memref<208x64xbf16, #tpu.memory_space<vmem>>) dst(%dma_wait3A_436 : memref<208x64xbf16, #tpu.memory_space<vmem_shared>>)
      tpu.yield
    }) : () -> ()
    %add3A_25 = arith.constant 416 : i32
    %add3A_26 = arith.addi %mul3A_21, %add3A_25 : i32
    "tpu.region"() ({
      %run_scoped3A = tpu.sem_alloc : memref<!tpu.dma_semaphore, #tpu.memory_space<semaphore_mem>>
      %dma_start3A_420 = arith.constant 0 : i32
      %dma_start3A_421 = arith.constant 0 : i32
      %dma_start3A_422 = tpu.memref_slice %arg18[%dma_start3A_420, %dma_start3A_421] : memref<256x64xbf16, #tpu.memory_space<vmem>> -> memref<208x64xbf16, #tpu.memory_space<vmem>>
      %dma_start3A_423 = arith.constant 0 : i32
      %dma_start3A_424 = tpu.memref_slice %arg29[%add3A_26, %dma_start3A_423] : memref<10000x64xbf16, #tpu.memory_space<vmem_shared>> -> memref<208x64xbf16, #tpu.memory_space<vmem_shared>>
      %dma_start3A_425 = arith.constant 0 : i32
      %dma_start3A_426 = tpu.memref_slice %arg29[%add3A_26, %dma_start3A_425] : memref<10000x64xbf16, #tpu.memory_space<vmem_shared>> -> memref<208x64xbf16, #tpu.memory_space<vmem_shared>>
      %dma_start3A_427 = arith.constant 0 : i32
      %dma_start3A_428 = arith.constant 0 : i32
      %dma_start3A_429 = tpu.memref_slice %arg18[%dma_start3A_427, %dma_start3A_428] : memref<256x64xbf16, #tpu.memory_space<vmem>> -> memref<208x64xbf16, #tpu.memory_space<vmem>>
      tpu.enqueue_dma source(%dma_start3A_429 : memref<208x64xbf16, #tpu.memory_space<vmem>>) target(%dma_start3A_426 : memref<208x64xbf16, #tpu.memory_space<vmem_shared>>) target_semaphore(%run_scoped3A : memref<!tpu.dma_semaphore, #tpu.memory_space<semaphore_mem>>)
      %dma_wait3A_430 = arith.constant 0 : i32
      %dma_wait3A_431 = arith.constant 0 : i32
      %dma_wait3A_432 = tpu.memref_slice %arg18[%dma_wait3A_430, %dma_wait3A_431] : memref<256x64xbf16, #tpu.memory_space<vmem>> -> memref<208x64xbf16, #tpu.memory_space<vmem>>
      %dma_wait3A_433 = arith.constant 0 : i32
      %dma_wait3A_434 = tpu.memref_slice %arg29[%add3A_26, %dma_wait3A_433] : memref<10000x64xbf16, #tpu.memory_space<vmem_shared>> -> memref<208x64xbf16, #tpu.memory_space<vmem_shared>>
      %dma_wait3A_435 = arith.constant 0 : i32
      %dma_wait3A_436 = tpu.memref_slice %arg29[%add3A_26, %dma_wait3A_435] : memref<10000x64xbf16, #tpu.memory_space<vmem_shared>> -> memref<208x64xbf16, #tpu.memory_space<vmem_shared>>
      %dma_wait3A_437 = arith.constant 0 : i32
      %dma_wait3A_438 = arith.constant 0 : i32
      %dma_wait3A_439 = tpu.memref_slice %arg18[%dma_wait3A_437, %dma_wait3A_438] : memref<256x64xbf16, #tpu.memory_space<vmem>> -> memref<208x64xbf16, #tpu.memory_space<vmem>>
      tpu.wait_dma2 semaphore(%run_scoped3A : memref<!tpu.dma_semaphore, #tpu.memory_space<semaphore_mem>>) src(%dma_wait3A_439 : memref<208x64xbf16, #tpu.memory_space<vmem>>) dst(%dma_wait3A_436 : memref<208x64xbf16, #tpu.memory_space<vmem_shared>>)
      tpu.yield
    }) : () -> ()
    "tpu.region"() ({
      %run_scoped3A = tpu.sem_alloc : memref<!tpu.dma_semaphore, #tpu.memory_space<semaphore_mem>>
      %dma_start3A_420 = arith.constant 0 : i32
      %dma_start3A_421 = tpu.memref_slice %arg30[%mul3A_21, %dma_start3A_420] : memref<10000x16xf32, #tpu.memory_space<vmem_shared>> -> memref<624x16xf32, #tpu.memory_space<vmem_shared>>
      %dma_start3A_422 = arith.constant 0 : i32
      %dma_start3A_423 = tpu.memref_slice %arg30[%mul3A_21, %dma_start3A_422] : memref<10000x16xf32, #tpu.memory_space<vmem_shared>> -> memref<624x16xf32, #tpu.memory_space<vmem_shared>>
      tpu.enqueue_dma source(%arg28 : memref<624x16xf32, #tpu.memory_space<vmem>>) target(%dma_start3A_423 : memref<624x16xf32, #tpu.memory_space<vmem_shared>>) target_semaphore(%run_scoped3A : memref<!tpu.dma_semaphore, #tpu.memory_space<semaphore_mem>>)
      %dma_wait3A_424 = arith.constant 0 : i32
      %dma_wait3A_425 = tpu.memref_slice %arg30[%mul3A_21, %dma_wait3A_424] : memref<10000x16xf32, #tpu.memory_space<vmem_shared>> -> memref<624x16xf32, #tpu.memory_space<vmem_shared>>
      %dma_wait3A_426 = arith.constant 0 : i32
      %dma_wait3A_427 = tpu.memref_slice %arg30[%mul3A_21, %dma_wait3A_426] : memref<10000x16xf32, #tpu.memory_space<vmem_shared>> -> memref<624x16xf32, #tpu.memory_space<vmem_shared>>
      tpu.wait_dma2 semaphore(%run_scoped3A : memref<!tpu.dma_semaphore, #tpu.memory_space<semaphore_mem>>) src(%arg28 : memref<624x16xf32, #tpu.memory_space<vmem>>) dst(%dma_wait3A_427 : memref<624x16xf32, #tpu.memory_space<vmem_shared>>)
      tpu.yield
    }) : () -> ()
    %eq3A_27 = arith.constant 0 : i32
    %eq3A_28 = arith.cmpi eq, %arg1, %eq3A_27 : i32
    %convert_element_type3A = arith.extui %eq3A_28 : i1 to i32
    %cond3A = arith.constant 0 : i32
    %cond3A_29 = arith.cmpi ne, %convert_element_type3A, %cond3A : i32
    scf.if %cond3A_29 {
      "tpu.region"() ({
        %run_scoped3A = tpu.sem_alloc : memref<!tpu.dma_semaphore, #tpu.memory_space<semaphore_mem>>
        %dma_start3A_420 = arith.constant 0 : i32
        %dma_start3A_421 = arith.constant 0 : i32
        %dma_start3A_422 = tpu.memref_slice %arg18[%dma_start3A_420, %dma_start3A_421] : memref<256x64xbf16, #tpu.memory_space<vmem>> -> memref<16x64xbf16, #tpu.memory_space<vmem>>
        %dma_start3A_423 = arith.constant 9984 : i32
        %dma_start3A_424 = arith.constant 0 : i32
        %dma_start3A_425 = tpu.memref_slice %arg29[%dma_start3A_423, %dma_start3A_424] : memref<10000x64xbf16, #tpu.memory_space<vmem_shared>> -> memref<16x64xbf16, #tpu.memory_space<vmem_shared>>
        %dma_start3A_426 = arith.constant 9984 : i32
        %dma_start3A_427 = arith.constant 0 : i32
        %dma_start3A_428 = tpu.memref_slice %arg29[%dma_start3A_426, %dma_start3A_427] : memref<10000x64xbf16, #tpu.memory_space<vmem_shared>> -> memref<16x64xbf16, #tpu.memory_space<vmem_shared>>
        %dma_start3A_429 = arith.constant 0 : i32
        %dma_start3A_430 = arith.constant 0 : i32
        %dma_start3A_431 = tpu.memref_slice %arg18[%dma_start3A_429, %dma_start3A_430] : memref<256x64xbf16, #tpu.memory_space<vmem>> -> memref<16x64xbf16, #tpu.memory_space<vmem>>
        tpu.enqueue_dma source(%dma_start3A_431 : memref<16x64xbf16, #tpu.memory_space<vmem>>) target(%dma_start3A_428 : memref<16x64xbf16, #tpu.memory_space<vmem_shared>>) target_semaphore(%run_scoped3A : memref<!tpu.dma_semaphore, #tpu.memory_space<semaphore_mem>>)
        %dma_wait3A_432 = arith.constant 0 : i32
        %dma_wait3A_433 = arith.constant 0 : i32
        %dma_wait3A_434 = tpu.memref_slice %arg18[%dma_wait3A_432, %dma_wait3A_433] : memref<256x64xbf16, #tpu.memory_space<vmem>> -> memref<16x64xbf16, #tpu.memory_space<vmem>>
        %dma_wait3A_435 = arith.constant 9984 : i32
        %dma_wait3A_436 = arith.constant 0 : i32
        %dma_wait3A_437 = tpu.memref_slice %arg29[%dma_wait3A_435, %dma_wait3A_436] : memref<10000x64xbf16, #tpu.memory_space<vmem_shared>> -> memref<16x64xbf16, #tpu.memory_space<vmem_shared>>
        %dma_wait3A_438 = arith.constant 9984 : i32
        %dma_wait3A_439 = arith.constant 0 : i32
        %dma_wait3A_440 = tpu.memref_slice %arg29[%dma_wait3A_438, %dma_wait3A_439] : memref<10000x64xbf16, #tpu.memory_space<vmem_shared>> -> memref<16x64xbf16, #tpu.memory_space<vmem_shared>>
        %dma_wait3A_441 = arith.constant 0 : i32
        %dma_wait3A_442 = arith.constant 0 : i32
        %dma_wait3A_443 = tpu.memref_slice %arg18[%dma_wait3A_441, %dma_wait3A_442] : memref<256x64xbf16, #tpu.memory_space<vmem>> -> memref<16x64xbf16, #tpu.memory_space<vmem>>
        tpu.wait_dma2 semaphore(%run_scoped3A : memref<!tpu.dma_semaphore, #tpu.memory_space<semaphore_mem>>) src(%dma_wait3A_443 : memref<16x64xbf16, #tpu.memory_space<vmem>>) dst(%dma_wait3A_440 : memref<16x64xbf16, #tpu.memory_space<vmem_shared>>)
        tpu.yield
      }) : () -> ()
      "tpu.region"() ({
        %run_scoped3A = tpu.sem_alloc : memref<!tpu.dma_semaphore, #tpu.memory_space<semaphore_mem>>
        %dma_start3A_420 = arith.constant 0 : i32
        %dma_start3A_421 = arith.constant 0 : i32
        %dma_start3A_422 = tpu.memref_slice %arg28[%dma_start3A_420, %dma_start3A_421] : memref<624x16xf32, #tpu.memory_space<vmem>> -> memref<16x16xf32, #tpu.memory_space<vmem>>
        %dma_start3A_423 = arith.constant 9984 : i32
        %dma_start3A_424 = arith.constant 0 : i32
        %dma_start3A_425 = tpu.memref_slice %arg30[%dma_start3A_423, %dma_start3A_424] : memref<10000x16xf32, #tpu.memory_space<vmem_shared>> -> memref<16x16xf32, #tpu.memory_space<vmem_shared>>
        %dma_start3A_426 = arith.constant 9984 : i32
        %dma_start3A_427 = arith.constant 0 : i32
        %dma_start3A_428 = tpu.memref_slice %arg30[%dma_start3A_426, %dma_start3A_427] : memref<10000x16xf32, #tpu.memory_space<vmem_shared>> -> memref<16x16xf32, #tpu.memory_space<vmem_shared>>
        %dma_start3A_429 = arith.constant 0 : i32
        %dma_start3A_430 = arith.constant 0 : i32
        %dma_start3A_431 = tpu.memref_slice %arg28[%dma_start3A_429, %dma_start3A_430] : memref<624x16xf32, #tpu.memory_space<vmem>> -> memref<16x16xf32, #tpu.memory_space<vmem>>
        tpu.enqueue_dma source(%dma_start3A_431 : memref<16x16xf32, #tpu.memory_space<vmem>>) target(%dma_start3A_428 : memref<16x16xf32, #tpu.memory_space<vmem_shared>>) target_semaphore(%run_scoped3A : memref<!tpu.dma_semaphore, #tpu.memory_space<semaphore_mem>>)
        %dma_wait3A_432 = arith.constant 0 : i32
        %dma_wait3A_433 = arith.constant 0 : i32
        %dma_wait3A_434 = tpu.memref_slice %arg28[%dma_wait3A_432, %dma_wait3A_433] : memref<624x16xf32, #tpu.memory_space<vmem>> -> memref<16x16xf32, #tpu.memory_space<vmem>>
        %dma_wait3A_435 = arith.constant 9984 : i32
        %dma_wait3A_436 = arith.constant 0 : i32
        %dma_wait3A_437 = tpu.memref_slice %arg30[%dma_wait3A_435, %dma_wait3A_436] : memref<10000x16xf32, #tpu.memory_space<vmem_shared>> -> memref<16x16xf32, #tpu.memory_space<vmem_shared>>
        %dma_wait3A_438 = arith.constant 9984 : i32
        %dma_wait3A_439 = arith.constant 0 : i32
        %dma_wait3A_440 = tpu.memref_slice %arg30[%dma_wait3A_438, %dma_wait3A_439] : memref<10000x16xf32, #tpu.memory_space<vmem_shared>> -> memref<16x16xf32, #tpu.memory_space<vmem_shared>>
        %dma_wait3A_441 = arith.constant 0 : i32
        %dma_wait3A_442 = arith.constant 0 : i32
        %dma_wait3A_443 = tpu.memref_slice %arg28[%dma_wait3A_441, %dma_wait3A_442] : memref<624x16xf32, #tpu.memory_space<vmem>> -> memref<16x16xf32, #tpu.memory_space<vmem>>
        tpu.wait_dma2 semaphore(%run_scoped3A : memref<!tpu.dma_semaphore, #tpu.memory_space<semaphore_mem>>) src(%dma_wait3A_443 : memref<16x16xf32, #tpu.memory_space<vmem>>) dst(%dma_wait3A_440 : memref<16x16xf32, #tpu.memory_space<vmem_shared>>)
        tpu.yield
      }) : () -> ()
    } else {
    }
    %barrier3A = arith.constant 0 : index
    tpu.barrier barrier_id(%barrier3A)
    %mul3A_30 = arith.constant 20000 : i32
    %mul3A_31 = arith.muli %arg1, %mul3A_30 : i32
    "tpu.region"() ({
      %run_scoped3A = tpu.sem_alloc : memref<!tpu.dma_semaphore, #tpu.memory_space<semaphore_mem>>
      %dma_start3A_420 = tpu.memref_slice %arg3[%mul3A_31] : memref<640000xi32, #tpu.memory_space<hbm>> -> memref<256xi32, #tpu.memory_space<hbm>>
      %dma_start3A_421 = tpu.memref_slice %arg3[%mul3A_31] : memref<640000xi32, #tpu.memory_space<hbm>> -> memref<256xi32, #tpu.memory_space<hbm>>
      tpu.enqueue_dma source(%dma_start3A_421 : memref<256xi32, #tpu.memory_space<hbm>>) target(%arg6 : memref<256xi32, #tpu.memory_space<vmem>>) target_semaphore(%run_scoped3A : memref<!tpu.dma_semaphore, #tpu.memory_space<semaphore_mem>>)
      %dma_wait3A_422 = tpu.memref_slice %arg3[%mul3A_31] : memref<640000xi32, #tpu.memory_space<hbm>> -> memref<256xi32, #tpu.memory_space<hbm>>
      %dma_wait3A_423 = tpu.memref_slice %arg3[%mul3A_31] : memref<640000xi32, #tpu.memory_space<hbm>> -> memref<256xi32, #tpu.memory_space<hbm>>
      tpu.wait_dma2 semaphore(%run_scoped3A : memref<!tpu.dma_semaphore, #tpu.memory_space<semaphore_mem>>) src(%dma_wait3A_423 : memref<256xi32, #tpu.memory_space<hbm>>) dst(%arg6 : memref<256xi32, #tpu.memory_space<vmem>>)
      tpu.yield
    }) : () -> ()
    %add3A_32 = arith.constant 320000 : i32
    %add3A_33 = arith.addi %add3A_32, %mul3A_31 : i32
    "tpu.region"() ({
      %run_scoped3A = tpu.sem_alloc : memref<!tpu.dma_semaphore, #tpu.memory_space<semaphore_mem>>
      %dma_start3A_420 = tpu.memref_slice %arg3[%add3A_33] : memref<640000xi32, #tpu.memory_space<hbm>> -> memref<256xi32, #tpu.memory_space<hbm>>
      %dma_start3A_421 = tpu.memref_slice %arg3[%add3A_33] : memref<640000xi32, #tpu.memory_space<hbm>> -> memref<256xi32, #tpu.memory_space<hbm>>
      tpu.enqueue_dma source(%dma_start3A_421 : memref<256xi32, #tpu.memory_space<hbm>>) target(%arg12 : memref<256xi32, #tpu.memory_space<vmem>>) target_semaphore(%run_scoped3A : memref<!tpu.dma_semaphore, #tpu.memory_space<semaphore_mem>>)
      %dma_wait3A_422 = tpu.memref_slice %arg3[%add3A_33] : memref<640000xi32, #tpu.memory_space<hbm>> -> memref<256xi32, #tpu.memory_space<hbm>>
      %dma_wait3A_423 = tpu.memref_slice %arg3[%add3A_33] : memref<640000xi32, #tpu.memory_space<hbm>> -> memref<256xi32, #tpu.memory_space<hbm>>
      tpu.wait_dma2 semaphore(%run_scoped3A : memref<!tpu.dma_semaphore, #tpu.memory_space<semaphore_mem>>) src(%dma_wait3A_423 : memref<256xi32, #tpu.memory_space<hbm>>) dst(%arg12 : memref<256xi32, #tpu.memory_space<vmem>>)
      tpu.yield
    }) : () -> ()
    %get3A = arith.constant 0 : index
    %get3A_34 = tpu.vector_load %arg6[%get3A] {strides = array<i32>} : memref<256xi32, #tpu.memory_space<vmem>>, vector<16xi32>,
    %get3A_35 = vector.shape_cast %get3A_34 : vector<16xi32> to vector<16xi32>
    %add3A_36 = vector.broadcast %mul3A_8 : i32 to vector<16xi32>
    %add3A_37 = arith.addi %get3A_35, %add3A_36 : vector<16xi32>
    %swap3A = arith.constant 0 : index
    %swap3A_38 = tpu.vector_load %arg6[%swap3A] {strides = array<i32>} : memref<256xi32, #tpu.memory_space<vmem>>, vector<16xi32>,
    %swap3A_39 = vector.shape_cast %swap3A_38 : vector<16xi32> to vector<16xi32>
    %swap3A_40 = vector.shape_cast %add3A_37 : vector<16xi32> to vector<16xi32>
    tpu.vector_store %arg6[%swap3A], %swap3A_40 {strides = array<i32>} : memref<256xi32, #tpu.memory_space<vmem>>, vector<16xi32>,
    %get3A_41 = arith.constant 16 : index
    %get3A_42 = tpu.vector_load %arg6[%get3A_41] {strides = array<i32>} : memref<256xi32, #tpu.memory_space<vmem>>, vector<16xi32>,
    %get3A_43 = vector.shape_cast %get3A_42 : vector<16xi32> to vector<16xi32>
    %add3A_44 = vector.broadcast %mul3A_8 : i32 to vector<16xi32>
    %add3A_45 = arith.addi %get3A_43, %add3A_44 : vector<16xi32>
    %swap3A_46 = arith.constant 16 : index
    %swap3A_47 = tpu.vector_load %arg6[%swap3A_46] {strides = array<i32>} : memref<256xi32, #tpu.memory_space<vmem>>, vector<16xi32>,
    %swap3A_48 = vector.shape_cast %swap3A_47 : vector<16xi32> to vector<16xi32>
    %swap3A_49 = vector.shape_cast %add3A_45 : vector<16xi32> to vector<16xi32>
    tpu.vector_store %arg6[%swap3A_46], %swap3A_49 {strides = array<i32>} : memref<256xi32, #tpu.memory_space<vmem>>, vector<16xi32>,
    %get3A_50 = arith.constant 32 : index
    %get3A_51 = tpu.vector_load %arg6[%get3A_50] {strides = array<i32>} : memref<256xi32, #tpu.memory_space<vmem>>, vector<16xi32>,
    %get3A_52 = vector.shape_cast %get3A_51 : vector<16xi32> to vector<16xi32>
    %add3A_53 = vector.broadcast %mul3A_8 : i32 to vector<16xi32>
    %add3A_54 = arith.addi %get3A_52, %add3A_53 : vector<16xi32>
    %swap3A_55 = arith.constant 32 : index
    %swap3A_56 = tpu.vector_load %arg6[%swap3A_55] {strides = array<i32>} : memref<256xi32, #tpu.memory_space<vmem>>, vector<16xi32>,
    %swap3A_57 = vector.shape_cast %swap3A_56 : vector<16xi32> to vector<16xi32>
    %swap3A_58 = vector.shape_cast %add3A_54 : vector<16xi32> to vector<16xi32>
    tpu.vector_store %arg6[%swap3A_55], %swap3A_58 {strides = array<i32>} : memref<256xi32, #tpu.memory_space<vmem>>, vector<16xi32>,
    %get3A_59 = arith.constant 48 : index
    %get3A_60 = tpu.vector_load %arg6[%get3A_59] {strides = array<i32>} : memref<256xi32, #tpu.memory_space<vmem>>, vector<16xi32>,
    %get3A_61 = vector.shape_cast %get3A_60 : vector<16xi32> to vector<16xi32>
    %add3A_62 = vector.broadcast %mul3A_8 : i32 to vector<16xi32>
    %add3A_63 = arith.addi %get3A_61, %add3A_62 : vector<16xi32>
    %swap3A_64 = arith.constant 48 : index
    %swap3A_65 = tpu.vector_load %arg6[%swap3A_64] {strides = array<i32>} : memref<256xi32, #tpu.memory_space<vmem>>, vector<16xi32>,
    %swap3A_66 = vector.shape_cast %swap3A_65 : vector<16xi32> to vector<16xi32>
    %swap3A_67 = vector.shape_cast %add3A_63 : vector<16xi32> to vector<16xi32>
    tpu.vector_store %arg6[%swap3A_64], %swap3A_67 {strides = array<i32>} : memref<256xi32, #tpu.memory_space<vmem>>, vector<16xi32>,
    %get3A_68 = arith.constant 64 : index
    %get3A_69 = tpu.vector_load %arg6[%get3A_68] {strides = array<i32>} : memref<256xi32, #tpu.memory_space<vmem>>, vector<16xi32>,
    %get3A_70 = vector.shape_cast %get3A_69 : vector<16xi32> to vector<16xi32>
    %add3A_71 = vector.broadcast %mul3A_8 : i32 to vector<16xi32>
    %add3A_72 = arith.addi %get3A_70, %add3A_71 : vector<16xi32>
    %swap3A_73 = arith.constant 64 : index
    %swap3A_74 = tpu.vector_load %arg6[%swap3A_73] {strides = array<i32>} : memref<256xi32, #tpu.memory_space<vmem>>, vector<16xi32>,
    %swap3A_75 = vector.shape_cast %swap3A_74 : vector<16xi32> to vector<16xi32>
    %swap3A_76 = vector.shape_cast %add3A_72 : vector<16xi32> to vector<16xi32>
    tpu.vector_store %arg6[%swap3A_73], %swap3A_76 {strides = array<i32>} : memref<256xi32, #tpu.memory_space<vmem>>, vector<16xi32>,
    %get3A_77 = arith.constant 80 : index
    %get3A_78 = tpu.vector_load %arg6[%get3A_77] {strides = array<i32>} : memref<256xi32, #tpu.memory_space<vmem>>, vector<16xi32>,
    %get3A_79 = vector.shape_cast %get3A_78 : vector<16xi32> to vector<16xi32>
    %add3A_80 = vector.broadcast %mul3A_8 : i32 to vector<16xi32>
    %add3A_81 = arith.addi %get3A_79, %add3A_80 : vector<16xi32>
    %swap3A_82 = arith.constant 80 : index
    %swap3A_83 = tpu.vector_load %arg6[%swap3A_82] {strides = array<i32>} : memref<256xi32, #tpu.memory_space<vmem>>, vector<16xi32>,
    %swap3A_84 = vector.shape_cast %swap3A_83 : vector<16xi32> to vector<16xi32>
    %swap3A_85 = vector.shape_cast %add3A_81 : vector<16xi32> to vector<16xi32>
    tpu.vector_store %arg6[%swap3A_82], %swap3A_85 {strides = array<i32>} : memref<256xi32, #tpu.memory_space<vmem>>, vector<16xi32>,
    %get3A_86 = arith.constant 96 : index
    %get3A_87 = tpu.vector_load %arg6[%get3A_86] {strides = array<i32>} : memref<256xi32, #tpu.memory_space<vmem>>, vector<16xi32>,
    %get3A_88 = vector.shape_cast %get3A_87 : vector<16xi32> to vector<16xi32>
    %add3A_89 = vector.broadcast %mul3A_8 : i32 to vector<16xi32>
    %add3A_90 = arith.addi %get3A_88, %add3A_89 : vector<16xi32>
    %swap3A_91 = arith.constant 96 : index
    %swap3A_92 = tpu.vector_load %arg6[%swap3A_91] {strides = array<i32>} : memref<256xi32, #tpu.memory_space<vmem>>, vector<16xi32>,
    %swap3A_93 = vector.shape_cast %swap3A_92 : vector<16xi32> to vector<16xi32>
    %swap3A_94 = vector.shape_cast %add3A_90 : vector<16xi32> to vector<16xi32>
    tpu.vector_store %arg6[%swap3A_91], %swap3A_94 {strides = array<i32>} : memref<256xi32, #tpu.memory_space<vmem>>, vector<16xi32>,
    %get3A_95 = arith.constant 112 : index
    %get3A_96 = tpu.vector_load %arg6[%get3A_95] {strides = array<i32>} : memref<256xi32, #tpu.memory_space<vmem>>, vector<16xi32>,
    %get3A_97 = vector.shape_cast %get3A_96 : vector<16xi32> to vector<16xi32>
    %add3A_98 = vector.broadcast %mul3A_8 : i32 to vector<16xi32>
    %add3A_99 = arith.addi %get3A_97, %add3A_98 : vector<16xi32>
    %swap3A_100 = arith.constant 112 : index
    %swap3A_101 = tpu.vector_load %arg6[%swap3A_100] {strides = array<i32>} : memref<256xi32, #tpu.memory_space<vmem>>, vector<16xi32>,
    %swap3A_102 = vector.shape_cast %swap3A_101 : vector<16xi32> to vector<16xi32>
    %swap3A_103 = vector.shape_cast %add3A_99 : vector<16xi32> to vector<16xi32>
    tpu.vector_store %arg6[%swap3A_100], %swap3A_103 {strides = array<i32>} : memref<256xi32, #tpu.memory_space<vmem>>, vector<16xi32>,
    %get3A_104 = arith.constant 128 : index
    %get3A_105 = tpu.vector_load %arg6[%get3A_104] {strides = array<i32>} : memref<256xi32, #tpu.memory_space<vmem>>, vector<16xi32>,
    %get3A_106 = vector.shape_cast %get3A_105 : vector<16xi32> to vector<16xi32>
    %add3A_107 = vector.broadcast %mul3A_8 : i32 to vector<16xi32>
    %add3A_108 = arith.addi %get3A_106, %add3A_107 : vector<16xi32>
    %swap3A_109 = arith.constant 128 : index
    %swap3A_110 = tpu.vector_load %arg6[%swap3A_109] {strides = array<i32>} : memref<256xi32, #tpu.memory_space<vmem>>, vector<16xi32>,
    %swap3A_111 = vector.shape_cast %swap3A_110 : vector<16xi32> to vector<16xi32>
    %swap3A_112 = vector.shape_cast %add3A_108 : vector<16xi32> to vector<16xi32>
    tpu.vector_store %arg6[%swap3A_109], %swap3A_112 {strides = array<i32>} : memref<256xi32, #tpu.memory_space<vmem>>, vector<16xi32>,
    %get3A_113 = arith.constant 144 : index
    %get3A_114 = tpu.vector_load %arg6[%get3A_113] {strides = array<i32>} : memref<256xi32, #tpu.memory_space<vmem>>, vector<16xi32>,
    %get3A_115 = vector.shape_cast %get3A_114 : vector<16xi32> to vector<16xi32>
    %add3A_116 = vector.broadcast %mul3A_8 : i32 to vector<16xi32>
    %add3A_117 = arith.addi %get3A_115, %add3A_116 : vector<16xi32>
    %swap3A_118 = arith.constant 144 : index
    %swap3A_119 = tpu.vector_load %arg6[%swap3A_118] {strides = array<i32>} : memref<256xi32, #tpu.memory_space<vmem>>, vector<16xi32>,
    %swap3A_120 = vector.shape_cast %swap3A_119 : vector<16xi32> to vector<16xi32>
    %swap3A_121 = vector.shape_cast %add3A_117 : vector<16xi32> to vector<16xi32>
    tpu.vector_store %arg6[%swap3A_118], %swap3A_121 {strides = array<i32>} : memref<256xi32, #tpu.memory_space<vmem>>, vector<16xi32>,
    %get3A_122 = arith.constant 160 : index
    %get3A_123 = tpu.vector_load %arg6[%get3A_122] {strides = array<i32>} : memref<256xi32, #tpu.memory_space<vmem>>, vector<16xi32>,
    %get3A_124 = vector.shape_cast %get3A_123 : vector<16xi32> to vector<16xi32>
    %add3A_125 = vector.broadcast %mul3A_8 : i32 to vector<16xi32>
    %add3A_126 = arith.addi %get3A_124, %add3A_125 : vector<16xi32>
    %swap3A_127 = arith.constant 160 : index
    %swap3A_128 = tpu.vector_load %arg6[%swap3A_127] {strides = array<i32>} : memref<256xi32, #tpu.memory_space<vmem>>, vector<16xi32>,
    %swap3A_129 = vector.shape_cast %swap3A_128 : vector<16xi32> to vector<16xi32>
    %swap3A_130 = vector.shape_cast %add3A_126 : vector<16xi32> to vector<16xi32>
    tpu.vector_store %arg6[%swap3A_127], %swap3A_130 {strides = array<i32>} : memref<256xi32, #tpu.memory_space<vmem>>, vector<16xi32>,
    %get3A_131 = arith.constant 176 : index
    %get3A_132 = tpu.vector_load %arg6[%get3A_131] {strides = array<i32>} : memref<256xi32, #tpu.memory_space<vmem>>, vector<16xi32>,
    %get3A_133 = vector.shape_cast %get3A_132 : vector<16xi32> to vector<16xi32>
    %add3A_134 = vector.broadcast %mul3A_8 : i32 to vector<16xi32>
    %add3A_135 = arith.addi %get3A_133, %add3A_134 : vector<16xi32>
    %swap3A_136 = arith.constant 176 : index
    %swap3A_137 = tpu.vector_load %arg6[%swap3A_136] {strides = array<i32>} : memref<256xi32, #tpu.memory_space<vmem>>, vector<16xi32>,
    %swap3A_138 = vector.shape_cast %swap3A_137 : vector<16xi32> to vector<16xi32>
    %swap3A_139 = vector.shape_cast %add3A_135 : vector<16xi32> to vector<16xi32>
    tpu.vector_store %arg6[%swap3A_136], %swap3A_139 {strides = array<i32>} : memref<256xi32, #tpu.memory_space<vmem>>, vector<16xi32>,
    %get3A_140 = arith.constant 192 : index
    %get3A_141 = tpu.vector_load %arg6[%get3A_140] {strides = array<i32>} : memref<256xi32, #tpu.memory_space<vmem>>, vector<16xi32>,
    %get3A_142 = vector.shape_cast %get3A_141 : vector<16xi32> to vector<16xi32>
    %add3A_143 = vector.broadcast %mul3A_8 : i32 to vector<16xi32>
    %add3A_144 = arith.addi %get3A_142, %add3A_143 : vector<16xi32>
    %swap3A_145 = arith.constant 192 : index
    %swap3A_146 = tpu.vector_load %arg6[%swap3A_145] {strides = array<i32>} : memref<256xi32, #tpu.memory_space<vmem>>, vector<16xi32>,
    %swap3A_147 = vector.shape_cast %swap3A_146 : vector<16xi32> to vector<16xi32>
    %swap3A_148 = vector.shape_cast %add3A_144 : vector<16xi32> to vector<16xi32>
    tpu.vector_store %arg6[%swap3A_145], %swap3A_148 {strides = array<i32>} : memref<256xi32, #tpu.memory_space<vmem>>, vector<16xi32>,
    %get3A_149 = arith.constant 208 : index
    %get3A_150 = tpu.vector_load %arg6[%get3A_149] {strides = array<i32>} : memref<256xi32, #tpu.memory_space<vmem>>, vector<16xi32>,
    %get3A_151 = vector.shape_cast %get3A_150 : vector<16xi32> to vector<16xi32>
    %add3A_152 = vector.broadcast %mul3A_8 : i32 to vector<16xi32>
    %add3A_153 = arith.addi %get3A_151, %add3A_152 : vector<16xi32>
    %swap3A_154 = arith.constant 208 : index
    %swap3A_155 = tpu.vector_load %arg6[%swap3A_154] {strides = array<i32>} : memref<256xi32, #tpu.memory_space<vmem>>, vector<16xi32>,
    %swap3A_156 = vector.shape_cast %swap3A_155 : vector<16xi32> to vector<16xi32>
    %swap3A_157 = vector.shape_cast %add3A_153 : vector<16xi32> to vector<16xi32>
    tpu.vector_store %arg6[%swap3A_154], %swap3A_157 {strides = array<i32>} : memref<256xi32, #tpu.memory_space<vmem>>, vector<16xi32>,
    %get3A_158 = arith.constant 224 : index
    %get3A_159 = tpu.vector_load %arg6[%get3A_158] {strides = array<i32>} : memref<256xi32, #tpu.memory_space<vmem>>, vector<16xi32>,
    %get3A_160 = vector.shape_cast %get3A_159 : vector<16xi32> to vector<16xi32>
    %add3A_161 = vector.broadcast %mul3A_8 : i32 to vector<16xi32>
    %add3A_162 = arith.addi %get3A_160, %add3A_161 : vector<16xi32>
    %swap3A_163 = arith.constant 224 : index
    %swap3A_164 = tpu.vector_load %arg6[%swap3A_163] {strides = array<i32>} : memref<256xi32, #tpu.memory_space<vmem>>, vector<16xi32>,
    %swap3A_165 = vector.shape_cast %swap3A_164 : vector<16xi32> to vector<16xi32>
    %swap3A_166 = vector.shape_cast %add3A_162 : vector<16xi32> to vector<16xi32>
    tpu.vector_store %arg6[%swap3A_163], %swap3A_166 {strides = array<i32>} : memref<256xi32, #tpu.memory_space<vmem>>, vector<16xi32>,
    %get3A_167 = arith.constant 240 : index
    %get3A_168 = tpu.vector_load %arg6[%get3A_167] {strides = array<i32>} : memref<256xi32, #tpu.memory_space<vmem>>, vector<16xi32>,
    %get3A_169 = vector.shape_cast %get3A_168 : vector<16xi32> to vector<16xi32>
    %add3A_170 = vector.broadcast %mul3A_8 : i32 to vector<16xi32>
    %add3A_171 = arith.addi %get3A_169, %add3A_170 : vector<16xi32>
    %swap3A_172 = arith.constant 240 : index
    %swap3A_173 = tpu.vector_load %arg6[%swap3A_172] {strides = array<i32>} : memref<256xi32, #tpu.memory_space<vmem>>, vector<16xi32>,
    %swap3A_174 = vector.shape_cast %swap3A_173 : vector<16xi32> to vector<16xi32>
    %swap3A_175 = vector.shape_cast %add3A_171 : vector<16xi32> to vector<16xi32>
    tpu.vector_store %arg6[%swap3A_172], %swap3A_175 {strides = array<i32>} : memref<256xi32, #tpu.memory_space<vmem>>, vector<16xi32>,
    %dma_start3A = arith.constant 0 : i32
    %dma_start3A_176 = arith.constant 0 : i32
    %dma_start3A_177 = tpu.memref_slice %arg2[%dma_start3A, %dma_start3A_176] : memref<20000x64xbf16, #tpu.memory_space<hbm>> -> memref<20000x64xbf16, #tpu.memory_space<hbm>>
    tpu.enqueue_indirect_dma source(%dma_start3A_177 : memref<20000x64xbf16, #tpu.memory_space<hbm>>) target(%arg18 : memref<256x64xbf16, #tpu.memory_space<vmem>>) offsets(%arg6 : memref<256xi32, #tpu.memory_space<vmem>>) semaphore(%arg37 : memref<!tpu.dma_semaphore, #tpu.memory_space<semaphore_mem>>)
    %add3A_178 = arith.constant 256 : i32
    %add3A_179 = arith.addi %mul3A_31, %add3A_178 : i32
    %dma_start3A_180 = tpu.memref_slice %arg3[%add3A_179] : memref<640000xi32, #tpu.memory_space<hbm>> -> memref<256xi32, #tpu.memory_space<hbm>>
    %dma_start3A_181 = tpu.memref_slice %arg3[%add3A_179] : memref<640000xi32, #tpu.memory_space<hbm>> -> memref<256xi32, #tpu.memory_space<hbm>>
    tpu.enqueue_dma source(%dma_start3A_181 : memref<256xi32, #tpu.memory_space<hbm>>) target(%arg7 : memref<256xi32, #tpu.memory_space<vmem>>) target_semaphore(%arg32 : memref<!tpu.dma_semaphore, #tpu.memory_space<semaphore_mem>>)
    %add3A_182 = arith.constant 320000 : i32
    %add3A_183 = arith.addi %add3A_182, %add3A_179 : i32
    %dma_start3A_184 = tpu.memref_slice %arg3[%add3A_183] : memref<640000xi32, #tpu.memory_space<hbm>> -> memref<256xi32, #tpu.memory_space<hbm>>
    %dma_start3A_185 = tpu.memref_slice %arg3[%add3A_183] : memref<640000xi32, #tpu.memory_space<hbm>> -> memref<256xi32, #tpu.memory_space<hbm>>
    tpu.enqueue_dma source(%dma_start3A_185 : memref<256xi32, #tpu.memory_space<hbm>>) target(%arg13 : memref<256xi32, #tpu.memory_space<vmem>>) target_semaphore(%arg32 : memref<!tpu.dma_semaphore, #tpu.memory_space<semaphore_mem>>)
    %dma_wait3A = arith.constant 0 : i32
    %dma_wait3A_186 = tpu.memref_slice %arg3[%dma_wait3A] : memref<640000xi32, #tpu.memory_space<hbm>> -> memref<256xi32, #tpu.memory_space<hbm>>
    %dma_wait3A_187 = arith.constant 0 : i32
    %dma_wait3A_188 = tpu.memref_slice %arg3[%dma_wait3A_187] : memref<640000xi32, #tpu.memory_space<hbm>> -> memref<256xi32, #tpu.memory_space<hbm>>
    tpu.wait_dma2 semaphore(%arg32 : memref<!tpu.dma_semaphore, #tpu.memory_space<semaphore_mem>>) src(%dma_wait3A_188 : memref<256xi32, #tpu.memory_space<hbm>>) dst(%arg7 : memref<256xi32, #tpu.memory_space<vmem>>)
    %dma_wait3A_189 = arith.constant 0 : i32
    %dma_wait3A_190 = tpu.memref_slice %arg3[%dma_wait3A_189] : memref<640000xi32, #tpu.memory_space<hbm>> -> memref<256xi32, #tpu.memory_space<hbm>>
    %dma_wait3A_191 = arith.constant 0 : i32
    %dma_wait3A_192 = tpu.memref_slice %arg3[%dma_wait3A_191] : memref<640000xi32, #tpu.memory_space<hbm>> -> memref<256xi32, #tpu.memory_space<hbm>>
    tpu.wait_dma2 semaphore(%arg32 : memref<!tpu.dma_semaphore, #tpu.memory_space<semaphore_mem>>) src(%dma_wait3A_192 : memref<256xi32, #tpu.memory_space<hbm>>) dst(%arg13 : memref<256xi32, #tpu.memory_space<vmem>>)
    %get3A_193 = arith.constant 0 : index
    %get3A_194 = tpu.vector_load %arg7[%get3A_193] {strides = array<i32>} : memref<256xi32, #tpu.memory_space<vmem>>, vector<16xi32>,
    %get3A_195 = vector.shape_cast %get3A_194 : vector<16xi32> to vector<16xi32>
    %add3A_196 = vector.broadcast %mul3A_8 : i32 to vector<16xi32>
    %add3A_197 = arith.addi %get3A_195, %add3A_196 : vector<16xi32>
    %swap3A_198 = arith.constant 0 : index
    %swap3A_199 = tpu.vector_load %arg7[%swap3A_198] {strides = array<i32>} : memref<256xi32, #tpu.memory_space<vmem>>, vector<16xi32>,
    %swap3A_200 = vector.shape_cast %swap3A_199 : vector<16xi32> to vector<16xi32>
    %swap3A_201 = vector.shape_cast %add3A_197 : vector<16xi32> to vector<16xi32>
    tpu.vector_store %arg7[%swap3A_198], %swap3A_201 {strides = array<i32>} : memref<256xi32, #tpu.memory_space<vmem>>, vector<16xi32>,
    %get3A_202 = arith.constant 16 : index
    %get3A_203 = tpu.vector_load %arg7[%get3A_202] {strides = array<i32>} : memref<256xi32, #tpu.memory_space<vmem>>, vector<16xi32>,
    %get3A_204 = vector.shape_cast %get3A_203 : vector<16xi32> to vector<16xi32>
    %add3A_205 = vector.broadcast %mul3A_8 : i32 to vector<16xi32>
    %add3A_206 = arith.addi %get3A_204, %add3A_205 : vector<16xi32>
    %swap3A_207 = arith.constant 16 : index
    %swap3A_208 = tpu.vector_load %arg7[%swap3A_207] {strides = array<i32>} : memref<256xi32, #tpu.memory_space<vmem>>, vector<16xi32>,
    %swap3A_209 = vector.shape_cast %swap3A_208 : vector<16xi32> to vector<16xi32>
    %swap3A_210 = vector.shape_cast %add3A_206 : vector<16xi32> to vector<16xi32>
    tpu.vector_store %arg7[%swap3A_207], %swap3A_210 {strides = array<i32>} : memref<256xi32, #tpu.memory_space<vmem>>, vector<16xi32>,
    %get3A_211 = arith.constant 32 : index
    %get3A_212 = tpu.vector_load %arg7[%get3A_211] {strides = array<i32>} : memref<256xi32, #tpu.memory_space<vmem>>, vector<16xi32>,
    %get3A_213 = vector.shape_cast %get3A_212 : vector<16xi32> to vector<16xi32>
    %add3A_214 = vector.broadcast %mul3A_8 : i32 to vector<16xi32>
    %add3A_215 = arith.addi %get3A_213, %add3A_214 : vector<16xi32>
    %swap3A_216 = arith.constant 32 : index
    %swap3A_217 = tpu.vector_load %arg7[%swap3A_216] {strides = array<i32>} : memref<256xi32, #tpu.memory_space<vmem>>, vector<16xi32>,
    %swap3A_218 = vector.shape_cast %swap3A_217 : vector<16xi32> to vector<16xi32>
    %swap3A_219 = vector.shape_cast %add3A_215 : vector<16xi32> to vector<16xi32>
    tpu.vector_store %arg7[%swap3A_216], %swap3A_219 {strides = array<i32>} : memref<256xi32, #tpu.memory_space<vmem>>, vector<16xi32>,
    %get3A_220 = arith.constant 48 : index
    %get3A_221 = tpu.vector_load %arg7[%get3A_220] {strides = array<i32>} : memref<256xi32, #tpu.memory_space<vmem>>, vector<16xi32>,
    %get3A_222 = vector.shape_cast %get3A_221 : vector<16xi32> to vector<16xi32>
    %add3A_223 = vector.broadcast %mul3A_8 : i32 to vector<16xi32>
    %add3A_224 = arith.addi %get3A_222, %add3A_223 : vector<16xi32>
    %swap3A_225 = arith.constant 48 : index
    %swap3A_226 = tpu.vector_load %arg7[%swap3A_225] {strides = array<i32>} : memref<256xi32, #tpu.memory_space<vmem>>, vector<16xi32>,
    %swap3A_227 = vector.shape_cast %swap3A_226 : vector<16xi32> to vector<16xi32>
    %swap3A_228 = vector.shape_cast %add3A_224 : vector<16xi32> to vector<16xi32>
    tpu.vector_store %arg7[%swap3A_225], %swap3A_228 {strides = array<i32>} : memref<256xi32, #tpu.memory_space<vmem>>, vector<16xi32>,
    %get3A_229 = arith.constant 64 : index
    %get3A_230 = tpu.vector_load %arg7[%get3A_229] {strides = array<i32>} : memref<256xi32, #tpu.memory_space<vmem>>, vector<16xi32>,
    %get3A_231 = vector.shape_cast %get3A_230 : vector<16xi32> to vector<16xi32>
    %add3A_232 = vector.broadcast %mul3A_8 : i32 to vector<16xi32>
    %add3A_233 = arith.addi %get3A_231, %add3A_232 : vector<16xi32>
    %swap3A_234 = arith.constant 64 : index
    %swap3A_235 = tpu.vector_load %arg7[%swap3A_234] {strides = array<i32>} : memref<256xi32, #tpu.memory_space<vmem>>, vector<16xi32>,
    %swap3A_236 = vector.shape_cast %swap3A_235 : vector<16xi32> to vector<16xi32>
    %swap3A_237 = vector.shape_cast %add3A_233 : vector<16xi32> to vector<16xi32>
    tpu.vector_store %arg7[%swap3A_234], %swap3A_237 {strides = array<i32>} : memref<256xi32, #tpu.memory_space<vmem>>, vector<16xi32>,
    %get3A_238 = arith.constant 80 : index
    %get3A_239 = tpu.vector_load %arg7[%get3A_238] {strides = array<i32>} : memref<256xi32, #tpu.memory_space<vmem>>, vector<16xi32>,
    %get3A_240 = vector.shape_cast %get3A_239 : vector<16xi32> to vector<16xi32>
    %add3A_241 = vector.broadcast %mul3A_8 : i32 to vector<16xi32>
    %add3A_242 = arith.addi %get3A_240, %add3A_241 : vector<16xi32>
    %swap3A_243 = arith.constant 80 : index
    %swap3A_244 = tpu.vector_load %arg7[%swap3A_243] {strides = array<i32>} : memref<256xi32, #tpu.memory_space<vmem>>, vector<16xi32>,
    %swap3A_245 = vector.shape_cast %swap3A_244 : vector<16xi32> to vector<16xi32>
    %swap3A_246 = vector.shape_cast %add3A_242 : vector<16xi32> to vector<16xi32>
    tpu.vector_store %arg7[%swap3A_243], %swap3A_246 {strides = array<i32>} : memref<256xi32, #tpu.memory_space<vmem>>, vector<16xi32>,
    %get3A_247 = arith.constant 96 : index
    %get3A_248 = tpu.vector_load %arg7[%get3A_247] {strides = array<i32>} : memref<256xi32, #tpu.memory_space<vmem>>, vector<16xi32>,
    %get3A_249 = vector.shape_cast %get3A_248 : vector<16xi32> to vector<16xi32>
    %add3A_250 = vector.broadcast %mul3A_8 : i32 to vector<16xi32>
    %add3A_251 = arith.addi %get3A_249, %add3A_250 : vector<16xi32>
    %swap3A_252 = arith.constant 96 : index
    %swap3A_253 = tpu.vector_load %arg7[%swap3A_252] {strides = array<i32>} : memref<256xi32, #tpu.memory_space<vmem>>, vector<16xi32>,
    %swap3A_254 = vector.shape_cast %swap3A_253 : vector<16xi32> to vector<16xi32>
    %swap3A_255 = vector.shape_cast %add3A_251 : vector<16xi32> to vector<16xi32>
    tpu.vector_store %arg7[%swap3A_252], %swap3A_255 {strides = array<i32>} : memref<256xi32, #tpu.memory_space<vmem>>, vector<16xi32>,
    %get3A_256 = arith.constant 112 : index
    %get3A_257 = tpu.vector_load %arg7[%get3A_256] {strides = array<i32>} : memref<256xi32, #tpu.memory_space<vmem>>, vector<16xi32>,
    %get3A_258 = vector.shape_cast %get3A_257 : vector<16xi32> to vector<16xi32>
    %add3A_259 = vector.broadcast %mul3A_8 : i32 to vector<16xi32>
    %add3A_260 = arith.addi %get3A_258, %add3A_259 : vector<16xi32>
    %swap3A_261 = arith.constant 112 : index
    %swap3A_262 = tpu.vector_load %arg7[%swap3A_261] {strides = array<i32>} : memref<256xi32, #tpu.memory_space<vmem>>, vector<16xi32>,
    %swap3A_263 = vector.shape_cast %swap3A_262 : vector<16xi32> to vector<16xi32>
    %swap3A_264 = vector.shape_cast %add3A_260 : vector<16xi32> to vector<16xi32>
    tpu.vector_store %arg7[%swap3A_261], %swap3A_264 {strides = array<i32>} : memref<256xi32, #tpu.memory_space<vmem>>, vector<16xi32>,
    %get3A_265 = arith.constant 128 : index
    %get3A_266 = tpu.vector_load %arg7[%get3A_265] {strides = array<i32>} : memref<256xi32, #tpu.memory_space<vmem>>, vector<16xi32>,
    %get3A_267 = vector.shape_cast %get3A_266 : vector<16xi32> to vector<16xi32>
    %add3A_268 = vector.broadcast %mul3A_8 : i32 to vector<16xi32>
    %add3A_269 = arith.addi %get3A_267, %add3A_268 : vector<16xi32>
    %swap3A_270 = arith.constant 128 : index
    %swap3A_271 = tpu.vector_load %arg7[%swap3A_270] {strides = array<i32>} : memref<256xi32, #tpu.memory_space<vmem>>, vector<16xi32>,
    %swap3A_272 = vector.shape_cast %swap3A_271 : vector<16xi32> to vector<16xi32>
    %swap3A_273 = vector.shape_cast %add3A_269 : vector<16xi32> to vector<16xi32>
    tpu.vector_store %arg7[%swap3A_270], %swap3A_273 {strides = array<i32>} : memref<256xi32, #tpu.memory_space<vmem>>, vector<16xi32>,
    %get3A_274 = arith.constant 144 : index
    %get3A_275 = tpu.vector_load %arg7[%get3A_274] {strides = array<i32>} : memref<256xi32, #tpu.memory_space<vmem>>, vector<16xi32>,
    %get3A_276 = vector.shape_cast %get3A_275 : vector<16xi32> to vector<16xi32>
    %add3A_277 = vector.broadcast %mul3A_8 : i32 to vector<16xi32>
    %add3A_278 = arith.addi %get3A_276, %add3A_277 : vector<16xi32>
    %swap3A_279 = arith.constant 144 : index
    %swap3A_280 = tpu.vector_load %arg7[%swap3A_279] {strides = array<i32>} : memref<256xi32, #tpu.memory_space<vmem>>, vector<16xi32>,
    %swap3A_281 = vector.shape_cast %swap3A_280 : vector<16xi32> to vector<16xi32>
    %swap3A_282 = vector.shape_cast %add3A_278 : vector<16xi32> to vector<16xi32>
    tpu.vector_store %arg7[%swap3A_279], %swap3A_282 {strides = array<i32>} : memref<256xi32, #tpu.memory_space<vmem>>, vector<16xi32>,
    %get3A_283 = arith.constant 160 : index
    %get3A_284 = tpu.vector_load %arg7[%get3A_283] {strides = array<i32>} : memref<256xi32, #tpu.memory_space<vmem>>, vector<16xi32>,
    %get3A_285 = vector.shape_cast %get3A_284 : vector<16xi32> to vector<16xi32>
    %add3A_286 = vector.broadcast %mul3A_8 : i32 to vector<16xi32>
    %add3A_287 = arith.addi %get3A_285, %add3A_286 : vector<16xi32>
    %swap3A_288 = arith.constant 160 : index
    %swap3A_289 = tpu.vector_load %arg7[%swap3A_288] {strides = array<i32>} : memref<256xi32, #tpu.memory_space<vmem>>, vector<16xi32>,
    %swap3A_290 = vector.shape_cast %swap3A_289 : vector<16xi32> to vector<16xi32>
    %swap3A_291 = vector.shape_cast %add3A_287 : vector<16xi32> to vector<16xi32>
    tpu.vector_store %arg7[%swap3A_288], %swap3A_291 {strides = array<i32>} : memref<256xi32, #tpu.memory_space<vmem>>, vector<16xi32>,
    %get3A_292 = arith.constant 176 : index
    %get3A_293 = tpu.vector_load %arg7[%get3A_292] {strides = array<i32>} : memref<256xi32, #tpu.memory_space<vmem>>, vector<16xi32>,
    %get3A_294 = vector.shape_cast %get3A_293 : vector<16xi32> to vector<16xi32>
    %add3A_295 = vector.broadcast %mul3A_8 : i32 to vector<16xi32>
    %add3A_296 = arith.addi %get3A_294, %add3A_295 : vector<16xi32>
    %swap3A_297 = arith.constant 176 : index
    %swap3A_298 = tpu.vector_load %arg7[%swap3A_297] {strides = array<i32>} : memref<256xi32, #tpu.memory_space<vmem>>, vector<16xi32>,
    %swap3A_299 = vector.shape_cast %swap3A_298 : vector<16xi32> to vector<16xi32>
    %swap3A_300 = vector.shape_cast %add3A_296 : vector<16xi32> to vector<16xi32>
    tpu.vector_store %arg7[%swap3A_297], %swap3A_300 {strides = array<i32>} : memref<256xi32, #tpu.memory_space<vmem>>, vector<16xi32>,
    %get3A_301 = arith.constant 192 : index
    %get3A_302 = tpu.vector_load %arg7[%get3A_301] {strides = array<i32>} : memref<256xi32, #tpu.memory_space<vmem>>, vector<16xi32>,
    %get3A_303 = vector.shape_cast %get3A_302 : vector<16xi32> to vector<16xi32>
    %add3A_304 = vector.broadcast %mul3A_8 : i32 to vector<16xi32>
    %add3A_305 = arith.addi %get3A_303, %add3A_304 : vector<16xi32>
    %swap3A_306 = arith.constant 192 : index
    %swap3A_307 = tpu.vector_load %arg7[%swap3A_306] {strides = array<i32>} : memref<256xi32, #tpu.memory_space<vmem>>, vector<16xi32>,
    %swap3A_308 = vector.shape_cast %swap3A_307 : vector<16xi32> to vector<16xi32>
    %swap3A_309 = vector.shape_cast %add3A_305 : vector<16xi32> to vector<16xi32>
    tpu.vector_store %arg7[%swap3A_306], %swap3A_309 {strides = array<i32>} : memref<256xi32, #tpu.memory_space<vmem>>, vector<16xi32>,
    %get3A_310 = arith.constant 208 : index
    %get3A_311 = tpu.vector_load %arg7[%get3A_310] {strides = array<i32>} : memref<256xi32, #tpu.memory_space<vmem>>, vector<16xi32>,
    %get3A_312 = vector.shape_cast %get3A_311 : vector<16xi32> to vector<16xi32>
    %add3A_313 = vector.broadcast %mul3A_8 : i32 to vector<16xi32>
    %add3A_314 = arith.addi %get3A_312, %add3A_313 : vector<16xi32>
    %swap3A_315 = arith.constant 208 : index
    %swap3A_316 = tpu.vector_load %arg7[%swap3A_315] {strides = array<i32>} : memref<256xi32, #tpu.memory_space<vmem>>, vector<16xi32>,
    %swap3A_317 = vector.shape_cast %swap3A_316 : vector<16xi32> to vector<16xi32>
    %swap3A_318 = vector.shape_cast %add3A_314 : vector<16xi32> to vector<16xi32>
    tpu.vector_store %arg7[%swap3A_315], %swap3A_318 {strides = array<i32>} : memref<256xi32, #tpu.memory_space<vmem>>, vector<16xi32>,
    %get3A_319 = arith.constant 224 : index
    %get3A_320 = tpu.vector_load %arg7[%get3A_319] {strides = array<i32>} : memref<256xi32, #tpu.memory_space<vmem>>, vector<16xi32>,
    %get3A_321 = vector.shape_cast %get3A_320 : vector<16xi32> to vector<16xi32>
    %add3A_322 = vector.broadcast %mul3A_8 : i32 to vector<16xi32>
    %add3A_323 = arith.addi %get3A_321, %add3A_322 : vector<16xi32>
    %swap3A_324 = arith.constant 224 : index
    %swap3A_325 = tpu.vector_load %arg7[%swap3A_324] {strides = array<i32>} : memref<256xi32, #tpu.memory_space<vmem>>, vector<16xi32>,
    %swap3A_326 = vector.shape_cast %swap3A_325 : vector<16xi32> to vector<16xi32>
    %swap3A_327 = vector.shape_cast %add3A_323 : vector<16xi32> to vector<16xi32>
    tpu.vector_store %arg7[%swap3A_324], %swap3A_327 {strides = array<i32>} : memref<256xi32, #tpu.memory_space<vmem>>, vector<16xi32>,
    %get3A_328 = arith.constant 240 : index
    %get3A_329 = tpu.vector_load %arg7[%get3A_328] {strides = array<i32>} : memref<256xi32, #tpu.memory_space<vmem>>, vector<16xi32>,
    %get3A_330 = vector.shape_cast %get3A_329 : vector<16xi32> to vector<16xi32>
    %add3A_331 = vector.broadcast %mul3A_8 : i32 to vector<16xi32>
    %add3A_332 = arith.addi %get3A_330, %add3A_331 : vector<16xi32>
    %swap3A_333 = arith.constant 240 : index
    %swap3A_334 = tpu.vector_load %arg7[%swap3A_333] {strides = array<i32>} : memref<256xi32, #tpu.memory_space<vmem>>, vector<16xi32>,
    %swap3A_335 = vector.shape_cast %swap3A_334 : vector<16xi32> to vector<16xi32>
    %swap3A_336 = vector.shape_cast %add3A_332 : vector<16xi32> to vector<16xi32>
    tpu.vector_store %arg7[%swap3A_333], %swap3A_336 {strides = array<i32>} : memref<256xi32, #tpu.memory_space<vmem>>, vector<16xi32>,
    %dma_start3A_337 = arith.constant 0 : i32
    %dma_start3A_338 = arith.constant 0 : i32
    %dma_start3A_339 = tpu.memref_slice %arg2[%dma_start3A_337, %dma_start3A_338] : memref<20000x64xbf16, #tpu.memory_space<hbm>> -> memref<20000x64xbf16, #tpu.memory_space<hbm>>
    tpu.enqueue_indirect_dma source(%dma_start3A_339 : memref<20000x64xbf16, #tpu.memory_space<hbm>>) target(%arg19 : memref<256x64xbf16, #tpu.memory_space<vmem>>) offsets(%arg7 : memref<256xi32, #tpu.memory_space<vmem>>) semaphore(%arg38 : memref<!tpu.dma_semaphore, #tpu.memory_space<semaphore_mem>>)
    %add3A_340 = arith.constant 512 : i32
    %add3A_341 = arith.addi %mul3A_31, %add3A_340 : i32
    %dma_start3A_342 = tpu.memref_slice %arg3[%add3A_341] : memref<640000xi32, #tpu.memory_space<hbm>> -> memref<256xi32, #tpu.memory_space<hbm>>
    %dma_start3A_343 = tpu.memref_slice %arg3[%add3A_341] : memref<640000xi32, #tpu.memory_space<hbm>> -> memref<256xi32, #tpu.memory_space<hbm>>
    tpu.enqueue_dma source(%dma_start3A_343 : memref<256xi32, #tpu.memory_space<hbm>>) target(%arg8 : memref<256xi32, #tpu.memory_space<vmem>>) target_semaphore(%arg33 : memref<!tpu.dma_semaphore, #tpu.memory_space<semaphore_mem>>)
    %add3A_344 = arith.constant 320000 : i32
    %add3A_345 = arith.addi %add3A_344, %add3A_341 : i32
    %dma_start3A_346 = tpu.memref_slice %arg3[%add3A_345] : memref<640000xi32, #tpu.memory_space<hbm>> -> memref<256xi32, #tpu.memory_space<hbm>>
    %dma_start3A_347 = tpu.memref_slice %arg3[%add3A_345] : memref<640000xi32, #tpu.memory_space<hbm>> -> memref<256xi32, #tpu.memory_space<hbm>>
    tpu.enqueue_dma source(%dma_start3A_347 : memref<256xi32, #tpu.memory_space<hbm>>) target(%arg14 : memref<256xi32, #tpu.memory_space<vmem>>) target_semaphore(%arg33 : memref<!tpu.dma_semaphore, #tpu.memory_space<semaphore_mem>>)
    %scan3A_348 = arith.constant 0 : i32
    %scan3A_349 = arith.constant 0 : i32
    %scan3A_350 = arith.constant 13 : i32
    %scan3A_351 = arith.addi %scan3A_349, %scan3A_350 : i32
    %scan3A_352 = arith.constant 1 : i32
    scf.for %scan3A_420 = %scan3A_349 to %scan3A_351 step %scan3A_352  : i32 {
      %mul3A_421 = arith.constant 6 : i32
      %mul3A_422 = arith.muli %scan3A_420, %mul3A_421 : i32
      %add3A_423 = arith.constant 0 : i32
      %add3A_424 = arith.addi %mul3A_422, %add3A_423 : i32
      %ge3A = arith.constant 3 : i32
      %ge3A_425 = arith.cmpi sge, %add3A_424, %ge3A : i32
      %convert_element_type3A_426 = arith.extui %ge3A_425 : i1 to i32
      %cond3A_427 = arith.constant 0 : i32
      %cond3A_428 = arith.cmpi ne, %convert_element_type3A_426, %cond3A_427 : i32
      scf.if %cond3A_428 {
        %dma_wait3A_623 = arith.constant 0 : i32
        %dma_wait3A_624 = arith.constant 0 : i32
        %dma_wait3A_625 = tpu.memref_slice %arg29[%dma_wait3A_623, %dma_wait3A_624] : memref<10000x64xbf16, #tpu.memory_space<vmem_shared>> -> memref<10000x64xbf16, #tpu.memory_space<vmem_shared>>
        tpu.wait_indirect_dma semaphore(%arg46 : memref<!tpu.dma_semaphore, #tpu.memory_space<semaphore_mem>>) src(%arg21 : memref<256x64xbf16, #tpu.memory_space<vmem>>) dst(%dma_wait3A_625 : memref<10000x64xbf16, #tpu.memory_space<vmem_shared>>)
        %eq3A_626 = arith.constant 1 : i32
        %eq3A_627 = arith.cmpi eq, %arg0, %eq3A_626 : i32
        %convert_element_type3A_628 = arith.extui %eq3A_627 : i1 to i32
        %cond3A_629 = arith.constant 0 : i32
        %cond3A_630 = arith.cmpi ne, %convert_element_type3A_628, %cond3A_629 : i32
        scf.if %cond3A_630 {
          %dma_wait3A_631 = arith.constant 0 : i32
          %dma_wait3A_632 = arith.constant 0 : i32
          %dma_wait3A_633 = tpu.memref_slice %arg30[%dma_wait3A_631, %dma_wait3A_632] : memref<10000x16xf32, #tpu.memory_space<vmem_shared>> -> memref<10000x16xf32, #tpu.memory_space<vmem_shared>>
          tpu.wait_indirect_dma semaphore(%arg52 : memref<!tpu.dma_semaphore, #tpu.memory_space<semaphore_mem>>) src(%arg27 : memref<256x16xf32, #tpu.memory_space<vmem>>) dst(%dma_wait3A_633 : memref<10000x16xf32, #tpu.memory_space<vmem_shared>>)
        } else {
        }
      } else {
      }
      %add3A_429 = arith.constant 3 : i32
      %add3A_430 = arith.addi %add3A_424, %add3A_429 : i32
      %lt3A = arith.constant 78 : i32
      %lt3A_431 = arith.cmpi slt, %add3A_430, %lt3A : i32
      %convert_element_type3A_432 = arith.extui %lt3A_431 : i1 to i32
      %cond3A_433 = arith.constant 0 : i32
      %cond3A_434 = arith.cmpi ne, %convert_element_type3A_432, %cond3A_433 : i32
      scf.if %cond3A_434 {
        %add3A_623 = arith.constant 3 : i32
        %add3A_624 = arith.addi %add3A_424, %add3A_623 : i32
        %mul3A_625 = arith.constant 256 : i32
        %mul3A_626 = arith.muli %add3A_624, %mul3A_625 : i32
        %add3A_627 = arith.addi %mul3A_31, %mul3A_626 : i32
        %dma_start3A_628 = tpu.memref_slice %arg3[%add3A_627] : memref<640000xi32, #tpu.memory_space<hbm>> -> memref<256xi32, #tpu.memory_space<hbm>>
        %dma_start3A_629 = tpu.memref_slice %arg3[%add3A_627] : memref<640000xi32, #tpu.memory_space<hbm>> -> memref<256xi32, #tpu.memory_space<hbm>>
        tpu.enqueue_dma source(%dma_start3A_629 : memref<256xi32, #tpu.memory_space<hbm>>) target(%arg9 : memref<256xi32, #tpu.memory_space<vmem>>) target_semaphore(%arg34 : memref<!tpu.dma_semaphore, #tpu.memory_space<semaphore_mem>>)
        %add3A_630 = arith.constant 320000 : i32
        %add3A_631 = arith.addi %add3A_630, %add3A_627 : i32
        %dma_start3A_632 = tpu.memref_slice %arg3[%add3A_631] : memref<640000xi32, #tpu.memory_space<hbm>> -> memref<256xi32, #tpu.memory_space<hbm>>
        %dma_start3A_633 = tpu.memref_slice %arg3[%add3A_631] : memref<640000xi32, #tpu.memory_space<hbm>> -> memref<256xi32, #tpu.memory_space<hbm>>
        tpu.enqueue_dma source(%dma_start3A_633 : memref<256xi32, #tpu.memory_space<hbm>>) target(%arg15 : memref<256xi32, #tpu.memory_space<vmem>>) target_semaphore(%arg34 : memref<!tpu.dma_semaphore, #tpu.memory_space<semaphore_mem>>)
      } else {
      }
      %add3A_435 = arith.constant 2 : i32
      %add3A_436 = arith.addi %add3A_424, %add3A_435 : i32
      %lt3A_437 = arith.constant 78 : i32
      %lt3A_438 = arith.cmpi slt, %add3A_436, %lt3A_437 : i32
      %convert_element_type3A_439 = arith.extui %lt3A_438 : i1 to i32
      %cond3A_440 = arith.constant 0 : i32
      %cond3A_441 = arith.cmpi ne, %convert_element_type3A_439, %cond3A_440 : i32
      scf.if %cond3A_441 {
        %dma_wait3A_623 = arith.constant 0 : i32
        %dma_wait3A_624 = tpu.memref_slice %arg3[%dma_wait3A_623] : memref<640000xi32, #tpu.memory_space<hbm>> -> memref<256xi32, #tpu.memory_space<hbm>>
        %dma_wait3A_625 = arith.constant 0 : i32
        %dma_wait3A_626 = tpu.memref_slice %arg3[%dma_wait3A_625] : memref<640000xi32, #tpu.memory_space<hbm>> -> memref<256xi32, #tpu.memory_space<hbm>>
        tpu.wait_dma2 semaphore(%arg33 : memref<!tpu.dma_semaphore, #tpu.memory_space<semaphore_mem>>) src(%dma_wait3A_626 : memref<256xi32, #tpu.memory_space<hbm>>) dst(%arg8 : memref<256xi32, #tpu.memory_space<vmem>>)
        %dma_wait3A_627 = arith.constant 0 : i32
        %dma_wait3A_628 = tpu.memref_slice %arg3[%dma_wait3A_627] : memref<640000xi32, #tpu.memory_space<hbm>> -> memref<256xi32, #tpu.memory_space<hbm>>
        %dma_wait3A_629 = arith.constant 0 : i32
        %dma_wait3A_630 = tpu.memref_slice %arg3[%dma_wait3A_629] : memref<640000xi32, #tpu.memory_space<hbm>> -> memref<256xi32, #tpu.memory_space<hbm>>
        tpu.wait_dma2 semaphore(%arg33 : memref<!tpu.dma_semaphore, #tpu.memory_space<semaphore_mem>>) src(%dma_wait3A_630 : memref<256xi32, #tpu.memory_space<hbm>>) dst(%arg14 : memref<256xi32, #tpu.memory_space<vmem>>)
        %get3A_631 = arith.constant 0 : index
        %get3A_632 = tpu.vector_load %arg8[%get3A_631] {strides = array<i32>} : memref<256xi32, #tpu.memory_space<vmem>>, vector<16xi32>,
        %get3A_633 = vector.shape_cast %get3A_632 : vector<16xi32> to vector<16xi32>
        %add3A_634 = vector.broadcast %mul3A_8 : i32 to vector<16xi32>
        %add3A_635 = arith.addi %get3A_633, %add3A_634 : vector<16xi32>
        %swap3A_636 = arith.constant 0 : index
        %swap3A_637 = tpu.vector_load %arg8[%swap3A_636] {strides = array<i32>} : memref<256xi32, #tpu.memory_space<vmem>>, vector<16xi32>,
        %swap3A_638 = vector.shape_cast %swap3A_637 : vector<16xi32> to vector<16xi32>
        %swap3A_639 = vector.shape_cast %add3A_635 : vector<16xi32> to vector<16xi32>
        tpu.vector_store %arg8[%swap3A_636], %swap3A_639 {strides = array<i32>} : memref<256xi32, #tpu.memory_space<vmem>>, vector<16xi32>,
        %get3A_640 = arith.constant 16 : index
        %get3A_641 = tpu.vector_load %arg8[%get3A_640] {strides = array<i32>} : memref<256xi32, #tpu.memory_space<vmem>>, vector<16xi32>,
        %get3A_642 = vector.shape_cast %get3A_641 : vector<16xi32> to vector<16xi32>
        %add3A_643 = vector.broadcast %mul3A_8 : i32 to vector<16xi32>
        %add3A_644 = arith.addi %get3A_642, %add3A_643 : vector<16xi32>
        %swap3A_645 = arith.constant 16 : index
        %swap3A_646 = tpu.vector_load %arg8[%swap3A_645] {strides = array<i32>} : memref<256xi32, #tpu.memory_space<vmem>>, vector<16xi32>,
        %swap3A_647 = vector.shape_cast %swap3A_646 : vector<16xi32> to vector<16xi32>
        %swap3A_648 = vector.shape_cast %add3A_644 : vector<16xi32> to vector<16xi32>
        tpu.vector_store %arg8[%swap3A_645], %swap3A_648 {strides = array<i32>} : memref<256xi32, #tpu.memory_space<vmem>>, vector<16xi32>,
        %get3A_649 = arith.constant 32 : index
        %get3A_650 = tpu.vector_load %arg8[%get3A_649] {strides = array<i32>} : memref<256xi32, #tpu.memory_space<vmem>>, vector<16xi32>,
        %get3A_651 = vector.shape_cast %get3A_650 : vector<16xi32> to vector<16xi32>
        %add3A_652 = vector.broadcast %mul3A_8 : i32 to vector<16xi32>
        %add3A_653 = arith.addi %get3A_651, %add3A_652 : vector<16xi32>
        %swap3A_654 = arith.constant 32 : index
        %swap3A_655 = tpu.vector_load %arg8[%swap3A_654] {strides = array<i32>} : memref<256xi32, #tpu.memory_space<vmem>>, vector<16xi32>,
        %swap3A_656 = vector.shape_cast %swap3A_655 : vector<16xi32> to vector<16xi32>
        %swap3A_657 = vector.shape_cast %add3A_653 : vector<16xi32> to vector<16xi32>
        tpu.vector_store %arg8[%swap3A_654], %swap3A_657 {strides = array<i32>} : memref<256xi32, #tpu.memory_space<vmem>>, vector<16xi32>,
        %get3A_658 = arith.constant 48 : index
        %get3A_659 = tpu.vector_load %arg8[%get3A_658] {strides = array<i32>} : memref<256xi32, #tpu.memory_space<vmem>>, vector<16xi32>,
        %get3A_660 = vector.shape_cast %get3A_659 : vector<16xi32> to vector<16xi32>
        %add3A_661 = vector.broadcast %mul3A_8 : i32 to vector<16xi32>
        %add3A_662 = arith.addi %get3A_660, %add3A_661 : vector<16xi32>
        %swap3A_663 = arith.constant 48 : index
        %swap3A_664 = tpu.vector_load %arg8[%swap3A_663] {strides = array<i32>} : memref<256xi32, #tpu.memory_space<vmem>>, vector<16xi32>,
        %swap3A_665 = vector.shape_cast %swap3A_664 : vector<16xi32> to vector<16xi32>
        %swap3A_666 = vector.shape_cast %add3A_662 : vector<16xi32> to vector<16xi32>
        tpu.vector_store %arg8[%swap3A_663], %swap3A_666 {strides = array<i32>} : memref<256xi32, #tpu.memory_space<vmem>>, vector<16xi32>,
        %get3A_667 = arith.constant 64 : index
        %get3A_668 = tpu.vector_load %arg8[%get3A_667] {strides = array<i32>} : memref<256xi32, #tpu.memory_space<vmem>>, vector<16xi32>,
        %get3A_669 = vector.shape_cast %get3A_668 : vector<16xi32> to vector<16xi32>
        %add3A_670 = vector.broadcast %mul3A_8 : i32 to vector<16xi32>
        %add3A_671 = arith.addi %get3A_669, %add3A_670 : vector<16xi32>
        %swap3A_672 = arith.constant 64 : index
        %swap3A_673 = tpu.vector_load %arg8[%swap3A_672] {strides = array<i32>} : memref<256xi32, #tpu.memory_space<vmem>>, vector<16xi32>,
        %swap3A_674 = vector.shape_cast %swap3A_673 : vector<16xi32> to vector<16xi32>
        %swap3A_675 = vector.shape_cast %add3A_671 : vector<16xi32> to vector<16xi32>
        tpu.vector_store %arg8[%swap3A_672], %swap3A_675 {strides = array<i32>} : memref<256xi32, #tpu.memory_space<vmem>>, vector<16xi32>,
        %get3A_676 = arith.constant 80 : index
        %get3A_677 = tpu.vector_load %arg8[%get3A_676] {strides = array<i32>} : memref<256xi32, #tpu.memory_space<vmem>>, vector<16xi32>,
        %get3A_678 = vector.shape_cast %get3A_677 : vector<16xi32> to vector<16xi32>
        %add3A_679 = vector.broadcast %mul3A_8 : i32 to vector<16xi32>
        %add3A_680 = arith.addi %get3A_678, %add3A_679 : vector<16xi32>
        %swap3A_681 = arith.constant 80 : index
        %swap3A_682 = tpu.vector_load %arg8[%swap3A_681] {strides = array<i32>} : memref<256xi32, #tpu.memory_space<vmem>>, vector<16xi32>,
        %swap3A_683 = vector.shape_cast %swap3A_682 : vector<16xi32> to vector<16xi32>
        %swap3A_684 = vector.shape_cast %add3A_680 : vector<16xi32> to vector<16xi32>
        tpu.vector_store %arg8[%swap3A_681], %swap3A_684 {strides = array<i32>} : memref<256xi32, #tpu.memory_space<vmem>>, vector<16xi32>,
        %get3A_685 = arith.constant 96 : index
        %get3A_686 = tpu.vector_load %arg8[%get3A_685] {strides = array<i32>} : memref<256xi32, #tpu.memory_space<vmem>>, vector<16xi32>,
        %get3A_687 = vector.shape_cast %get3A_686 : vector<16xi32> to vector<16xi32>
        %add3A_688 = vector.broadcast %mul3A_8 : i32 to vector<16xi32>
        %add3A_689 = arith.addi %get3A_687, %add3A_688 : vector<16xi32>
        %swap3A_690 = arith.constant 96 : index
        %swap3A_691 = tpu.vector_load %arg8[%swap3A_690] {strides = array<i32>} : memref<256xi32, #tpu.memory_space<vmem>>, vector<16xi32>,
        %swap3A_692 = vector.shape_cast %swap3A_691 : vector<16xi32> to vector<16xi32>
        %swap3A_693 = vector.shape_cast %add3A_689 : vector<16xi32> to vector<16xi32>
        tpu.vector_store %arg8[%swap3A_690], %swap3A_693 {strides = array<i32>} : memref<256xi32, #tpu.memory_space<vmem>>, vector<16xi32>,
        %get3A_694 = arith.constant 112 : index
        %get3A_695 = tpu.vector_load %arg8[%get3A_694] {strides = array<i32>} : memref<256xi32, #tpu.memory_space<vmem>>, vector<16xi32>,
        %get3A_696 = vector.shape_cast %get3A_695 : vector<16xi32> to vector<16xi32>
        %add3A_697 = vector.broadcast %mul3A_8 : i32 to vector<16xi32>
        %add3A_698 = arith.addi %get3A_696, %add3A_697 : vector<16xi32>
        %swap3A_699 = arith.constant 112 : index
        %swap3A_700 = tpu.vector_load %arg8[%swap3A_699] {strides = array<i32>} : memref<256xi32, #tpu.memory_space<vmem>>, vector<16xi32>,
        %swap3A_701 = vector.shape_cast %swap3A_700 : vector<16xi32> to vector<16xi32>
        %swap3A_702 = vector.shape_cast %add3A_698 : vector<16xi32> to vector<16xi32>
        tpu.vector_store %arg8[%swap3A_699], %swap3A_702 {strides = array<i32>} : memref<256xi32, #tpu.memory_space<vmem>>, vector<16xi32>,
        %get3A_703 = arith.constant 128 : index
        %get3A_704 = tpu.vector_load %arg8[%get3A_703] {strides = array<i32>} : memref<256xi32, #tpu.memory_space<vmem>>, vector<16xi32>,
        %get3A_705 = vector.shape_cast %get3A_704 : vector<16xi32> to vector<16xi32>
        %add3A_706 = vector.broadcast %mul3A_8 : i32 to vector<16xi32>
        %add3A_707 = arith.addi %get3A_705, %add3A_706 : vector<16xi32>
        %swap3A_708 = arith.constant 128 : index
        %swap3A_709 = tpu.vector_load %arg8[%swap3A_708] {strides = array<i32>} : memref<256xi32, #tpu.memory_space<vmem>>, vector<16xi32>,
        %swap3A_710 = vector.shape_cast %swap3A_709 : vector<16xi32> to vector<16xi32>
        %swap3A_711 = vector.shape_cast %add3A_707 : vector<16xi32> to vector<16xi32>
        tpu.vector_store %arg8[%swap3A_708], %swap3A_711 {strides = array<i32>} : memref<256xi32, #tpu.memory_space<vmem>>, vector<16xi32>,
        %get3A_712 = arith.constant 144 : index
        %get3A_713 = tpu.vector_load %arg8[%get3A_712] {strides = array<i32>} : memref<256xi32, #tpu.memory_space<vmem>>, vector<16xi32>,
        %get3A_714 = vector.shape_cast %get3A_713 : vector<16xi32> to vector<16xi32>
        %add3A_715 = vector.broadcast %mul3A_8 : i32 to vector<16xi32>
        %add3A_716 = arith.addi %get3A_714, %add3A_715 : vector<16xi32>
        %swap3A_717 = arith.constant 144 : index
        %swap3A_718 = tpu.vector_load %arg8[%swap3A_717] {strides = array<i32>} : memref<256xi32, #tpu.memory_space<vmem>>, vector<16xi32>,
        %swap3A_719 = vector.shape_cast %swap3A_718 : vector<16xi32> to vector<16xi32>
        %swap3A_720 = vector.shape_cast %add3A_716 : vector<16xi32> to vector<16xi32>
        tpu.vector_store %arg8[%swap3A_717], %swap3A_720 {strides = array<i32>} : memref<256xi32, #tpu.memory_space<vmem>>, vector<16xi32>,
        %get3A_721 = arith.constant 160 : index
        %get3A_722 = tpu.vector_load %arg8[%get3A_721] {strides = array<i32>} : memref<256xi32, #tpu.memory_space<vmem>>, vector<16xi32>,
        %get3A_723 = vector.shape_cast %get3A_722 : vector<16xi32> to vector<16xi32>
        %add3A_724 = vector.broadcast %mul3A_8 : i32 to vector<16xi32>
        %add3A_725 = arith.addi %get3A_723, %add3A_724 : vector<16xi32>
        %swap3A_726 = arith.constant 160 : index
        %swap3A_727 = tpu.vector_load %arg8[%swap3A_726] {strides = array<i32>} : memref<256xi32, #tpu.memory_space<vmem>>, vector<16xi32>,
        %swap3A_728 = vector.shape_cast %swap3A_727 : vector<16xi32> to vector<16xi32>
        %swap3A_729 = vector.shape_cast %add3A_725 : vector<16xi32> to vector<16xi32>
        tpu.vector_store %arg8[%swap3A_726], %swap3A_729 {strides = array<i32>} : memref<256xi32, #tpu.memory_space<vmem>>, vector<16xi32>,
        %get3A_730 = arith.constant 176 : index
        %get3A_731 = tpu.vector_load %arg8[%get3A_730] {strides = array<i32>} : memref<256xi32, #tpu.memory_space<vmem>>, vector<16xi32>,
        %get3A_732 = vector.shape_cast %get3A_731 : vector<16xi32> to vector<16xi32>
        %add3A_733 = vector.broadcast %mul3A_8 : i32 to vector<16xi32>
        %add3A_734 = arith.addi %get3A_732, %add3A_733 : vector<16xi32>
        %swap3A_735 = arith.constant 176 : index
        %swap3A_736 = tpu.vector_load %arg8[%swap3A_735] {strides = array<i32>} : memref<256xi32, #tpu.memory_space<vmem>>, vector<16xi32>,
        %swap3A_737 = vector.shape_cast %swap3A_736 : vector<16xi32> to vector<16xi32>
        %swap3A_738 = vector.shape_cast %add3A_734 : vector<16xi32> to vector<16xi32>
        tpu.vector_store %arg8[%swap3A_735], %swap3A_738 {strides = array<i32>} : memref<256xi32, #tpu.memory_space<vmem>>, vector<16xi32>,
        %get3A_739 = arith.constant 192 : index
        %get3A_740 = tpu.vector_load %arg8[%get3A_739] {strides = array<i32>} : memref<256xi32, #tpu.memory_space<vmem>>, vector<16xi32>,
        %get3A_741 = vector.shape_cast %get3A_740 : vector<16xi32> to vector<16xi32>
        %add3A_742 = vector.broadcast %mul3A_8 : i32 to vector<16xi32>
        %add3A_743 = arith.addi %get3A_741, %add3A_742 : vector<16xi32>
        %swap3A_744 = arith.constant 192 : index
        %swap3A_745 = tpu.vector_load %arg8[%swap3A_744] {strides = array<i32>} : memref<256xi32, #tpu.memory_space<vmem>>, vector<16xi32>,
        %swap3A_746 = vector.shape_cast %swap3A_745 : vector<16xi32> to vector<16xi32>
        %swap3A_747 = vector.shape_cast %add3A_743 : vector<16xi32> to vector<16xi32>
        tpu.vector_store %arg8[%swap3A_744], %swap3A_747 {strides = array<i32>} : memref<256xi32, #tpu.memory_space<vmem>>, vector<16xi32>,
        %get3A_748 = arith.constant 208 : index
        %get3A_749 = tpu.vector_load %arg8[%get3A_748] {strides = array<i32>} : memref<256xi32, #tpu.memory_space<vmem>>, vector<16xi32>,
        %get3A_750 = vector.shape_cast %get3A_749 : vector<16xi32> to vector<16xi32>
        %add3A_751 = vector.broadcast %mul3A_8 : i32 to vector<16xi32>
        %add3A_752 = arith.addi %get3A_750, %add3A_751 : vector<16xi32>
        %swap3A_753 = arith.constant 208 : index
        %swap3A_754 = tpu.vector_load %arg8[%swap3A_753] {strides = array<i32>} : memref<256xi32, #tpu.memory_space<vmem>>, vector<16xi32>,
        %swap3A_755 = vector.shape_cast %swap3A_754 : vector<16xi32> to vector<16xi32>
        %swap3A_756 = vector.shape_cast %add3A_752 : vector<16xi32> to vector<16xi32>
        tpu.vector_store %arg8[%swap3A_753], %swap3A_756 {strides = array<i32>} : memref<256xi32, #tpu.memory_space<vmem>>, vector<16xi32>,
        %get3A_757 = arith.constant 224 : index
        %get3A_758 = tpu.vector_load %arg8[%get3A_757] {strides = array<i32>} : memref<256xi32, #tpu.memory_space<vmem>>, vector<16xi32>,
        %get3A_759 = vector.shape_cast %get3A_758 : vector<16xi32> to vector<16xi32>
        %add3A_760 = vector.broadcast %mul3A_8 : i32 to vector<16xi32>
        %add3A_761 = arith.addi %get3A_759, %add3A_760 : vector<16xi32>
        %swap3A_762 = arith.constant 224 : index
        %swap3A_763 = tpu.vector_load %arg8[%swap3A_762] {strides = array<i32>} : memref<256xi32, #tpu.memory_space<vmem>>, vector<16xi32>,
        %swap3A_764 = vector.shape_cast %swap3A_763 : vector<16xi32> to vector<16xi32>
        %swap3A_765 = vector.shape_cast %add3A_761 : vector<16xi32> to vector<16xi32>
        tpu.vector_store %arg8[%swap3A_762], %swap3A_765 {strides = array<i32>} : memref<256xi32, #tpu.memory_space<vmem>>, vector<16xi32>,
        %get3A_766 = arith.constant 240 : index
        %get3A_767 = tpu.vector_load %arg8[%get3A_766] {strides = array<i32>} : memref<256xi32, #tpu.memory_space<vmem>>, vector<16xi32>,
        %get3A_768 = vector.shape_cast %get3A_767 : vector<16xi32> to vector<16xi32>
        %add3A_769 = vector.broadcast %mul3A_8 : i32 to vector<16xi32>
        %add3A_770 = arith.addi %get3A_768, %add3A_769 : vector<16xi32>
        %swap3A_771 = arith.constant 240 : index
        %swap3A_772 = tpu.vector_load %arg8[%swap3A_771] {strides = array<i32>} : memref<256xi32, #tpu.memory_space<vmem>>, vector<16xi32>,
        %swap3A_773 = vector.shape_cast %swap3A_772 : vector<16xi32> to vector<16xi32>
        %swap3A_774 = vector.shape_cast %add3A_770 : vector<16xi32> to vector<16xi32>
        tpu.vector_store %arg8[%swap3A_771], %swap3A_774 {strides = array<i32>} : memref<256xi32, #tpu.memory_space<vmem>>, vector<16xi32>,
        %dma_start3A_775 = arith.constant 0 : i32
        %dma_start3A_776 = arith.constant 0 : i32
        %dma_start3A_777 = tpu.memref_slice %arg2[%dma_start3A_775, %dma_start3A_776] : memref<20000x64xbf16, #tpu.memory_space<hbm>> -> memref<20000x64xbf16, #tpu.memory_space<hbm>>
        tpu.enqueue_indirect_dma source(%dma_start3A_777 : memref<20000x64xbf16, #tpu.memory_space<hbm>>) target(%arg20 : memref<256x64xbf16, #tpu.memory_space<vmem>>) offsets(%arg8 : memref<256xi32, #tpu.memory_space<vmem>>) semaphore(%arg39 : memref<!tpu.dma_semaphore, #tpu.memory_space<semaphore_mem>>)
      } else {
      }
      %dma_wait3A_442 = arith.constant 0 : i32
      %dma_wait3A_443 = arith.constant 0 : i32
      %dma_wait3A_444 = tpu.memref_slice %arg2[%dma_wait3A_442, %dma_wait3A_443] : memref<20000x64xbf16, #tpu.memory_space<hbm>> -> memref<20000x64xbf16, #tpu.memory_space<hbm>>
      tpu.wait_indirect_dma semaphore(%arg37 : memref<!tpu.dma_semaphore, #tpu.memory_space<semaphore_mem>>) src(%dma_wait3A_444 : memref<20000x64xbf16, #tpu.memory_space<hbm>>) dst(%arg18 : memref<256x64xbf16, #tpu.memory_space<vmem>>)
      %dma_start3A_445 = arith.constant 0 : i32
      %dma_start3A_446 = arith.constant 0 : i32
      %dma_start3A_447 = tpu.memref_slice %arg29[%dma_start3A_445, %dma_start3A_446] : memref<10000x64xbf16, #tpu.memory_space<vmem_shared>> -> memref<10000x64xbf16, #tpu.memory_space<vmem_shared>>
      tpu.enqueue_indirect_dma source(%arg18 : memref<256x64xbf16, #tpu.memory_space<vmem>>) target(%dma_start3A_447 : memref<10000x64xbf16, #tpu.memory_space<vmem_shared>>) offsets(%arg12 : memref<256xi32, #tpu.memory_space<vmem>>) semaphore(%arg43 : memref<!tpu.dma_semaphore, #tpu.memory_space<semaphore_mem>>) {add = true}
      %eq3A_448 = arith.constant 0 : i32
      %eq3A_449 = arith.cmpi eq, %arg0, %eq3A_448 : i32
      %convert_element_type3A_450 = arith.extui %eq3A_449 : i1 to i32
      %cond3A_451 = arith.constant 0 : i32
      %cond3A_452 = arith.cmpi ne, %convert_element_type3A_450, %cond3A_451 : i32
      scf.if %cond3A_452 {
        %dma_start3A_623 = arith.constant 0 : i32
        %dma_start3A_624 = arith.constant 0 : i32
        %dma_start3A_625 = tpu.memref_slice %arg30[%dma_start3A_623, %dma_start3A_624] : memref<10000x16xf32, #tpu.memory_space<vmem_shared>> -> memref<10000x16xf32, #tpu.memory_space<vmem_shared>>
        tpu.enqueue_indirect_dma source(%arg27 : memref<256x16xf32, #tpu.memory_space<vmem>>) target(%dma_start3A_625 : memref<10000x16xf32, #tpu.memory_space<vmem_shared>>) offsets(%arg12 : memref<256xi32, #tpu.memory_space<vmem>>) semaphore(%arg49 : memref<!tpu.dma_semaphore, #tpu.memory_space<semaphore_mem>>) {add = true}
      } else {
      }
      %mul3A_453 = arith.constant 6 : i32
      %mul3A_454 = arith.muli %scan3A_420, %mul3A_453 : i32
      %add3A_455 = arith.constant 1 : i32
      %add3A_456 = arith.addi %mul3A_454, %add3A_455 : i32
      %ge3A_457 = arith.constant 3 : i32
      %ge3A_458 = arith.cmpi sge, %add3A_456, %ge3A_457 : i32
      %convert_element_type3A_459 = arith.extui %ge3A_458 : i1 to i32
      %cond3A_460 = arith.constant 0 : i32
      %cond3A_461 = arith.cmpi ne, %convert_element_type3A_459, %cond3A_460 : i32
      scf.if %cond3A_461 {
        %dma_wait3A_623 = arith.constant 0 : i32
        %dma_wait3A_624 = arith.constant 0 : i32
        %dma_wait3A_625 = tpu.memref_slice %arg29[%dma_wait3A_623, %dma_wait3A_624] : memref<10000x64xbf16, #tpu.memory_space<vmem_shared>> -> memref<10000x64xbf16, #tpu.memory_space<vmem_shared>>
        tpu.wait_indirect_dma semaphore(%arg47 : memref<!tpu.dma_semaphore, #tpu.memory_space<semaphore_mem>>) src(%arg22 : memref<256x64xbf16, #tpu.memory_space<vmem>>) dst(%dma_wait3A_625 : memref<10000x64xbf16, #tpu.memory_space<vmem_shared>>)
        %eq3A_626 = arith.constant 0 : i32
        %eq3A_627 = arith.cmpi eq, %arg0, %eq3A_626 : i32
        %convert_element_type3A_628 = arith.extui %eq3A_627 : i1 to i32
        %cond3A_629 = arith.constant 0 : i32
        %cond3A_630 = arith.cmpi ne, %convert_element_type3A_628, %cond3A_629 : i32
        scf.if %cond3A_630 {
          %dma_wait3A_631 = arith.constant 0 : i32
          %dma_wait3A_632 = arith.constant 0 : i32
          %dma_wait3A_633 = tpu.memref_slice %arg30[%dma_wait3A_631, %dma_wait3A_632] : memref<10000x16xf32, #tpu.memory_space<vmem_shared>> -> memref<10000x16xf32, #tpu.memory_space<vmem_shared>>
          tpu.wait_indirect_dma semaphore(%arg53 : memref<!tpu.dma_semaphore, #tpu.memory_space<semaphore_mem>>) src(%arg27 : memref<256x16xf32, #tpu.memory_space<vmem>>) dst(%dma_wait3A_633 : memref<10000x16xf32, #tpu.memory_space<vmem_shared>>)
        } else {
        }
      } else {
      }
      %add3A_462 = arith.constant 3 : i32
      %add3A_463 = arith.addi %add3A_456, %add3A_462 : i32
      %lt3A_464 = arith.constant 78 : i32
      %lt3A_465 = arith.cmpi slt, %add3A_463, %lt3A_464 : i32
      %convert_element_type3A_466 = arith.extui %lt3A_465 : i1 to i32
      %cond3A_467 = arith.constant 0 : i32
      %cond3A_468 = arith.cmpi ne, %convert_element_type3A_466, %cond3A_467 : i32
      scf.if %cond3A_468 {
        %add3A_623 = arith.constant 3 : i32
        %add3A_624 = arith.addi %add3A_456, %add3A_623 : i32
        %mul3A_625 = arith.constant 256 : i32
        %mul3A_626 = arith.muli %add3A_624, %mul3A_625 : i32
        %add3A_627 = arith.addi %mul3A_31, %mul3A_626 : i32
        %dma_start3A_628 = tpu.memref_slice %arg3[%add3A_627] : memref<640000xi32, #tpu.memory_space<hbm>> -> memref<256xi32, #tpu.memory_space<hbm>>
        %dma_start3A_629 = tpu.memref_slice %arg3[%add3A_627] : memref<640000xi32, #tpu.memory_space<hbm>> -> memref<256xi32, #tpu.memory_space<hbm>>
        tpu.enqueue_dma source(%dma_start3A_629 : memref<256xi32, #tpu.memory_space<hbm>>) target(%arg10 : memref<256xi32, #tpu.memory_space<vmem>>) target_semaphore(%arg35 : memref<!tpu.dma_semaphore, #tpu.memory_space<semaphore_mem>>)
        %add3A_630 = arith.constant 320000 : i32
        %add3A_631 = arith.addi %add3A_630, %add3A_627 : i32
        %dma_start3A_632 = tpu.memref_slice %arg3[%add3A_631] : memref<640000xi32, #tpu.memory_space<hbm>> -> memref<256xi32, #tpu.memory_space<hbm>>
        %dma_start3A_633 = tpu.memref_slice %arg3[%add3A_631] : memref<640000xi32, #tpu.memory_space<hbm>> -> memref<256xi32, #tpu.memory_space<hbm>>
        tpu.enqueue_dma source(%dma_start3A_633 : memref<256xi32, #tpu.memory_space<hbm>>) target(%arg16 : memref<256xi32, #tpu.memory_space<vmem>>) target_semaphore(%arg35 : memref<!tpu.dma_semaphore, #tpu.memory_space<semaphore_mem>>)
      } else {
      }
      %add3A_469 = arith.constant 2 : i32
      %add3A_470 = arith.addi %add3A_456, %add3A_469 : i32
      %lt3A_471 = arith.constant 78 : i32
      %lt3A_472 = arith.cmpi slt, %add3A_470, %lt3A_471 : i32
      %convert_element_type3A_473 = arith.extui %lt3A_472 : i1 to i32
      %cond3A_474 = arith.constant 0 : i32
      %cond3A_475 = arith.cmpi ne, %convert_element_type3A_473, %cond3A_474 : i32
      scf.if %cond3A_475 {
        %dma_wait3A_623 = arith.constant 0 : i32
        %dma_wait3A_624 = tpu.memref_slice %arg3[%dma_wait3A_623] : memref<640000xi32, #tpu.memory_space<hbm>> -> memref<256xi32, #tpu.memory_space<hbm>>
        %dma_wait3A_625 = arith.constant 0 : i32
        %dma_wait3A_626 = tpu.memref_slice %arg3[%dma_wait3A_625] : memref<640000xi32, #tpu.memory_space<hbm>> -> memref<256xi32, #tpu.memory_space<hbm>>
        tpu.wait_dma2 semaphore(%arg34 : memref<!tpu.dma_semaphore, #tpu.memory_space<semaphore_mem>>) src(%dma_wait3A_626 : memref<256xi32, #tpu.memory_space<hbm>>) dst(%arg9 : memref<256xi32, #tpu.memory_space<vmem>>)
        %dma_wait3A_627 = arith.constant 0 : i32
        %dma_wait3A_628 = tpu.memref_slice %arg3[%dma_wait3A_627] : memref<640000xi32, #tpu.memory_space<hbm>> -> memref<256xi32, #tpu.memory_space<hbm>>
        %dma_wait3A_629 = arith.constant 0 : i32
        %dma_wait3A_630 = tpu.memref_slice %arg3[%dma_wait3A_629] : memref<640000xi32, #tpu.memory_space<hbm>> -> memref<256xi32, #tpu.memory_space<hbm>>
        tpu.wait_dma2 semaphore(%arg34 : memref<!tpu.dma_semaphore, #tpu.memory_space<semaphore_mem>>) src(%dma_wait3A_630 : memref<256xi32, #tpu.memory_space<hbm>>) dst(%arg15 : memref<256xi32, #tpu.memory_space<vmem>>)
        %get3A_631 = arith.constant 0 : index
        %get3A_632 = tpu.vector_load %arg9[%get3A_631] {strides = array<i32>} : memref<256xi32, #tpu.memory_space<vmem>>, vector<16xi32>,
        %get3A_633 = vector.shape_cast %get3A_632 : vector<16xi32> to vector<16xi32>
        %add3A_634 = vector.broadcast %mul3A_8 : i32 to vector<16xi32>
        %add3A_635 = arith.addi %get3A_633, %add3A_634 : vector<16xi32>
        %swap3A_636 = arith.constant 0 : index
        %swap3A_637 = tpu.vector_load %arg9[%swap3A_636] {strides = array<i32>} : memref<256xi32, #tpu.memory_space<vmem>>, vector<16xi32>,
        %swap3A_638 = vector.shape_cast %swap3A_637 : vector<16xi32> to vector<16xi32>
        %swap3A_639 = vector.shape_cast %add3A_635 : vector<16xi32> to vector<16xi32>
        tpu.vector_store %arg9[%swap3A_636], %swap3A_639 {strides = array<i32>} : memref<256xi32, #tpu.memory_space<vmem>>, vector<16xi32>,
        %get3A_640 = arith.constant 16 : index
        %get3A_641 = tpu.vector_load %arg9[%get3A_640] {strides = array<i32>} : memref<256xi32, #tpu.memory_space<vmem>>, vector<16xi32>,
        %get3A_642 = vector.shape_cast %get3A_641 : vector<16xi32> to vector<16xi32>
        %add3A_643 = vector.broadcast %mul3A_8 : i32 to vector<16xi32>
        %add3A_644 = arith.addi %get3A_642, %add3A_643 : vector<16xi32>
        %swap3A_645 = arith.constant 16 : index
        %swap3A_646 = tpu.vector_load %arg9[%swap3A_645] {strides = array<i32>} : memref<256xi32, #tpu.memory_space<vmem>>, vector<16xi32>,
        %swap3A_647 = vector.shape_cast %swap3A_646 : vector<16xi32> to vector<16xi32>
        %swap3A_648 = vector.shape_cast %add3A_644 : vector<16xi32> to vector<16xi32>
        tpu.vector_store %arg9[%swap3A_645], %swap3A_648 {strides = array<i32>} : memref<256xi32, #tpu.memory_space<vmem>>, vector<16xi32>,
        %get3A_649 = arith.constant 32 : index
        %get3A_650 = tpu.vector_load %arg9[%get3A_649] {strides = array<i32>} : memref<256xi32, #tpu.memory_space<vmem>>, vector<16xi32>,
        %get3A_651 = vector.shape_cast %get3A_650 : vector<16xi32> to vector<16xi32>
        %add3A_652 = vector.broadcast %mul3A_8 : i32 to vector<16xi32>
        %add3A_653 = arith.addi %get3A_651, %add3A_652 : vector<16xi32>
        %swap3A_654 = arith.constant 32 : index
        %swap3A_655 = tpu.vector_load %arg9[%swap3A_654] {strides = array<i32>} : memref<256xi32, #tpu.memory_space<vmem>>, vector<16xi32>,
        %swap3A_656 = vector.shape_cast %swap3A_655 : vector<16xi32> to vector<16xi32>
        %swap3A_657 = vector.shape_cast %add3A_653 : vector<16xi32> to vector<16xi32>
        tpu.vector_store %arg9[%swap3A_654], %swap3A_657 {strides = array<i32>} : memref<256xi32, #tpu.memory_space<vmem>>, vector<16xi32>,
        %get3A_658 = arith.constant 48 : index
        %get3A_659 = tpu.vector_load %arg9[%get3A_658] {strides = array<i32>} : memref<256xi32, #tpu.memory_space<vmem>>, vector<16xi32>,
        %get3A_660 = vector.shape_cast %get3A_659 : vector<16xi32> to vector<16xi32>
        %add3A_661 = vector.broadcast %mul3A_8 : i32 to vector<16xi32>
        %add3A_662 = arith.addi %get3A_660, %add3A_661 : vector<16xi32>
        %swap3A_663 = arith.constant 48 : index
        %swap3A_664 = tpu.vector_load %arg9[%swap3A_663] {strides = array<i32>} : memref<256xi32, #tpu.memory_space<vmem>>, vector<16xi32>,
        %swap3A_665 = vector.shape_cast %swap3A_664 : vector<16xi32> to vector<16xi32>
        %swap3A_666 = vector.shape_cast %add3A_662 : vector<16xi32> to vector<16xi32>
        tpu.vector_store %arg9[%swap3A_663], %swap3A_666 {strides = array<i32>} : memref<256xi32, #tpu.memory_space<vmem>>, vector<16xi32>,
        %get3A_667 = arith.constant 64 : index
        %get3A_668 = tpu.vector_load %arg9[%get3A_667] {strides = array<i32>} : memref<256xi32, #tpu.memory_space<vmem>>, vector<16xi32>,
        %get3A_669 = vector.shape_cast %get3A_668 : vector<16xi32> to vector<16xi32>
        %add3A_670 = vector.broadcast %mul3A_8 : i32 to vector<16xi32>
        %add3A_671 = arith.addi %get3A_669, %add3A_670 : vector<16xi32>
        %swap3A_672 = arith.constant 64 : index
        %swap3A_673 = tpu.vector_load %arg9[%swap3A_672] {strides = array<i32>} : memref<256xi32, #tpu.memory_space<vmem>>, vector<16xi32>,
        %swap3A_674 = vector.shape_cast %swap3A_673 : vector<16xi32> to vector<16xi32>
        %swap3A_675 = vector.shape_cast %add3A_671 : vector<16xi32> to vector<16xi32>
        tpu.vector_store %arg9[%swap3A_672], %swap3A_675 {strides = array<i32>} : memref<256xi32, #tpu.memory_space<vmem>>, vector<16xi32>,
        %get3A_676 = arith.constant 80 : index
        %get3A_677 = tpu.vector_load %arg9[%get3A_676] {strides = array<i32>} : memref<256xi32, #tpu.memory_space<vmem>>, vector<16xi32>,
        %get3A_678 = vector.shape_cast %get3A_677 : vector<16xi32> to vector<16xi32>
        %add3A_679 = vector.broadcast %mul3A_8 : i32 to vector<16xi32>
        %add3A_680 = arith.addi %get3A_678, %add3A_679 : vector<16xi32>
        %swap3A_681 = arith.constant 80 : index
        %swap3A_682 = tpu.vector_load %arg9[%swap3A_681] {strides = array<i32>} : memref<256xi32, #tpu.memory_space<vmem>>, vector<16xi32>,
        %swap3A_683 = vector.shape_cast %swap3A_682 : vector<16xi32> to vector<16xi32>
        %swap3A_684 = vector.shape_cast %add3A_680 : vector<16xi32> to vector<16xi32>
        tpu.vector_store %arg9[%swap3A_681], %swap3A_684 {strides = array<i32>} : memref<256xi32, #tpu.memory_space<vmem>>, vector<16xi32>,
        %get3A_685 = arith.constant 96 : index
        %get3A_686 = tpu.vector_load %arg9[%get3A_685] {strides = array<i32>} : memref<256xi32, #tpu.memory_space<vmem>>, vector<16xi32>,
        %get3A_687 = vector.shape_cast %get3A_686 : vector<16xi32> to vector<16xi32>
        %add3A_688 = vector.broadcast %mul3A_8 : i32 to vector<16xi32>
        %add3A_689 = arith.addi %get3A_687, %add3A_688 : vector<16xi32>
        %swap3A_690 = arith.constant 96 : index
        %swap3A_691 = tpu.vector_load %arg9[%swap3A_690] {strides = array<i32>} : memref<256xi32, #tpu.memory_space<vmem>>, vector<16xi32>,
        %swap3A_692 = vector.shape_cast %swap3A_691 : vector<16xi32> to vector<16xi32>
        %swap3A_693 = vector.shape_cast %add3A_689 : vector<16xi32> to vector<16xi32>
        tpu.vector_store %arg9[%swap3A_690], %swap3A_693 {strides = array<i32>} : memref<256xi32, #tpu.memory_space<vmem>>, vector<16xi32>,
        %get3A_694 = arith.constant 112 : index
        %get3A_695 = tpu.vector_load %arg9[%get3A_694] {strides = array<i32>} : memref<256xi32, #tpu.memory_space<vmem>>, vector<16xi32>,
        %get3A_696 = vector.shape_cast %get3A_695 : vector<16xi32> to vector<16xi32>
        %add3A_697 = vector.broadcast %mul3A_8 : i32 to vector<16xi32>
        %add3A_698 = arith.addi %get3A_696, %add3A_697 : vector<16xi32>
        %swap3A_699 = arith.constant 112 : index
        %swap3A_700 = tpu.vector_load %arg9[%swap3A_699] {strides = array<i32>} : memref<256xi32, #tpu.memory_space<vmem>>, vector<16xi32>,
        %swap3A_701 = vector.shape_cast %swap3A_700 : vector<16xi32> to vector<16xi32>
        %swap3A_702 = vector.shape_cast %add3A_698 : vector<16xi32> to vector<16xi32>
        tpu.vector_store %arg9[%swap3A_699], %swap3A_702 {strides = array<i32>} : memref<256xi32, #tpu.memory_space<vmem>>, vector<16xi32>,
        %get3A_703 = arith.constant 128 : index
        %get3A_704 = tpu.vector_load %arg9[%get3A_703] {strides = array<i32>} : memref<256xi32, #tpu.memory_space<vmem>>, vector<16xi32>,
        %get3A_705 = vector.shape_cast %get3A_704 : vector<16xi32> to vector<16xi32>
        %add3A_706 = vector.broadcast %mul3A_8 : i32 to vector<16xi32>
        %add3A_707 = arith.addi %get3A_705, %add3A_706 : vector<16xi32>
        %swap3A_708 = arith.constant 128 : index
        %swap3A_709 = tpu.vector_load %arg9[%swap3A_708] {strides = array<i32>} : memref<256xi32, #tpu.memory_space<vmem>>, vector<16xi32>,
        %swap3A_710 = vector.shape_cast %swap3A_709 : vector<16xi32> to vector<16xi32>
        %swap3A_711 = vector.shape_cast %add3A_707 : vector<16xi32> to vector<16xi32>
        tpu.vector_store %arg9[%swap3A_708], %swap3A_711 {strides = array<i32>} : memref<256xi32, #tpu.memory_space<vmem>>, vector<16xi32>,
        %get3A_712 = arith.constant 144 : index
        %get3A_713 = tpu.vector_load %arg9[%get3A_712] {strides = array<i32>} : memref<256xi32, #tpu.memory_space<vmem>>, vector<16xi32>,
        %get3A_714 = vector.shape_cast %get3A_713 : vector<16xi32> to vector<16xi32>
        %add3A_715 = vector.broadcast %mul3A_8 : i32 to vector<16xi32>
        %add3A_716 = arith.addi %get3A_714, %add3A_715 : vector<16xi32>
        %swap3A_717 = arith.constant 144 : index
        %swap3A_718 = tpu.vector_load %arg9[%swap3A_717] {strides = array<i32>} : memref<256xi32, #tpu.memory_space<vmem>>, vector<16xi32>,
        %swap3A_719 = vector.shape_cast %swap3A_718 : vector<16xi32> to vector<16xi32>
        %swap3A_720 = vector.shape_cast %add3A_716 : vector<16xi32> to vector<16xi32>
        tpu.vector_store %arg9[%swap3A_717], %swap3A_720 {strides = array<i32>} : memref<256xi32, #tpu.memory_space<vmem>>, vector<16xi32>,
        %get3A_721 = arith.constant 160 : index
        %get3A_722 = tpu.vector_load %arg9[%get3A_721] {strides = array<i32>} : memref<256xi32, #tpu.memory_space<vmem>>, vector<16xi32>,
        %get3A_723 = vector.shape_cast %get3A_722 : vector<16xi32> to vector<16xi32>
        %add3A_724 = vector.broadcast %mul3A_8 : i32 to vector<16xi32>
        %add3A_725 = arith.addi %get3A_723, %add3A_724 : vector<16xi32>
        %swap3A_726 = arith.constant 160 : index
        %swap3A_727 = tpu.vector_load %arg9[%swap3A_726] {strides = array<i32>} : memref<256xi32, #tpu.memory_space<vmem>>, vector<16xi32>,
        %swap3A_728 = vector.shape_cast %swap3A_727 : vector<16xi32> to vector<16xi32>
        %swap3A_729 = vector.shape_cast %add3A_725 : vector<16xi32> to vector<16xi32>
        tpu.vector_store %arg9[%swap3A_726], %swap3A_729 {strides = array<i32>} : memref<256xi32, #tpu.memory_space<vmem>>, vector<16xi32>,
        %get3A_730 = arith.constant 176 : index
        %get3A_731 = tpu.vector_load %arg9[%get3A_730] {strides = array<i32>} : memref<256xi32, #tpu.memory_space<vmem>>, vector<16xi32>,
        %get3A_732 = vector.shape_cast %get3A_731 : vector<16xi32> to vector<16xi32>
        %add3A_733 = vector.broadcast %mul3A_8 : i32 to vector<16xi32>
        %add3A_734 = arith.addi %get3A_732, %add3A_733 : vector<16xi32>
        %swap3A_735 = arith.constant 176 : index
        %swap3A_736 = tpu.vector_load %arg9[%swap3A_735] {strides = array<i32>} : memref<256xi32, #tpu.memory_space<vmem>>, vector<16xi32>,
        %swap3A_737 = vector.shape_cast %swap3A_736 : vector<16xi32> to vector<16xi32>
        %swap3A_738 = vector.shape_cast %add3A_734 : vector<16xi32> to vector<16xi32>
        tpu.vector_store %arg9[%swap3A_735], %swap3A_738 {strides = array<i32>} : memref<256xi32, #tpu.memory_space<vmem>>, vector<16xi32>,
        %get3A_739 = arith.constant 192 : index
        %get3A_740 = tpu.vector_load %arg9[%get3A_739] {strides = array<i32>} : memref<256xi32, #tpu.memory_space<vmem>>, vector<16xi32>,
        %get3A_741 = vector.shape_cast %get3A_740 : vector<16xi32> to vector<16xi32>
        %add3A_742 = vector.broadcast %mul3A_8 : i32 to vector<16xi32>
        %add3A_743 = arith.addi %get3A_741, %add3A_742 : vector<16xi32>
        %swap3A_744 = arith.constant 192 : index
        %swap3A_745 = tpu.vector_load %arg9[%swap3A_744] {strides = array<i32>} : memref<256xi32, #tpu.memory_space<vmem>>, vector<16xi32>,
        %swap3A_746 = vector.shape_cast %swap3A_745 : vector<16xi32> to vector<16xi32>
        %swap3A_747 = vector.shape_cast %add3A_743 : vector<16xi32> to vector<16xi32>
        tpu.vector_store %arg9[%swap3A_744], %swap3A_747 {strides = array<i32>} : memref<256xi32, #tpu.memory_space<vmem>>, vector<16xi32>,
        %get3A_748 = arith.constant 208 : index
        %get3A_749 = tpu.vector_load %arg9[%get3A_748] {strides = array<i32>} : memref<256xi32, #tpu.memory_space<vmem>>, vector<16xi32>,
        %get3A_750 = vector.shape_cast %get3A_749 : vector<16xi32> to vector<16xi32>
        %add3A_751 = vector.broadcast %mul3A_8 : i32 to vector<16xi32>
        %add3A_752 = arith.addi %get3A_750, %add3A_751 : vector<16xi32>
        %swap3A_753 = arith.constant 208 : index
        %swap3A_754 = tpu.vector_load %arg9[%swap3A_753] {strides = array<i32>} : memref<256xi32, #tpu.memory_space<vmem>>, vector<16xi32>,
        %swap3A_755 = vector.shape_cast %swap3A_754 : vector<16xi32> to vector<16xi32>
        %swap3A_756 = vector.shape_cast %add3A_752 : vector<16xi32> to vector<16xi32>
        tpu.vector_store %arg9[%swap3A_753], %swap3A_756 {strides = array<i32>} : memref<256xi32, #tpu.memory_space<vmem>>, vector<16xi32>,
        %get3A_757 = arith.constant 224 : index
        %get3A_758 = tpu.vector_load %arg9[%get3A_757] {strides = array<i32>} : memref<256xi32, #tpu.memory_space<vmem>>, vector<16xi32>,
        %get3A_759 = vector.shape_cast %get3A_758 : vector<16xi32> to vector<16xi32>
        %add3A_760 = vector.broadcast %mul3A_8 : i32 to vector<16xi32>
        %add3A_761 = arith.addi %get3A_759, %add3A_760 : vector<16xi32>
        %swap3A_762 = arith.constant 224 : index
        %swap3A_763 = tpu.vector_load %arg9[%swap3A_762] {strides = array<i32>} : memref<256xi32, #tpu.memory_space<vmem>>, vector<16xi32>,
        %swap3A_764 = vector.shape_cast %swap3A_763 : vector<16xi32> to vector<16xi32>
        %swap3A_765 = vector.shape_cast %add3A_761 : vector<16xi32> to vector<16xi32>
        tpu.vector_store %arg9[%swap3A_762], %swap3A_765 {strides = array<i32>} : memref<256xi32, #tpu.memory_space<vmem>>, vector<16xi32>,
        %get3A_766 = arith.constant 240 : index
        %get3A_767 = tpu.vector_load %arg9[%get3A_766] {strides = array<i32>} : memref<256xi32, #tpu.memory_space<vmem>>, vector<16xi32>,
        %get3A_768 = vector.shape_cast %get3A_767 : vector<16xi32> to vector<16xi32>
        %add3A_769 = vector.broadcast %mul3A_8 : i32 to vector<16xi32>
        %add3A_770 = arith.addi %get3A_768, %add3A_769 : vector<16xi32>
        %swap3A_771 = arith.constant 240 : index
        %swap3A_772 = tpu.vector_load %arg9[%swap3A_771] {strides = array<i32>} : memref<256xi32, #tpu.memory_space<vmem>>, vector<16xi32>,
        %swap3A_773 = vector.shape_cast %swap3A_772 : vector<16xi32> to vector<16xi32>
        %swap3A_774 = vector.shape_cast %add3A_770 : vector<16xi32> to vector<16xi32>
        tpu.vector_store %arg9[%swap3A_771], %swap3A_774 {strides = array<i32>} : memref<256xi32, #tpu.memory_space<vmem>>, vector<16xi32>,
        %dma_start3A_775 = arith.constant 0 : i32
        %dma_start3A_776 = arith.constant 0 : i32
        %dma_start3A_777 = tpu.memref_slice %arg2[%dma_start3A_775, %dma_start3A_776] : memref<20000x64xbf16, #tpu.memory_space<hbm>> -> memref<20000x64xbf16, #tpu.memory_space<hbm>>
        tpu.enqueue_indirect_dma source(%dma_start3A_777 : memref<20000x64xbf16, #tpu.memory_space<hbm>>) target(%arg21 : memref<256x64xbf16, #tpu.memory_space<vmem>>) offsets(%arg9 : memref<256xi32, #tpu.memory_space<vmem>>) semaphore(%arg40 : memref<!tpu.dma_semaphore, #tpu.memory_space<semaphore_mem>>)
      } else {
      }
      %dma_wait3A_476 = arith.constant 0 : i32
      %dma_wait3A_477 = arith.constant 0 : i32
      %dma_wait3A_478 = tpu.memref_slice %arg2[%dma_wait3A_476, %dma_wait3A_477] : memref<20000x64xbf16, #tpu.memory_space<hbm>> -> memref<20000x64xbf16, #tpu.memory_space<hbm>>
      tpu.wait_indirect_dma semaphore(%arg38 : memref<!tpu.dma_semaphore, #tpu.memory_space<semaphore_mem>>) src(%dma_wait3A_478 : memref<20000x64xbf16, #tpu.memory_space<hbm>>) dst(%arg19 : memref<256x64xbf16, #tpu.memory_space<vmem>>)
      %dma_start3A_479 = arith.constant 0 : i32
      %dma_start3A_480 = arith.constant 0 : i32
      %dma_start3A_481 = tpu.memref_slice %arg29[%dma_start3A_479, %dma_start3A_480] : memref<10000x64xbf16, #tpu.memory_space<vmem_shared>> -> memref<10000x64xbf16, #tpu.memory_space<vmem_shared>>
      tpu.enqueue_indirect_dma source(%arg19 : memref<256x64xbf16, #tpu.memory_space<vmem>>) target(%dma_start3A_481 : memref<10000x64xbf16, #tpu.memory_space<vmem_shared>>) offsets(%arg13 : memref<256xi32, #tpu.memory_space<vmem>>) semaphore(%arg44 : memref<!tpu.dma_semaphore, #tpu.memory_space<semaphore_mem>>) {add = true}
      %eq3A_482 = arith.constant 1 : i32
      %eq3A_483 = arith.cmpi eq, %arg0, %eq3A_482 : i32
      %convert_element_type3A_484 = arith.extui %eq3A_483 : i1 to i32
      %cond3A_485 = arith.constant 0 : i32
      %cond3A_486 = arith.cmpi ne, %convert_element_type3A_484, %cond3A_485 : i32
      scf.if %cond3A_486 {
        %dma_start3A_623 = arith.constant 0 : i32
        %dma_start3A_624 = arith.constant 0 : i32
        %dma_start3A_625 = tpu.memref_slice %arg30[%dma_start3A_623, %dma_start3A_624] : memref<10000x16xf32, #tpu.memory_space<vmem_shared>> -> memref<10000x16xf32, #tpu.memory_space<vmem_shared>>
        tpu.enqueue_indirect_dma source(%arg27 : memref<256x16xf32, #tpu.memory_space<vmem>>) target(%dma_start3A_625 : memref<10000x16xf32, #tpu.memory_space<vmem_shared>>) offsets(%arg13 : memref<256xi32, #tpu.memory_space<vmem>>) semaphore(%arg50 : memref<!tpu.dma_semaphore, #tpu.memory_space<semaphore_mem>>) {add = true}
      } else {
      }
      %mul3A_487 = arith.constant 6 : i32
      %mul3A_488 = arith.muli %scan3A_420, %mul3A_487 : i32
      %add3A_489 = arith.constant 2 : i32
      %add3A_490 = arith.addi %mul3A_488, %add3A_489 : i32
      %ge3A_491 = arith.constant 3 : i32
      %ge3A_492 = arith.cmpi sge, %add3A_490, %ge3A_491 : i32
      %convert_element_type3A_493 = arith.extui %ge3A_492 : i1 to i32
      %cond3A_494 = arith.constant 0 : i32
      %cond3A_495 = arith.cmpi ne, %convert_element_type3A_493, %cond3A_494 : i32
      scf.if %cond3A_495 {
        %dma_wait3A_623 = arith.constant 0 : i32
        %dma_wait3A_624 = arith.constant 0 : i32
        %dma_wait3A_625 = tpu.memref_slice %arg29[%dma_wait3A_623, %dma_wait3A_624] : memref<10000x64xbf16, #tpu.memory_space<vmem_shared>> -> memref<10000x64xbf16, #tpu.memory_space<vmem_shared>>
        tpu.wait_indirect_dma semaphore(%arg48 : memref<!tpu.dma_semaphore, #tpu.memory_space<semaphore_mem>>) src(%arg23 : memref<256x64xbf16, #tpu.memory_space<vmem>>) dst(%dma_wait3A_625 : memref<10000x64xbf16, #tpu.memory_space<vmem_shared>>)
        %eq3A_626 = arith.constant 1 : i32
        %eq3A_627 = arith.cmpi eq, %arg0, %eq3A_626 : i32
        %convert_element_type3A_628 = arith.extui %eq3A_627 : i1 to i32
        %cond3A_629 = arith.constant 0 : i32
        %cond3A_630 = arith.cmpi ne, %convert_element_type3A_628, %cond3A_629 : i32
        scf.if %cond3A_630 {
          %dma_wait3A_631 = arith.constant 0 : i32
          %dma_wait3A_632 = arith.constant 0 : i32
          %dma_wait3A_633 = tpu.memref_slice %arg30[%dma_wait3A_631, %dma_wait3A_632] : memref<10000x16xf32, #tpu.memory_space<vmem_shared>> -> memref<10000x16xf32, #tpu.memory_space<vmem_shared>>
          tpu.wait_indirect_dma semaphore(%arg54 : memref<!tpu.dma_semaphore, #tpu.memory_space<semaphore_mem>>) src(%arg27 : memref<256x16xf32, #tpu.memory_space<vmem>>) dst(%dma_wait3A_633 : memref<10000x16xf32, #tpu.memory_space<vmem_shared>>)
        } else {
        }
      } else {
      }
      %add3A_496 = arith.constant 3 : i32
      %add3A_497 = arith.addi %add3A_490, %add3A_496 : i32
      %lt3A_498 = arith.constant 78 : i32
      %lt3A_499 = arith.cmpi slt, %add3A_497, %lt3A_498 : i32
      %convert_element_type3A_500 = arith.extui %lt3A_499 : i1 to i32
      %cond3A_501 = arith.constant 0 : i32
      %cond3A_502 = arith.cmpi ne, %convert_element_type3A_500, %cond3A_501 : i32
      scf.if %cond3A_502 {
        %add3A_623 = arith.constant 3 : i32
        %add3A_624 = arith.addi %add3A_490, %add3A_623 : i32
        %mul3A_625 = arith.constant 256 : i32
        %mul3A_626 = arith.muli %add3A_624, %mul3A_625 : i32
        %add3A_627 = arith.addi %mul3A_31, %mul3A_626 : i32
        %dma_start3A_628 = tpu.memref_slice %arg3[%add3A_627] : memref<640000xi32, #tpu.memory_space<hbm>> -> memref<256xi32, #tpu.memory_space<hbm>>
        %dma_start3A_629 = tpu.memref_slice %arg3[%add3A_627] : memref<640000xi32, #tpu.memory_space<hbm>> -> memref<256xi32, #tpu.memory_space<hbm>>
        tpu.enqueue_dma source(%dma_start3A_629 : memref<256xi32, #tpu.memory_space<hbm>>) target(%arg11 : memref<256xi32, #tpu.memory_space<vmem>>) target_semaphore(%arg36 : memref<!tpu.dma_semaphore, #tpu.memory_space<semaphore_mem>>)
        %add3A_630 = arith.constant 320000 : i32
        %add3A_631 = arith.addi %add3A_630, %add3A_627 : i32
        %dma_start3A_632 = tpu.memref_slice %arg3[%add3A_631] : memref<640000xi32, #tpu.memory_space<hbm>> -> memref<256xi32, #tpu.memory_space<hbm>>
        %dma_start3A_633 = tpu.memref_slice %arg3[%add3A_631] : memref<640000xi32, #tpu.memory_space<hbm>> -> memref<256xi32, #tpu.memory_space<hbm>>
        tpu.enqueue_dma source(%dma_start3A_633 : memref<256xi32, #tpu.memory_space<hbm>>) target(%arg17 : memref<256xi32, #tpu.memory_space<vmem>>) target_semaphore(%arg36 : memref<!tpu.dma_semaphore, #tpu.memory_space<semaphore_mem>>)
      } else {
      }
      %add3A_503 = arith.constant 2 : i32
      %add3A_504 = arith.addi %add3A_490, %add3A_503 : i32
      %lt3A_505 = arith.constant 78 : i32
      %lt3A_506 = arith.cmpi slt, %add3A_504, %lt3A_505 : i32
      %convert_element_type3A_507 = arith.extui %lt3A_506 : i1 to i32
      %cond3A_508 = arith.constant 0 : i32
      %cond3A_509 = arith.cmpi ne, %convert_element_type3A_507, %cond3A_508 : i32
      scf.if %cond3A_509 {
        %dma_wait3A_623 = arith.constant 0 : i32
        %dma_wait3A_624 = tpu.memref_slice %arg3[%dma_wait3A_623] : memref<640000xi32, #tpu.memory_space<hbm>> -> memref<256xi32, #tpu.memory_space<hbm>>
        %dma_wait3A_625 = arith.constant 0 : i32
        %dma_wait3A_626 = tpu.memref_slice %arg3[%dma_wait3A_625] : memref<640000xi32, #tpu.memory_space<hbm>> -> memref<256xi32, #tpu.memory_space<hbm>>
        tpu.wait_dma2 semaphore(%arg35 : memref<!tpu.dma_semaphore, #tpu.memory_space<semaphore_mem>>) src(%dma_wait3A_626 : memref<256xi32, #tpu.memory_space<hbm>>) dst(%arg10 : memref<256xi32, #tpu.memory_space<vmem>>)
        %dma_wait3A_627 = arith.constant 0 : i32
        %dma_wait3A_628 = tpu.memref_slice %arg3[%dma_wait3A_627] : memref<640000xi32, #tpu.memory_space<hbm>> -> memref<256xi32, #tpu.memory_space<hbm>>
        %dma_wait3A_629 = arith.constant 0 : i32
        %dma_wait3A_630 = tpu.memref_slice %arg3[%dma_wait3A_629] : memref<640000xi32, #tpu.memory_space<hbm>> -> memref<256xi32, #tpu.memory_space<hbm>>
        tpu.wait_dma2 semaphore(%arg35 : memref<!tpu.dma_semaphore, #tpu.memory_space<semaphore_mem>>) src(%dma_wait3A_630 : memref<256xi32, #tpu.memory_space<hbm>>) dst(%arg16 : memref<256xi32, #tpu.memory_space<vmem>>)
        %get3A_631 = arith.constant 0 : index
        %get3A_632 = tpu.vector_load %arg10[%get3A_631] {strides = array<i32>} : memref<256xi32, #tpu.memory_space<vmem>>, vector<16xi32>,
        %get3A_633 = vector.shape_cast %get3A_632 : vector<16xi32> to vector<16xi32>
        %add3A_634 = vector.broadcast %mul3A_8 : i32 to vector<16xi32>
        %add3A_635 = arith.addi %get3A_633, %add3A_634 : vector<16xi32>
        %swap3A_636 = arith.constant 0 : index
        %swap3A_637 = tpu.vector_load %arg10[%swap3A_636] {strides = array<i32>} : memref<256xi32, #tpu.memory_space<vmem>>, vector<16xi32>,
        %swap3A_638 = vector.shape_cast %swap3A_637 : vector<16xi32> to vector<16xi32>
        %swap3A_639 = vector.shape_cast %add3A_635 : vector<16xi32> to vector<16xi32>
        tpu.vector_store %arg10[%swap3A_636], %swap3A_639 {strides = array<i32>} : memref<256xi32, #tpu.memory_space<vmem>>, vector<16xi32>,
        %get3A_640 = arith.constant 16 : index
        %get3A_641 = tpu.vector_load %arg10[%get3A_640] {strides = array<i32>} : memref<256xi32, #tpu.memory_space<vmem>>, vector<16xi32>,
        %get3A_642 = vector.shape_cast %get3A_641 : vector<16xi32> to vector<16xi32>
        %add3A_643 = vector.broadcast %mul3A_8 : i32 to vector<16xi32>
        %add3A_644 = arith.addi %get3A_642, %add3A_643 : vector<16xi32>
        %swap3A_645 = arith.constant 16 : index
        %swap3A_646 = tpu.vector_load %arg10[%swap3A_645] {strides = array<i32>} : memref<256xi32, #tpu.memory_space<vmem>>, vector<16xi32>,
        %swap3A_647 = vector.shape_cast %swap3A_646 : vector<16xi32> to vector<16xi32>
        %swap3A_648 = vector.shape_cast %add3A_644 : vector<16xi32> to vector<16xi32>
        tpu.vector_store %arg10[%swap3A_645], %swap3A_648 {strides = array<i32>} : memref<256xi32, #tpu.memory_space<vmem>>, vector<16xi32>,
        %get3A_649 = arith.constant 32 : index
        %get3A_650 = tpu.vector_load %arg10[%get3A_649] {strides = array<i32>} : memref<256xi32, #tpu.memory_space<vmem>>, vector<16xi32>,
        %get3A_651 = vector.shape_cast %get3A_650 : vector<16xi32> to vector<16xi32>
        %add3A_652 = vector.broadcast %mul3A_8 : i32 to vector<16xi32>
        %add3A_653 = arith.addi %get3A_651, %add3A_652 : vector<16xi32>
        %swap3A_654 = arith.constant 32 : index
        %swap3A_655 = tpu.vector_load %arg10[%swap3A_654] {strides = array<i32>} : memref<256xi32, #tpu.memory_space<vmem>>, vector<16xi32>,
        %swap3A_656 = vector.shape_cast %swap3A_655 : vector<16xi32> to vector<16xi32>
        %swap3A_657 = vector.shape_cast %add3A_653 : vector<16xi32> to vector<16xi32>
        tpu.vector_store %arg10[%swap3A_654], %swap3A_657 {strides = array<i32>} : memref<256xi32, #tpu.memory_space<vmem>>, vector<16xi32>,
        %get3A_658 = arith.constant 48 : index
        %get3A_659 = tpu.vector_load %arg10[%get3A_658] {strides = array<i32>} : memref<256xi32, #tpu.memory_space<vmem>>, vector<16xi32>,
        %get3A_660 = vector.shape_cast %get3A_659 : vector<16xi32> to vector<16xi32>
        %add3A_661 = vector.broadcast %mul3A_8 : i32 to vector<16xi32>
        %add3A_662 = arith.addi %get3A_660, %add3A_661 : vector<16xi32>
        %swap3A_663 = arith.constant 48 : index
        %swap3A_664 = tpu.vector_load %arg10[%swap3A_663] {strides = array<i32>} : memref<256xi32, #tpu.memory_space<vmem>>, vector<16xi32>,
        %swap3A_665 = vector.shape_cast %swap3A_664 : vector<16xi32> to vector<16xi32>
        %swap3A_666 = vector.shape_cast %add3A_662 : vector<16xi32> to vector<16xi32>
        tpu.vector_store %arg10[%swap3A_663], %swap3A_666 {strides = array<i32>} : memref<256xi32, #tpu.memory_space<vmem>>, vector<16xi32>,
        %get3A_667 = arith.constant 64 : index
        %get3A_668 = tpu.vector_load %arg10[%get3A_667] {strides = array<i32>} : memref<256xi32, #tpu.memory_space<vmem>>, vector<16xi32>,
        %get3A_669 = vector.shape_cast %get3A_668 : vector<16xi32> to vector<16xi32>
        %add3A_670 = vector.broadcast %mul3A_8 : i32 to vector<16xi32>
        %add3A_671 = arith.addi %get3A_669, %add3A_670 : vector<16xi32>
        %swap3A_672 = arith.constant 64 : index
        %swap3A_673 = tpu.vector_load %arg10[%swap3A_672] {strides = array<i32>} : memref<256xi32, #tpu.memory_space<vmem>>, vector<16xi32>,
        %swap3A_674 = vector.shape_cast %swap3A_673 : vector<16xi32> to vector<16xi32>
        %swap3A_675 = vector.shape_cast %add3A_671 : vector<16xi32> to vector<16xi32>
        tpu.vector_store %arg10[%swap3A_672], %swap3A_675 {strides = array<i32>} : memref<256xi32, #tpu.memory_space<vmem>>, vector<16xi32>,
        %get3A_676 = arith.constant 80 : index
        %get3A_677 = tpu.vector_load %arg10[%get3A_676] {strides = array<i32>} : memref<256xi32, #tpu.memory_space<vmem>>, vector<16xi32>,
        %get3A_678 = vector.shape_cast %get3A_677 : vector<16xi32> to vector<16xi32>
        %add3A_679 = vector.broadcast %mul3A_8 : i32 to vector<16xi32>
        %add3A_680 = arith.addi %get3A_678, %add3A_679 : vector<16xi32>
        %swap3A_681 = arith.constant 80 : index
        %swap3A_682 = tpu.vector_load %arg10[%swap3A_681] {strides = array<i32>} : memref<256xi32, #tpu.memory_space<vmem>>, vector<16xi32>,
        %swap3A_683 = vector.shape_cast %swap3A_682 : vector<16xi32> to vector<16xi32>
        %swap3A_684 = vector.shape_cast %add3A_680 : vector<16xi32> to vector<16xi32>
        tpu.vector_store %arg10[%swap3A_681], %swap3A_684 {strides = array<i32>} : memref<256xi32, #tpu.memory_space<vmem>>, vector<16xi32>,
        %get3A_685 = arith.constant 96 : index
        %get3A_686 = tpu.vector_load %arg10[%get3A_685] {strides = array<i32>} : memref<256xi32, #tpu.memory_space<vmem>>, vector<16xi32>,
        %get3A_687 = vector.shape_cast %get3A_686 : vector<16xi32> to vector<16xi32>
        %add3A_688 = vector.broadcast %mul3A_8 : i32 to vector<16xi32>
        %add3A_689 = arith.addi %get3A_687, %add3A_688 : vector<16xi32>
        %swap3A_690 = arith.constant 96 : index
        %swap3A_691 = tpu.vector_load %arg10[%swap3A_690] {strides = array<i32>} : memref<256xi32, #tpu.memory_space<vmem>>, vector<16xi32>,
        %swap3A_692 = vector.shape_cast %swap3A_691 : vector<16xi32> to vector<16xi32>
        %swap3A_693 = vector.shape_cast %add3A_689 : vector<16xi32> to vector<16xi32>
        tpu.vector_store %arg10[%swap3A_690], %swap3A_693 {strides = array<i32>} : memref<256xi32, #tpu.memory_space<vmem>>, vector<16xi32>,
        %get3A_694 = arith.constant 112 : index
        %get3A_695 = tpu.vector_load %arg10[%get3A_694] {strides = array<i32>} : memref<256xi32, #tpu.memory_space<vmem>>, vector<16xi32>,
        %get3A_696 = vector.shape_cast %get3A_695 : vector<16xi32> to vector<16xi32>
        %add3A_697 = vector.broadcast %mul3A_8 : i32 to vector<16xi32>
        %add3A_698 = arith.addi %get3A_696, %add3A_697 : vector<16xi32>
        %swap3A_699 = arith.constant 112 : index
        %swap3A_700 = tpu.vector_load %arg10[%swap3A_699] {strides = array<i32>} : memref<256xi32, #tpu.memory_space<vmem>>, vector<16xi32>,
        %swap3A_701 = vector.shape_cast %swap3A_700 : vector<16xi32> to vector<16xi32>
        %swap3A_702 = vector.shape_cast %add3A_698 : vector<16xi32> to vector<16xi32>
        tpu.vector_store %arg10[%swap3A_699], %swap3A_702 {strides = array<i32>} : memref<256xi32, #tpu.memory_space<vmem>>, vector<16xi32>,
        %get3A_703 = arith.constant 128 : index
        %get3A_704 = tpu.vector_load %arg10[%get3A_703] {strides = array<i32>} : memref<256xi32, #tpu.memory_space<vmem>>, vector<16xi32>,
        %get3A_705 = vector.shape_cast %get3A_704 : vector<16xi32> to vector<16xi32>
        %add3A_706 = vector.broadcast %mul3A_8 : i32 to vector<16xi32>
        %add3A_707 = arith.addi %get3A_705, %add3A_706 : vector<16xi32>
        %swap3A_708 = arith.constant 128 : index
        %swap3A_709 = tpu.vector_load %arg10[%swap3A_708] {strides = array<i32>} : memref<256xi32, #tpu.memory_space<vmem>>, vector<16xi32>,
        %swap3A_710 = vector.shape_cast %swap3A_709 : vector<16xi32> to vector<16xi32>
        %swap3A_711 = vector.shape_cast %add3A_707 : vector<16xi32> to vector<16xi32>
        tpu.vector_store %arg10[%swap3A_708], %swap3A_711 {strides = array<i32>} : memref<256xi32, #tpu.memory_space<vmem>>, vector<16xi32>,
        %get3A_712 = arith.constant 144 : index
        %get3A_713 = tpu.vector_load %arg10[%get3A_712] {strides = array<i32>} : memref<256xi32, #tpu.memory_space<vmem>>, vector<16xi32>,
        %get3A_714 = vector.shape_cast %get3A_713 : vector<16xi32> to vector<16xi32>
        %add3A_715 = vector.broadcast %mul3A_8 : i32 to vector<16xi32>
        %add3A_716 = arith.addi %get3A_714, %add3A_715 : vector<16xi32>
        %swap3A_717 = arith.constant 144 : index
        %swap3A_718 = tpu.vector_load %arg10[%swap3A_717] {strides = array<i32>} : memref<256xi32, #tpu.memory_space<vmem>>, vector<16xi32>,
        %swap3A_719 = vector.shape_cast %swap3A_718 : vector<16xi32> to vector<16xi32>
        %swap3A_720 = vector.shape_cast %add3A_716 : vector<16xi32> to vector<16xi32>
        tpu.vector_store %arg10[%swap3A_717], %swap3A_720 {strides = array<i32>} : memref<256xi32, #tpu.memory_space<vmem>>, vector<16xi32>,
        %get3A_721 = arith.constant 160 : index
        %get3A_722 = tpu.vector_load %arg10[%get3A_721] {strides = array<i32>} : memref<256xi32, #tpu.memory_space<vmem>>, vector<16xi32>,
        %get3A_723 = vector.shape_cast %get3A_722 : vector<16xi32> to vector<16xi32>
        %add3A_724 = vector.broadcast %mul3A_8 : i32 to vector<16xi32>
        %add3A_725 = arith.addi %get3A_723, %add3A_724 : vector<16xi32>
        %swap3A_726 = arith.constant 160 : index
        %swap3A_727 = tpu.vector_load %arg10[%swap3A_726] {strides = array<i32>} : memref<256xi32, #tpu.memory_space<vmem>>, vector<16xi32>,
        %swap3A_728 = vector.shape_cast %swap3A_727 : vector<16xi32> to vector<16xi32>
        %swap3A_729 = vector.shape_cast %add3A_725 : vector<16xi32> to vector<16xi32>
        tpu.vector_store %arg10[%swap3A_726], %swap3A_729 {strides = array<i32>} : memref<256xi32, #tpu.memory_space<vmem>>, vector<16xi32>,
        %get3A_730 = arith.constant 176 : index
        %get3A_731 = tpu.vector_load %arg10[%get3A_730] {strides = array<i32>} : memref<256xi32, #tpu.memory_space<vmem>>, vector<16xi32>,
        %get3A_732 = vector.shape_cast %get3A_731 : vector<16xi32> to vector<16xi32>
        %add3A_733 = vector.broadcast %mul3A_8 : i32 to vector<16xi32>
        %add3A_734 = arith.addi %get3A_732, %add3A_733 : vector<16xi32>
        %swap3A_735 = arith.constant 176 : index
        %swap3A_736 = tpu.vector_load %arg10[%swap3A_735] {strides = array<i32>} : memref<256xi32, #tpu.memory_space<vmem>>, vector<16xi32>,
        %swap3A_737 = vector.shape_cast %swap3A_736 : vector<16xi32> to vector<16xi32>
        %swap3A_738 = vector.shape_cast %add3A_734 : vector<16xi32> to vector<16xi32>
        tpu.vector_store %arg10[%swap3A_735], %swap3A_738 {strides = array<i32>} : memref<256xi32, #tpu.memory_space<vmem>>, vector<16xi32>,
        %get3A_739 = arith.constant 192 : index
        %get3A_740 = tpu.vector_load %arg10[%get3A_739] {strides = array<i32>} : memref<256xi32, #tpu.memory_space<vmem>>, vector<16xi32>,
        %get3A_741 = vector.shape_cast %get3A_740 : vector<16xi32> to vector<16xi32>
        %add3A_742 = vector.broadcast %mul3A_8 : i32 to vector<16xi32>
        %add3A_743 = arith.addi %get3A_741, %add3A_742 : vector<16xi32>
        %swap3A_744 = arith.constant 192 : index
        %swap3A_745 = tpu.vector_load %arg10[%swap3A_744] {strides = array<i32>} : memref<256xi32, #tpu.memory_space<vmem>>, vector<16xi32>,
        %swap3A_746 = vector.shape_cast %swap3A_745 : vector<16xi32> to vector<16xi32>
        %swap3A_747 = vector.shape_cast %add3A_743 : vector<16xi32> to vector<16xi32>
        tpu.vector_store %arg10[%swap3A_744], %swap3A_747 {strides = array<i32>} : memref<256xi32, #tpu.memory_space<vmem>>, vector<16xi32>,
        %get3A_748 = arith.constant 208 : index
        %get3A_749 = tpu.vector_load %arg10[%get3A_748] {strides = array<i32>} : memref<256xi32, #tpu.memory_space<vmem>>, vector<16xi32>,
        %get3A_750 = vector.shape_cast %get3A_749 : vector<16xi32> to vector<16xi32>
        %add3A_751 = vector.broadcast %mul3A_8 : i32 to vector<16xi32>
        %add3A_752 = arith.addi %get3A_750, %add3A_751 : vector<16xi32>
        %swap3A_753 = arith.constant 208 : index
        %swap3A_754 = tpu.vector_load %arg10[%swap3A_753] {strides = array<i32>} : memref<256xi32, #tpu.memory_space<vmem>>, vector<16xi32>,
        %swap3A_755 = vector.shape_cast %swap3A_754 : vector<16xi32> to vector<16xi32>
        %swap3A_756 = vector.shape_cast %add3A_752 : vector<16xi32> to vector<16xi32>
        tpu.vector_store %arg10[%swap3A_753], %swap3A_756 {strides = array<i32>} : memref<256xi32, #tpu.memory_space<vmem>>, vector<16xi32>,
        %get3A_757 = arith.constant 224 : index
        %get3A_758 = tpu.vector_load %arg10[%get3A_757] {strides = array<i32>} : memref<256xi32, #tpu.memory_space<vmem>>, vector<16xi32>,
        %get3A_759 = vector.shape_cast %get3A_758 : vector<16xi32> to vector<16xi32>
        %add3A_760 = vector.broadcast %mul3A_8 : i32 to vector<16xi32>
        %add3A_761 = arith.addi %get3A_759, %add3A_760 : vector<16xi32>
        %swap3A_762 = arith.constant 224 : index
        %swap3A_763 = tpu.vector_load %arg10[%swap3A_762] {strides = array<i32>} : memref<256xi32, #tpu.memory_space<vmem>>, vector<16xi32>,
        %swap3A_764 = vector.shape_cast %swap3A_763 : vector<16xi32> to vector<16xi32>
        %swap3A_765 = vector.shape_cast %add3A_761 : vector<16xi32> to vector<16xi32>
        tpu.vector_store %arg10[%swap3A_762], %swap3A_765 {strides = array<i32>} : memref<256xi32, #tpu.memory_space<vmem>>, vector<16xi32>,
        %get3A_766 = arith.constant 240 : index
        %get3A_767 = tpu.vector_load %arg10[%get3A_766] {strides = array<i32>} : memref<256xi32, #tpu.memory_space<vmem>>, vector<16xi32>,
        %get3A_768 = vector.shape_cast %get3A_767 : vector<16xi32> to vector<16xi32>
        %add3A_769 = vector.broadcast %mul3A_8 : i32 to vector<16xi32>
        %add3A_770 = arith.addi %get3A_768, %add3A_769 : vector<16xi32>
        %swap3A_771 = arith.constant 240 : index
        %swap3A_772 = tpu.vector_load %arg10[%swap3A_771] {strides = array<i32>} : memref<256xi32, #tpu.memory_space<vmem>>, vector<16xi32>,
        %swap3A_773 = vector.shape_cast %swap3A_772 : vector<16xi32> to vector<16xi32>
        %swap3A_774 = vector.shape_cast %add3A_770 : vector<16xi32> to vector<16xi32>
        tpu.vector_store %arg10[%swap3A_771], %swap3A_774 {strides = array<i32>} : memref<256xi32, #tpu.memory_space<vmem>>, vector<16xi32>,
        %dma_start3A_775 = arith.constant 0 : i32
        %dma_start3A_776 = arith.constant 0 : i32
        %dma_start3A_777 = tpu.memref_slice %arg2[%dma_start3A_775, %dma_start3A_776] : memref<20000x64xbf16, #tpu.memory_space<hbm>> -> memref<20000x64xbf16, #tpu.memory_space<hbm>>
        tpu.enqueue_indirect_dma source(%dma_start3A_777 : memref<20000x64xbf16, #tpu.memory_space<hbm>>) target(%arg22 : memref<256x64xbf16, #tpu.memory_space<vmem>>) offsets(%arg10 : memref<256xi32, #tpu.memory_space<vmem>>) semaphore(%arg41 : memref<!tpu.dma_semaphore, #tpu.memory_space<semaphore_mem>>)
      } else {
      }
      %dma_wait3A_510 = arith.constant 0 : i32
      %dma_wait3A_511 = arith.constant 0 : i32
      %dma_wait3A_512 = tpu.memref_slice %arg2[%dma_wait3A_510, %dma_wait3A_511] : memref<20000x64xbf16, #tpu.memory_space<hbm>> -> memref<20000x64xbf16, #tpu.memory_space<hbm>>
      tpu.wait_indirect_dma semaphore(%arg39 : memref<!tpu.dma_semaphore, #tpu.memory_space<semaphore_mem>>) src(%dma_wait3A_512 : memref<20000x64xbf16, #tpu.memory_space<hbm>>) dst(%arg20 : memref<256x64xbf16, #tpu.memory_space<vmem>>)
      %dma_start3A_513 = arith.constant 0 : i32
      %dma_start3A_514 = arith.constant 0 : i32
      %dma_start3A_515 = tpu.memref_slice %arg29[%dma_start3A_513, %dma_start3A_514] : memref<10000x64xbf16, #tpu.memory_space<vmem_shared>> -> memref<10000x64xbf16, #tpu.memory_space<vmem_shared>>
      tpu.enqueue_indirect_dma source(%arg20 : memref<256x64xbf16, #tpu.memory_space<vmem>>) target(%dma_start3A_515 : memref<10000x64xbf16, #tpu.memory_space<vmem_shared>>) offsets(%arg14 : memref<256xi32, #tpu.memory_space<vmem>>) semaphore(%arg45 : memref<!tpu.dma_semaphore, #tpu.memory_space<semaphore_mem>>) {add = true}
      %eq3A_516 = arith.constant 0 : i32
      %eq3A_517 = arith.cmpi eq, %arg0, %eq3A_516 : i32
      %convert_element_type3A_518 = arith.extui %eq3A_517 : i1 to i32
      %cond3A_519 = arith.constant 0 : i32
      %cond3A_520 = arith.cmpi ne, %convert_element_type3A_518, %cond3A_519 : i32
      scf.if %cond3A_520 {
        %dma_start3A_623 = arith.constant 0 : i32
        %dma_start3A_624 = arith.constant 0 : i32
        %dma_start3A_625 = tpu.memref_slice %arg30[%dma_start3A_623, %dma_start3A_624] : memref<10000x16xf32, #tpu.memory_space<vmem_shared>> -> memref<10000x16xf32, #tpu.memory_space<vmem_shared>>
        tpu.enqueue_indirect_dma source(%arg27 : memref<256x16xf32, #tpu.memory_space<vmem>>) target(%dma_start3A_625 : memref<10000x16xf32, #tpu.memory_space<vmem_shared>>) offsets(%arg14 : memref<256xi32, #tpu.memory_space<vmem>>) semaphore(%arg51 : memref<!tpu.dma_semaphore, #tpu.memory_space<semaphore_mem>>) {add = true}
      } else {
      }
      %mul3A_521 = arith.constant 6 : i32
      %mul3A_522 = arith.muli %scan3A_420, %mul3A_521 : i32
      %add3A_523 = arith.constant 3 : i32
      %add3A_524 = arith.addi %mul3A_522, %add3A_523 : i32
      %ge3A_525 = arith.constant 3 : i32
      %ge3A_526 = arith.cmpi sge, %add3A_524, %ge3A_525 : i32
      %convert_element_type3A_527 = arith.extui %ge3A_526 : i1 to i32
      %cond3A_528 = arith.constant 0 : i32
      %cond3A_529 = arith.cmpi ne, %convert_element_type3A_527, %cond3A_528 : i32
      scf.if %cond3A_529 {
        %dma_wait3A_623 = arith.constant 0 : i32
        %dma_wait3A_624 = arith.constant 0 : i32
        %dma_wait3A_625 = tpu.memref_slice %arg29[%dma_wait3A_623, %dma_wait3A_624] : memref<10000x64xbf16, #tpu.memory_space<vmem_shared>> -> memref<10000x64xbf16, #tpu.memory_space<vmem_shared>>
        tpu.wait_indirect_dma semaphore(%arg43 : memref<!tpu.dma_semaphore, #tpu.memory_space<semaphore_mem>>) src(%arg18 : memref<256x64xbf16, #tpu.memory_space<vmem>>) dst(%dma_wait3A_625 : memref<10000x64xbf16, #tpu.memory_space<vmem_shared>>)
        %eq3A_626 = arith.constant 0 : i32
        %eq3A_627 = arith.cmpi eq, %arg0, %eq3A_626 : i32
        %convert_element_type3A_628 = arith.extui %eq3A_627 : i1 to i32
        %cond3A_629 = arith.constant 0 : i32
        %cond3A_630 = arith.cmpi ne, %convert_element_type3A_628, %cond3A_629 : i32
        scf.if %cond3A_630 {
          %dma_wait3A_631 = arith.constant 0 : i32
          %dma_wait3A_632 = arith.constant 0 : i32
          %dma_wait3A_633 = tpu.memref_slice %arg30[%dma_wait3A_631, %dma_wait3A_632] : memref<10000x16xf32, #tpu.memory_space<vmem_shared>> -> memref<10000x16xf32, #tpu.memory_space<vmem_shared>>
          tpu.wait_indirect_dma semaphore(%arg49 : memref<!tpu.dma_semaphore, #tpu.memory_space<semaphore_mem>>) src(%arg27 : memref<256x16xf32, #tpu.memory_space<vmem>>) dst(%dma_wait3A_633 : memref<10000x16xf32, #tpu.memory_space<vmem_shared>>)
        } else {
        }
      } else {
      }
      %add3A_530 = arith.constant 3 : i32
      %add3A_531 = arith.addi %add3A_524, %add3A_530 : i32
      %lt3A_532 = arith.constant 78 : i32
      %lt3A_533 = arith.cmpi slt, %add3A_531, %lt3A_532 : i32
      %convert_element_type3A_534 = arith.extui %lt3A_533 : i1 to i32
      %cond3A_535 = arith.constant 0 : i32
      %cond3A_536 = arith.cmpi ne, %convert_element_type3A_534, %cond3A_535 : i32
      scf.if %cond3A_536 {
        %add3A_623 = arith.constant 3 : i32
        %add3A_624 = arith.addi %add3A_524, %add3A_623 : i32
        %mul3A_625 = arith.constant 256 : i32
        %mul3A_626 = arith.muli %add3A_624, %mul3A_625 : i32
        %add3A_627 = arith.addi %mul3A_31, %mul3A_626 : i32
        %dma_start3A_628 = tpu.memref_slice %arg3[%add3A_627] : memref<640000xi32, #tpu.memory_space<hbm>> -> memref<256xi32, #tpu.memory_space<hbm>>
        %dma_start3A_629 = tpu.memref_slice %arg3[%add3A_627] : memref<640000xi32, #tpu.memory_space<hbm>> -> memref<256xi32, #tpu.memory_space<hbm>>
        tpu.enqueue_dma source(%dma_start3A_629 : memref<256xi32, #tpu.memory_space<hbm>>) target(%arg6 : memref<256xi32, #tpu.memory_space<vmem>>) target_semaphore(%arg31 : memref<!tpu.dma_semaphore, #tpu.memory_space<semaphore_mem>>)
        %add3A_630 = arith.constant 320000 : i32
        %add3A_631 = arith.addi %add3A_630, %add3A_627 : i32
        %dma_start3A_632 = tpu.memref_slice %arg3[%add3A_631] : memref<640000xi32, #tpu.memory_space<hbm>> -> memref<256xi32, #tpu.memory_space<hbm>>
        %dma_start3A_633 = tpu.memref_slice %arg3[%add3A_631] : memref<640000xi32, #tpu.memory_space<hbm>> -> memref<256xi32, #tpu.memory_space<hbm>>
        tpu.enqueue_dma source(%dma_start3A_633 : memref<256xi32, #tpu.memory_space<hbm>>) target(%arg12 : memref<256xi32, #tpu.memory_space<vmem>>) target_semaphore(%arg31 : memref<!tpu.dma_semaphore, #tpu.memory_space<semaphore_mem>>)
      } else {
      }
      %add3A_537 = arith.constant 2 : i32
      %add3A_538 = arith.addi %add3A_524, %add3A_537 : i32
      %lt3A_539 = arith.constant 78 : i32
      %lt3A_540 = arith.cmpi slt, %add3A_538, %lt3A_539 : i32
      %convert_element_type3A_541 = arith.extui %lt3A_540 : i1 to i32
      %cond3A_542 = arith.constant 0 : i32
      %cond3A_543 = arith.cmpi ne, %convert_element_type3A_541, %cond3A_542 : i32
      scf.if %cond3A_543 {
        %dma_wait3A_623 = arith.constant 0 : i32
        %dma_wait3A_624 = tpu.memref_slice %arg3[%dma_wait3A_623] : memref<640000xi32, #tpu.memory_space<hbm>> -> memref<256xi32, #tpu.memory_space<hbm>>
        %dma_wait3A_625 = arith.constant 0 : i32
        %dma_wait3A_626 = tpu.memref_slice %arg3[%dma_wait3A_625] : memref<640000xi32, #tpu.memory_space<hbm>> -> memref<256xi32, #tpu.memory_space<hbm>>
        tpu.wait_dma2 semaphore(%arg36 : memref<!tpu.dma_semaphore, #tpu.memory_space<semaphore_mem>>) src(%dma_wait3A_626 : memref<256xi32, #tpu.memory_space<hbm>>) dst(%arg11 : memref<256xi32, #tpu.memory_space<vmem>>)
        %dma_wait3A_627 = arith.constant 0 : i32
        %dma_wait3A_628 = tpu.memref_slice %arg3[%dma_wait3A_627] : memref<640000xi32, #tpu.memory_space<hbm>> -> memref<256xi32, #tpu.memory_space<hbm>>
        %dma_wait3A_629 = arith.constant 0 : i32
        %dma_wait3A_630 = tpu.memref_slice %arg3[%dma_wait3A_629] : memref<640000xi32, #tpu.memory_space<hbm>> -> memref<256xi32, #tpu.memory_space<hbm>>
        tpu.wait_dma2 semaphore(%arg36 : memref<!tpu.dma_semaphore, #tpu.memory_space<semaphore_mem>>) src(%dma_wait3A_630 : memref<256xi32, #tpu.memory_space<hbm>>) dst(%arg17 : memref<256xi32, #tpu.memory_space<vmem>>)
        %get3A_631 = arith.constant 0 : index
        %get3A_632 = tpu.vector_load %arg11[%get3A_631] {strides = array<i32>} : memref<256xi32, #tpu.memory_space<vmem>>, vector<16xi32>,
        %get3A_633 = vector.shape_cast %get3A_632 : vector<16xi32> to vector<16xi32>
        %add3A_634 = vector.broadcast %mul3A_8 : i32 to vector<16xi32>
        %add3A_635 = arith.addi %get3A_633, %add3A_634 : vector<16xi32>
        %swap3A_636 = arith.constant 0 : index
        %swap3A_637 = tpu.vector_load %arg11[%swap3A_636] {strides = array<i32>} : memref<256xi32, #tpu.memory_space<vmem>>, vector<16xi32>,
        %swap3A_638 = vector.shape_cast %swap3A_637 : vector<16xi32> to vector<16xi32>
        %swap3A_639 = vector.shape_cast %add3A_635 : vector<16xi32> to vector<16xi32>
        tpu.vector_store %arg11[%swap3A_636], %swap3A_639 {strides = array<i32>} : memref<256xi32, #tpu.memory_space<vmem>>, vector<16xi32>,
        %get3A_640 = arith.constant 16 : index
        %get3A_641 = tpu.vector_load %arg11[%get3A_640] {strides = array<i32>} : memref<256xi32, #tpu.memory_space<vmem>>, vector<16xi32>,
        %get3A_642 = vector.shape_cast %get3A_641 : vector<16xi32> to vector<16xi32>
        %add3A_643 = vector.broadcast %mul3A_8 : i32 to vector<16xi32>
        %add3A_644 = arith.addi %get3A_642, %add3A_643 : vector<16xi32>
        %swap3A_645 = arith.constant 16 : index
        %swap3A_646 = tpu.vector_load %arg11[%swap3A_645] {strides = array<i32>} : memref<256xi32, #tpu.memory_space<vmem>>, vector<16xi32>,
        %swap3A_647 = vector.shape_cast %swap3A_646 : vector<16xi32> to vector<16xi32>
        %swap3A_648 = vector.shape_cast %add3A_644 : vector<16xi32> to vector<16xi32>
        tpu.vector_store %arg11[%swap3A_645], %swap3A_648 {strides = array<i32>} : memref<256xi32, #tpu.memory_space<vmem>>, vector<16xi32>,
        %get3A_649 = arith.constant 32 : index
        %get3A_650 = tpu.vector_load %arg11[%get3A_649] {strides = array<i32>} : memref<256xi32, #tpu.memory_space<vmem>>, vector<16xi32>,
        %get3A_651 = vector.shape_cast %get3A_650 : vector<16xi32> to vector<16xi32>
        %add3A_652 = vector.broadcast %mul3A_8 : i32 to vector<16xi32>
        %add3A_653 = arith.addi %get3A_651, %add3A_652 : vector<16xi32>
        %swap3A_654 = arith.constant 32 : index
        %swap3A_655 = tpu.vector_load %arg11[%swap3A_654] {strides = array<i32>} : memref<256xi32, #tpu.memory_space<vmem>>, vector<16xi32>,
        %swap3A_656 = vector.shape_cast %swap3A_655 : vector<16xi32> to vector<16xi32>
        %swap3A_657 = vector.shape_cast %add3A_653 : vector<16xi32> to vector<16xi32>
        tpu.vector_store %arg11[%swap3A_654], %swap3A_657 {strides = array<i32>} : memref<256xi32, #tpu.memory_space<vmem>>, vector<16xi32>,
        %get3A_658 = arith.constant 48 : index
        %get3A_659 = tpu.vector_load %arg11[%get3A_658] {strides = array<i32>} : memref<256xi32, #tpu.memory_space<vmem>>, vector<16xi32>,
        %get3A_660 = vector.shape_cast %get3A_659 : vector<16xi32> to vector<16xi32>
        %add3A_661 = vector.broadcast %mul3A_8 : i32 to vector<16xi32>
        %add3A_662 = arith.addi %get3A_660, %add3A_661 : vector<16xi32>
        %swap3A_663 = arith.constant 48 : index
        %swap3A_664 = tpu.vector_load %arg11[%swap3A_663] {strides = array<i32>} : memref<256xi32, #tpu.memory_space<vmem>>, vector<16xi32>,
        %swap3A_665 = vector.shape_cast %swap3A_664 : vector<16xi32> to vector<16xi32>
        %swap3A_666 = vector.shape_cast %add3A_662 : vector<16xi32> to vector<16xi32>
        tpu.vector_store %arg11[%swap3A_663], %swap3A_666 {strides = array<i32>} : memref<256xi32, #tpu.memory_space<vmem>>, vector<16xi32>,
        %get3A_667 = arith.constant 64 : index
        %get3A_668 = tpu.vector_load %arg11[%get3A_667] {strides = array<i32>} : memref<256xi32, #tpu.memory_space<vmem>>, vector<16xi32>,
        %get3A_669 = vector.shape_cast %get3A_668 : vector<16xi32> to vector<16xi32>
        %add3A_670 = vector.broadcast %mul3A_8 : i32 to vector<16xi32>
        %add3A_671 = arith.addi %get3A_669, %add3A_670 : vector<16xi32>
        %swap3A_672 = arith.constant 64 : index
        %swap3A_673 = tpu.vector_load %arg11[%swap3A_672] {strides = array<i32>} : memref<256xi32, #tpu.memory_space<vmem>>, vector<16xi32>,
        %swap3A_674 = vector.shape_cast %swap3A_673 : vector<16xi32> to vector<16xi32>
        %swap3A_675 = vector.shape_cast %add3A_671 : vector<16xi32> to vector<16xi32>
        tpu.vector_store %arg11[%swap3A_672], %swap3A_675 {strides = array<i32>} : memref<256xi32, #tpu.memory_space<vmem>>, vector<16xi32>,
        %get3A_676 = arith.constant 80 : index
        %get3A_677 = tpu.vector_load %arg11[%get3A_676] {strides = array<i32>} : memref<256xi32, #tpu.memory_space<vmem>>, vector<16xi32>,
        %get3A_678 = vector.shape_cast %get3A_677 : vector<16xi32> to vector<16xi32>
        %add3A_679 = vector.broadcast %mul3A_8 : i32 to vector<16xi32>
        %add3A_680 = arith.addi %get3A_678, %add3A_679 : vector<16xi32>
        %swap3A_681 = arith.constant 80 : index
        %swap3A_682 = tpu.vector_load %arg11[%swap3A_681] {strides = array<i32>} : memref<256xi32, #tpu.memory_space<vmem>>, vector<16xi32>,
        %swap3A_683 = vector.shape_cast %swap3A_682 : vector<16xi32> to vector<16xi32>
        %swap3A_684 = vector.shape_cast %add3A_680 : vector<16xi32> to vector<16xi32>
        tpu.vector_store %arg11[%swap3A_681], %swap3A_684 {strides = array<i32>} : memref<256xi32, #tpu.memory_space<vmem>>, vector<16xi32>,
        %get3A_685 = arith.constant 96 : index
        %get3A_686 = tpu.vector_load %arg11[%get3A_685] {strides = array<i32>} : memref<256xi32, #tpu.memory_space<vmem>>, vector<16xi32>,
        %get3A_687 = vector.shape_cast %get3A_686 : vector<16xi32> to vector<16xi32>
        %add3A_688 = vector.broadcast %mul3A_8 : i32 to vector<16xi32>
        %add3A_689 = arith.addi %get3A_687, %add3A_688 : vector<16xi32>
        %swap3A_690 = arith.constant 96 : index
        %swap3A_691 = tpu.vector_load %arg11[%swap3A_690] {strides = array<i32>} : memref<256xi32, #tpu.memory_space<vmem>>, vector<16xi32>,
        %swap3A_692 = vector.shape_cast %swap3A_691 : vector<16xi32> to vector<16xi32>
        %swap3A_693 = vector.shape_cast %add3A_689 : vector<16xi32> to vector<16xi32>
        tpu.vector_store %arg11[%swap3A_690], %swap3A_693 {strides = array<i32>} : memref<256xi32, #tpu.memory_space<vmem>>, vector<16xi32>,
        %get3A_694 = arith.constant 112 : index
        %get3A_695 = tpu.vector_load %arg11[%get3A_694] {strides = array<i32>} : memref<256xi32, #tpu.memory_space<vmem>>, vector<16xi32>,
        %get3A_696 = vector.shape_cast %get3A_695 : vector<16xi32> to vector<16xi32>
        %add3A_697 = vector.broadcast %mul3A_8 : i32 to vector<16xi32>
        %add3A_698 = arith.addi %get3A_696, %add3A_697 : vector<16xi32>
        %swap3A_699 = arith.constant 112 : index
        %swap3A_700 = tpu.vector_load %arg11[%swap3A_699] {strides = array<i32>} : memref<256xi32, #tpu.memory_space<vmem>>, vector<16xi32>,
        %swap3A_701 = vector.shape_cast %swap3A_700 : vector<16xi32> to vector<16xi32>
        %swap3A_702 = vector.shape_cast %add3A_698 : vector<16xi32> to vector<16xi32>
        tpu.vector_store %arg11[%swap3A_699], %swap3A_702 {strides = array<i32>} : memref<256xi32, #tpu.memory_space<vmem>>, vector<16xi32>,
        %get3A_703 = arith.constant 128 : index
        %get3A_704 = tpu.vector_load %arg11[%get3A_703] {strides = array<i32>} : memref<256xi32, #tpu.memory_space<vmem>>, vector<16xi32>,
        %get3A_705 = vector.shape_cast %get3A_704 : vector<16xi32> to vector<16xi32>
        %add3A_706 = vector.broadcast %mul3A_8 : i32 to vector<16xi32>
        %add3A_707 = arith.addi %get3A_705, %add3A_706 : vector<16xi32>
        %swap3A_708 = arith.constant 128 : index
        %swap3A_709 = tpu.vector_load %arg11[%swap3A_708] {strides = array<i32>} : memref<256xi32, #tpu.memory_space<vmem>>, vector<16xi32>,
        %swap3A_710 = vector.shape_cast %swap3A_709 : vector<16xi32> to vector<16xi32>
        %swap3A_711 = vector.shape_cast %add3A_707 : vector<16xi32> to vector<16xi32>
        tpu.vector_store %arg11[%swap3A_708], %swap3A_711 {strides = array<i32>} : memref<256xi32, #tpu.memory_space<vmem>>, vector<16xi32>,
        %get3A_712 = arith.constant 144 : index
        %get3A_713 = tpu.vector_load %arg11[%get3A_712] {strides = array<i32>} : memref<256xi32, #tpu.memory_space<vmem>>, vector<16xi32>,
        %get3A_714 = vector.shape_cast %get3A_713 : vector<16xi32> to vector<16xi32>
        %add3A_715 = vector.broadcast %mul3A_8 : i32 to vector<16xi32>
        %add3A_716 = arith.addi %get3A_714, %add3A_715 : vector<16xi32>
        %swap3A_717 = arith.constant 144 : index
        %swap3A_718 = tpu.vector_load %arg11[%swap3A_717] {strides = array<i32>} : memref<256xi32, #tpu.memory_space<vmem>>, vector<16xi32>,
        %swap3A_719 = vector.shape_cast %swap3A_718 : vector<16xi32> to vector<16xi32>
        %swap3A_720 = vector.shape_cast %add3A_716 : vector<16xi32> to vector<16xi32>
        tpu.vector_store %arg11[%swap3A_717], %swap3A_720 {strides = array<i32>} : memref<256xi32, #tpu.memory_space<vmem>>, vector<16xi32>,
        %get3A_721 = arith.constant 160 : index
        %get3A_722 = tpu.vector_load %arg11[%get3A_721] {strides = array<i32>} : memref<256xi32, #tpu.memory_space<vmem>>, vector<16xi32>,
        %get3A_723 = vector.shape_cast %get3A_722 : vector<16xi32> to vector<16xi32>
        %add3A_724 = vector.broadcast %mul3A_8 : i32 to vector<16xi32>
        %add3A_725 = arith.addi %get3A_723, %add3A_724 : vector<16xi32>
        %swap3A_726 = arith.constant 160 : index
        %swap3A_727 = tpu.vector_load %arg11[%swap3A_726] {strides = array<i32>} : memref<256xi32, #tpu.memory_space<vmem>>, vector<16xi32>,
        %swap3A_728 = vector.shape_cast %swap3A_727 : vector<16xi32> to vector<16xi32>
        %swap3A_729 = vector.shape_cast %add3A_725 : vector<16xi32> to vector<16xi32>
        tpu.vector_store %arg11[%swap3A_726], %swap3A_729 {strides = array<i32>} : memref<256xi32, #tpu.memory_space<vmem>>, vector<16xi32>,
        %get3A_730 = arith.constant 176 : index
        %get3A_731 = tpu.vector_load %arg11[%get3A_730] {strides = array<i32>} : memref<256xi32, #tpu.memory_space<vmem>>, vector<16xi32>,
        %get3A_732 = vector.shape_cast %get3A_731 : vector<16xi32> to vector<16xi32>
        %add3A_733 = vector.broadcast %mul3A_8 : i32 to vector<16xi32>
        %add3A_734 = arith.addi %get3A_732, %add3A_733 : vector<16xi32>
        %swap3A_735 = arith.constant 176 : index
        %swap3A_736 = tpu.vector_load %arg11[%swap3A_735] {strides = array<i32>} : memref<256xi32, #tpu.memory_space<vmem>>, vector<16xi32>,
        %swap3A_737 = vector.shape_cast %swap3A_736 : vector<16xi32> to vector<16xi32>
        %swap3A_738 = vector.shape_cast %add3A_734 : vector<16xi32> to vector<16xi32>
        tpu.vector_store %arg11[%swap3A_735], %swap3A_738 {strides = array<i32>} : memref<256xi32, #tpu.memory_space<vmem>>, vector<16xi32>,
        %get3A_739 = arith.constant 192 : index
        %get3A_740 = tpu.vector_load %arg11[%get3A_739] {strides = array<i32>} : memref<256xi32, #tpu.memory_space<vmem>>, vector<16xi32>,
        %get3A_741 = vector.shape_cast %get3A_740 : vector<16xi32> to vector<16xi32>
        %add3A_742 = vector.broadcast %mul3A_8 : i32 to vector<16xi32>
        %add3A_743 = arith.addi %get3A_741, %add3A_742 : vector<16xi32>
        %swap3A_744 = arith.constant 192 : index
        %swap3A_745 = tpu.vector_load %arg11[%swap3A_744] {strides = array<i32>} : memref<256xi32, #tpu.memory_space<vmem>>, vector<16xi32>,
        %swap3A_746 = vector.shape_cast %swap3A_745 : vector<16xi32> to vector<16xi32>
        %swap3A_747 = vector.shape_cast %add3A_743 : vector<16xi32> to vector<16xi32>
        tpu.vector_store %arg11[%swap3A_744], %swap3A_747 {strides = array<i32>} : memref<256xi32, #tpu.memory_space<vmem>>, vector<16xi32>,
        %get3A_748 = arith.constant 208 : index
        %get3A_749 = tpu.vector_load %arg11[%get3A_748] {strides = array<i32>} : memref<256xi32, #tpu.memory_space<vmem>>, vector<16xi32>,
        %get3A_750 = vector.shape_cast %get3A_749 : vector<16xi32> to vector<16xi32>
        %add3A_751 = vector.broadcast %mul3A_8 : i32 to vector<16xi32>
        %add3A_752 = arith.addi %get3A_750, %add3A_751 : vector<16xi32>
        %swap3A_753 = arith.constant 208 : index
        %swap3A_754 = tpu.vector_load %arg11[%swap3A_753] {strides = array<i32>} : memref<256xi32, #tpu.memory_space<vmem>>, vector<16xi32>,
        %swap3A_755 = vector.shape_cast %swap3A_754 : vector<16xi32> to vector<16xi32>
        %swap3A_756 = vector.shape_cast %add3A_752 : vector<16xi32> to vector<16xi32>
        tpu.vector_store %arg11[%swap3A_753], %swap3A_756 {strides = array<i32>} : memref<256xi32, #tpu.memory_space<vmem>>, vector<16xi32>,
        %get3A_757 = arith.constant 224 : index
        %get3A_758 = tpu.vector_load %arg11[%get3A_757] {strides = array<i32>} : memref<256xi32, #tpu.memory_space<vmem>>, vector<16xi32>,
        %get3A_759 = vector.shape_cast %get3A_758 : vector<16xi32> to vector<16xi32>
        %add3A_760 = vector.broadcast %mul3A_8 : i32 to vector<16xi32>
        %add3A_761 = arith.addi %get3A_759, %add3A_760 : vector<16xi32>
        %swap3A_762 = arith.constant 224 : index
        %swap3A_763 = tpu.vector_load %arg11[%swap3A_762] {strides = array<i32>} : memref<256xi32, #tpu.memory_space<vmem>>, vector<16xi32>,
        %swap3A_764 = vector.shape_cast %swap3A_763 : vector<16xi32> to vector<16xi32>
        %swap3A_765 = vector.shape_cast %add3A_761 : vector<16xi32> to vector<16xi32>
        tpu.vector_store %arg11[%swap3A_762], %swap3A_765 {strides = array<i32>} : memref<256xi32, #tpu.memory_space<vmem>>, vector<16xi32>,
        %get3A_766 = arith.constant 240 : index
        %get3A_767 = tpu.vector_load %arg11[%get3A_766] {strides = array<i32>} : memref<256xi32, #tpu.memory_space<vmem>>, vector<16xi32>,
        %get3A_768 = vector.shape_cast %get3A_767 : vector<16xi32> to vector<16xi32>
        %add3A_769 = vector.broadcast %mul3A_8 : i32 to vector<16xi32>
        %add3A_770 = arith.addi %get3A_768, %add3A_769 : vector<16xi32>
        %swap3A_771 = arith.constant 240 : index
        %swap3A_772 = tpu.vector_load %arg11[%swap3A_771] {strides = array<i32>} : memref<256xi32, #tpu.memory_space<vmem>>, vector<16xi32>,
        %swap3A_773 = vector.shape_cast %swap3A_772 : vector<16xi32> to vector<16xi32>
        %swap3A_774 = vector.shape_cast %add3A_770 : vector<16xi32> to vector<16xi32>
        tpu.vector_store %arg11[%swap3A_771], %swap3A_774 {strides = array<i32>} : memref<256xi32, #tpu.memory_space<vmem>>, vector<16xi32>,
        %dma_start3A_775 = arith.constant 0 : i32
        %dma_start3A_776 = arith.constant 0 : i32
        %dma_start3A_777 = tpu.memref_slice %arg2[%dma_start3A_775, %dma_start3A_776] : memref<20000x64xbf16, #tpu.memory_space<hbm>> -> memref<20000x64xbf16, #tpu.memory_space<hbm>>
        tpu.enqueue_indirect_dma source(%dma_start3A_777 : memref<20000x64xbf16, #tpu.memory_space<hbm>>) target(%arg23 : memref<256x64xbf16, #tpu.memory_space<vmem>>) offsets(%arg11 : memref<256xi32, #tpu.memory_space<vmem>>) semaphore(%arg42 : memref<!tpu.dma_semaphore, #tpu.memory_space<semaphore_mem>>)
      } else {
      }
      %dma_wait3A_544 = arith.constant 0 : i32
      %dma_wait3A_545 = arith.constant 0 : i32
      %dma_wait3A_546 = tpu.memref_slice %arg2[%dma_wait3A_544, %dma_wait3A_545] : memref<20000x64xbf16, #tpu.memory_space<hbm>> -> memref<20000x64xbf16, #tpu.memory_space<hbm>>
      tpu.wait_indirect_dma semaphore(%arg40 : memref<!tpu.dma_semaphore, #tpu.memory_space<semaphore_mem>>) src(%dma_wait3A_546 : memref<20000x64xbf16, #tpu.memory_space<hbm>>) dst(%arg21 : memref<256x64xbf16, #tpu.memory_space<vmem>>)
      %dma_start3A_547 = arith.constant 0 : i32
      %dma_start3A_548 = arith.constant 0 : i32
      %dma_start3A_549 = tpu.memref_slice %arg29[%dma_start3A_547, %dma_start3A_548] : memref<10000x64xbf16, #tpu.memory_space<vmem_shared>> -> memref<10000x64xbf16, #tpu.memory_space<vmem_shared>>
      tpu.enqueue_indirect_dma source(%arg21 : memref<256x64xbf16, #tpu.memory_space<vmem>>) target(%dma_start3A_549 : memref<10000x64xbf16, #tpu.memory_space<vmem_shared>>) offsets(%arg15 : memref<256xi32, #tpu.memory_space<vmem>>) semaphore(%arg46 : memref<!tpu.dma_semaphore, #tpu.memory_space<semaphore_mem>>) {add = true}
      %eq3A_550 = arith.constant 1 : i32
      %eq3A_551 = arith.cmpi eq, %arg0, %eq3A_550 : i32
      %convert_element_type3A_552 = arith.extui %eq3A_551 : i1 to i32
      %cond3A_553 = arith.constant 0 : i32
      %cond3A_554 = arith.cmpi ne, %convert_element_type3A_552, %cond3A_553 : i32
      scf.if %cond3A_554 {
        %dma_start3A_623 = arith.constant 0 : i32
        %dma_start3A_624 = arith.constant 0 : i32
        %dma_start3A_625 = tpu.memref_slice %arg30[%dma_start3A_623, %dma_start3A_624] : memref<10000x16xf32, #tpu.memory_space<vmem_shared>> -> memref<10000x16xf32, #tpu.memory_space<vmem_shared>>
        tpu.enqueue_indirect_dma source(%arg27 : memref<256x16xf32, #tpu.memory_space<vmem>>) target(%dma_start3A_625 : memref<10000x16xf32, #tpu.memory_space<vmem_shared>>) offsets(%arg15 : memref<256xi32, #tpu.memory_space<vmem>>) semaphore(%arg52 : memref<!tpu.dma_semaphore, #tpu.memory_space<semaphore_mem>>) {add = true}
      } else {
      }
      %mul3A_555 = arith.constant 6 : i32
      %mul3A_556 = arith.muli %scan3A_420, %mul3A_555 : i32
      %add3A_557 = arith.constant 4 : i32
      %add3A_558 = arith.addi %mul3A_556, %add3A_557 : i32
      %ge3A_559 = arith.constant 3 : i32
      %ge3A_560 = arith.cmpi sge, %add3A_558, %ge3A_559 : i32
      %convert_element_type3A_561 = arith.extui %ge3A_560 : i1 to i32
      %cond3A_562 = arith.constant 0 : i32
      %cond3A_563 = arith.cmpi ne, %convert_element_type3A_561, %cond3A_562 : i32
      scf.if %cond3A_563 {
        %dma_wait3A_623 = arith.constant 0 : i32
        %dma_wait3A_624 = arith.constant 0 : i32
        %dma_wait3A_625 = tpu.memref_slice %arg29[%dma_wait3A_623, %dma_wait3A_624] : memref<10000x64xbf16, #tpu.memory_space<vmem_shared>> -> memref<10000x64xbf16, #tpu.memory_space<vmem_shared>>
        tpu.wait_indirect_dma semaphore(%arg44 : memref<!tpu.dma_semaphore, #tpu.memory_space<semaphore_mem>>) src(%arg19 : memref<256x64xbf16, #tpu.memory_space<vmem>>) dst(%dma_wait3A_625 : memref<10000x64xbf16, #tpu.memory_space<vmem_shared>>)
        %eq3A_626 = arith.constant 1 : i32
        %eq3A_627 = arith.cmpi eq, %arg0, %eq3A_626 : i32
        %convert_element_type3A_628 = arith.extui %eq3A_627 : i1 to i32
        %cond3A_629 = arith.constant 0 : i32
        %cond3A_630 = arith.cmpi ne, %convert_element_type3A_628, %cond3A_629 : i32
        scf.if %cond3A_630 {
          %dma_wait3A_631 = arith.constant 0 : i32
          %dma_wait3A_632 = arith.constant 0 : i32
          %dma_wait3A_633 = tpu.memref_slice %arg30[%dma_wait3A_631, %dma_wait3A_632] : memref<10000x16xf32, #tpu.memory_space<vmem_shared>> -> memref<10000x16xf32, #tpu.memory_space<vmem_shared>>
          tpu.wait_indirect_dma semaphore(%arg50 : memref<!tpu.dma_semaphore, #tpu.memory_space<semaphore_mem>>) src(%arg27 : memref<256x16xf32, #tpu.memory_space<vmem>>) dst(%dma_wait3A_633 : memref<10000x16xf32, #tpu.memory_space<vmem_shared>>)
        } else {
        }
      } else {
      }
      %add3A_564 = arith.constant 3 : i32
      %add3A_565 = arith.addi %add3A_558, %add3A_564 : i32
      %lt3A_566 = arith.constant 78 : i32
      %lt3A_567 = arith.cmpi slt, %add3A_565, %lt3A_566 : i32
      %convert_element_type3A_568 = arith.extui %lt3A_567 : i1 to i32
      %cond3A_569 = arith.constant 0 : i32
      %cond3A_570 = arith.cmpi ne, %convert_element_type3A_568, %cond3A_569 : i32
      scf.if %cond3A_570 {
        %add3A_623 = arith.constant 3 : i32
        %add3A_624 = arith.addi %add3A_558, %add3A_623 : i32
        %mul3A_625 = arith.constant 256 : i32
        %mul3A_626 = arith.muli %add3A_624, %mul3A_625 : i32
        %add3A_627 = arith.addi %mul3A_31, %mul3A_626 : i32
        %dma_start3A_628 = tpu.memref_slice %arg3[%add3A_627] : memref<640000xi32, #tpu.memory_space<hbm>> -> memref<256xi32, #tpu.memory_space<hbm>>
        %dma_start3A_629 = tpu.memref_slice %arg3[%add3A_627] : memref<640000xi32, #tpu.memory_space<hbm>> -> memref<256xi32, #tpu.memory_space<hbm>>
        tpu.enqueue_dma source(%dma_start3A_629 : memref<256xi32, #tpu.memory_space<hbm>>) target(%arg7 : memref<256xi32, #tpu.memory_space<vmem>>) target_semaphore(%arg32 : memref<!tpu.dma_semaphore, #tpu.memory_space<semaphore_mem>>)
        %add3A_630 = arith.constant 320000 : i32
        %add3A_631 = arith.addi %add3A_630, %add3A_627 : i32
        %dma_start3A_632 = tpu.memref_slice %arg3[%add3A_631] : memref<640000xi32, #tpu.memory_space<hbm>> -> memref<256xi32, #tpu.memory_space<hbm>>
        %dma_start3A_633 = tpu.memref_slice %arg3[%add3A_631] : memref<640000xi32, #tpu.memory_space<hbm>> -> memref<256xi32, #tpu.memory_space<hbm>>
        tpu.enqueue_dma source(%dma_start3A_633 : memref<256xi32, #tpu.memory_space<hbm>>) target(%arg13 : memref<256xi32, #tpu.memory_space<vmem>>) target_semaphore(%arg32 : memref<!tpu.dma_semaphore, #tpu.memory_space<semaphore_mem>>)
      } else {
      }
      %add3A_571 = arith.constant 2 : i32
      %add3A_572 = arith.addi %add3A_558, %add3A_571 : i32
      %lt3A_573 = arith.constant 78 : i32
      %lt3A_574 = arith.cmpi slt, %add3A_572, %lt3A_573 : i32
      %convert_element_type3A_575 = arith.extui %lt3A_574 : i1 to i32
      %cond3A_576 = arith.constant 0 : i32
      %cond3A_577 = arith.cmpi ne, %convert_element_type3A_575, %cond3A_576 : i32
      scf.if %cond3A_577 {
        %dma_wait3A_623 = arith.constant 0 : i32
        %dma_wait3A_624 = tpu.memref_slice %arg3[%dma_wait3A_623] : memref<640000xi32, #tpu.memory_space<hbm>> -> memref<256xi32, #tpu.memory_space<hbm>>
        %dma_wait3A_625 = arith.constant 0 : i32
        %dma_wait3A_626 = tpu.memref_slice %arg3[%dma_wait3A_625] : memref<640000xi32, #tpu.memory_space<hbm>> -> memref<256xi32, #tpu.memory_space<hbm>>
        tpu.wait_dma2 semaphore(%arg31 : memref<!tpu.dma_semaphore, #tpu.memory_space<semaphore_mem>>) src(%dma_wait3A_626 : memref<256xi32, #tpu.memory_space<hbm>>) dst(%arg6 : memref<256xi32, #tpu.memory_space<vmem>>)
        %dma_wait3A_627 = arith.constant 0 : i32
        %dma_wait3A_628 = tpu.memref_slice %arg3[%dma_wait3A_627] : memref<640000xi32, #tpu.memory_space<hbm>> -> memref<256xi32, #tpu.memory_space<hbm>>
        %dma_wait3A_629 = arith.constant 0 : i32
        %dma_wait3A_630 = tpu.memref_slice %arg3[%dma_wait3A_629] : memref<640000xi32, #tpu.memory_space<hbm>> -> memref<256xi32, #tpu.memory_space<hbm>>
        tpu.wait_dma2 semaphore(%arg31 : memref<!tpu.dma_semaphore, #tpu.memory_space<semaphore_mem>>) src(%dma_wait3A_630 : memref<256xi32, #tpu.memory_space<hbm>>) dst(%arg12 : memref<256xi32, #tpu.memory_space<vmem>>)
        %get3A_631 = arith.constant 0 : index
        %get3A_632 = tpu.vector_load %arg6[%get3A_631] {strides = array<i32>} : memref<256xi32, #tpu.memory_space<vmem>>, vector<16xi32>,
        %get3A_633 = vector.shape_cast %get3A_632 : vector<16xi32> to vector<16xi32>
        %add3A_634 = vector.broadcast %mul3A_8 : i32 to vector<16xi32>
        %add3A_635 = arith.addi %get3A_633, %add3A_634 : vector<16xi32>
        %swap3A_636 = arith.constant 0 : index
        %swap3A_637 = tpu.vector_load %arg6[%swap3A_636] {strides = array<i32>} : memref<256xi32, #tpu.memory_space<vmem>>, vector<16xi32>,
        %swap3A_638 = vector.shape_cast %swap3A_637 : vector<16xi32> to vector<16xi32>
        %swap3A_639 = vector.shape_cast %add3A_635 : vector<16xi32> to vector<16xi32>
        tpu.vector_store %arg6[%swap3A_636], %swap3A_639 {strides = array<i32>} : memref<256xi32, #tpu.memory_space<vmem>>, vector<16xi32>,
        %get3A_640 = arith.constant 16 : index
        %get3A_641 = tpu.vector_load %arg6[%get3A_640] {strides = array<i32>} : memref<256xi32, #tpu.memory_space<vmem>>, vector<16xi32>,
        %get3A_642 = vector.shape_cast %get3A_641 : vector<16xi32> to vector<16xi32>
        %add3A_643 = vector.broadcast %mul3A_8 : i32 to vector<16xi32>
        %add3A_644 = arith.addi %get3A_642, %add3A_643 : vector<16xi32>
        %swap3A_645 = arith.constant 16 : index
        %swap3A_646 = tpu.vector_load %arg6[%swap3A_645] {strides = array<i32>} : memref<256xi32, #tpu.memory_space<vmem>>, vector<16xi32>,
        %swap3A_647 = vector.shape_cast %swap3A_646 : vector<16xi32> to vector<16xi32>
        %swap3A_648 = vector.shape_cast %add3A_644 : vector<16xi32> to vector<16xi32>
        tpu.vector_store %arg6[%swap3A_645], %swap3A_648 {strides = array<i32>} : memref<256xi32, #tpu.memory_space<vmem>>, vector<16xi32>,
        %get3A_649 = arith.constant 32 : index
        %get3A_650 = tpu.vector_load %arg6[%get3A_649] {strides = array<i32>} : memref<256xi32, #tpu.memory_space<vmem>>, vector<16xi32>,
        %get3A_651 = vector.shape_cast %get3A_650 : vector<16xi32> to vector<16xi32>
        %add3A_652 = vector.broadcast %mul3A_8 : i32 to vector<16xi32>
        %add3A_653 = arith.addi %get3A_651, %add3A_652 : vector<16xi32>
        %swap3A_654 = arith.constant 32 : index
        %swap3A_655 = tpu.vector_load %arg6[%swap3A_654] {strides = array<i32>} : memref<256xi32, #tpu.memory_space<vmem>>, vector<16xi32>,
        %swap3A_656 = vector.shape_cast %swap3A_655 : vector<16xi32> to vector<16xi32>
        %swap3A_657 = vector.shape_cast %add3A_653 : vector<16xi32> to vector<16xi32>
        tpu.vector_store %arg6[%swap3A_654], %swap3A_657 {strides = array<i32>} : memref<256xi32, #tpu.memory_space<vmem>>, vector<16xi32>,
        %get3A_658 = arith.constant 48 : index
        %get3A_659 = tpu.vector_load %arg6[%get3A_658] {strides = array<i32>} : memref<256xi32, #tpu.memory_space<vmem>>, vector<16xi32>,
        %get3A_660 = vector.shape_cast %get3A_659 : vector<16xi32> to vector<16xi32>
        %add3A_661 = vector.broadcast %mul3A_8 : i32 to vector<16xi32>
        %add3A_662 = arith.addi %get3A_660, %add3A_661 : vector<16xi32>
        %swap3A_663 = arith.constant 48 : index
        %swap3A_664 = tpu.vector_load %arg6[%swap3A_663] {strides = array<i32>} : memref<256xi32, #tpu.memory_space<vmem>>, vector<16xi32>,
        %swap3A_665 = vector.shape_cast %swap3A_664 : vector<16xi32> to vector<16xi32>
        %swap3A_666 = vector.shape_cast %add3A_662 : vector<16xi32> to vector<16xi32>
        tpu.vector_store %arg6[%swap3A_663], %swap3A_666 {strides = array<i32>} : memref<256xi32, #tpu.memory_space<vmem>>, vector<16xi32>,
        %get3A_667 = arith.constant 64 : index
        %get3A_668 = tpu.vector_load %arg6[%get3A_667] {strides = array<i32>} : memref<256xi32, #tpu.memory_space<vmem>>, vector<16xi32>,
        %get3A_669 = vector.shape_cast %get3A_668 : vector<16xi32> to vector<16xi32>
        %add3A_670 = vector.broadcast %mul3A_8 : i32 to vector<16xi32>
        %add3A_671 = arith.addi %get3A_669, %add3A_670 : vector<16xi32>
        %swap3A_672 = arith.constant 64 : index
        %swap3A_673 = tpu.vector_load %arg6[%swap3A_672] {strides = array<i32>} : memref<256xi32, #tpu.memory_space<vmem>>, vector<16xi32>,
        %swap3A_674 = vector.shape_cast %swap3A_673 : vector<16xi32> to vector<16xi32>
        %swap3A_675 = vector.shape_cast %add3A_671 : vector<16xi32> to vector<16xi32>
        tpu.vector_store %arg6[%swap3A_672], %swap3A_675 {strides = array<i32>} : memref<256xi32, #tpu.memory_space<vmem>>, vector<16xi32>,
        %get3A_676 = arith.constant 80 : index
        %get3A_677 = tpu.vector_load %arg6[%get3A_676] {strides = array<i32>} : memref<256xi32, #tpu.memory_space<vmem>>, vector<16xi32>,
        %get3A_678 = vector.shape_cast %get3A_677 : vector<16xi32> to vector<16xi32>
        %add3A_679 = vector.broadcast %mul3A_8 : i32 to vector<16xi32>
        %add3A_680 = arith.addi %get3A_678, %add3A_679 : vector<16xi32>
        %swap3A_681 = arith.constant 80 : index
        %swap3A_682 = tpu.vector_load %arg6[%swap3A_681] {strides = array<i32>} : memref<256xi32, #tpu.memory_space<vmem>>, vector<16xi32>,
        %swap3A_683 = vector.shape_cast %swap3A_682 : vector<16xi32> to vector<16xi32>
        %swap3A_684 = vector.shape_cast %add3A_680 : vector<16xi32> to vector<16xi32>
        tpu.vector_store %arg6[%swap3A_681], %swap3A_684 {strides = array<i32>} : memref<256xi32, #tpu.memory_space<vmem>>, vector<16xi32>,
        %get3A_685 = arith.constant 96 : index
        %get3A_686 = tpu.vector_load %arg6[%get3A_685] {strides = array<i32>} : memref<256xi32, #tpu.memory_space<vmem>>, vector<16xi32>,
        %get3A_687 = vector.shape_cast %get3A_686 : vector<16xi32> to vector<16xi32>
        %add3A_688 = vector.broadcast %mul3A_8 : i32 to vector<16xi32>
        %add3A_689 = arith.addi %get3A_687, %add3A_688 : vector<16xi32>
        %swap3A_690 = arith.constant 96 : index
        %swap3A_691 = tpu.vector_load %arg6[%swap3A_690] {strides = array<i32>} : memref<256xi32, #tpu.memory_space<vmem>>, vector<16xi32>,
        %swap3A_692 = vector.shape_cast %swap3A_691 : vector<16xi32> to vector<16xi32>
        %swap3A_693 = vector.shape_cast %add3A_689 : vector<16xi32> to vector<16xi32>
        tpu.vector_store %arg6[%swap3A_690], %swap3A_693 {strides = array<i32>} : memref<256xi32, #tpu.memory_space<vmem>>, vector<16xi32>,
        %get3A_694 = arith.constant 112 : index
        %get3A_695 = tpu.vector_load %arg6[%get3A_694] {strides = array<i32>} : memref<256xi32, #tpu.memory_space<vmem>>, vector<16xi32>,
        %get3A_696 = vector.shape_cast %get3A_695 : vector<16xi32> to vector<16xi32>
        %add3A_697 = vector.broadcast %mul3A_8 : i32 to vector<16xi32>
        %add3A_698 = arith.addi %get3A_696, %add3A_697 : vector<16xi32>
        %swap3A_699 = arith.constant 112 : index
        %swap3A_700 = tpu.vector_load %arg6[%swap3A_699] {strides = array<i32>} : memref<256xi32, #tpu.memory_space<vmem>>, vector<16xi32>,
        %swap3A_701 = vector.shape_cast %swap3A_700 : vector<16xi32> to vector<16xi32>
        %swap3A_702 = vector.shape_cast %add3A_698 : vector<16xi32> to vector<16xi32>
        tpu.vector_store %arg6[%swap3A_699], %swap3A_702 {strides = array<i32>} : memref<256xi32, #tpu.memory_space<vmem>>, vector<16xi32>,
        %get3A_703 = arith.constant 128 : index
        %get3A_704 = tpu.vector_load %arg6[%get3A_703] {strides = array<i32>} : memref<256xi32, #tpu.memory_space<vmem>>, vector<16xi32>,
        %get3A_705 = vector.shape_cast %get3A_704 : vector<16xi32> to vector<16xi32>
        %add3A_706 = vector.broadcast %mul3A_8 : i32 to vector<16xi32>
        %add3A_707 = arith.addi %get3A_705, %add3A_706 : vector<16xi32>
        %swap3A_708 = arith.constant 128 : index
        %swap3A_709 = tpu.vector_load %arg6[%swap3A_708] {strides = array<i32>} : memref<256xi32, #tpu.memory_space<vmem>>, vector<16xi32>,
        %swap3A_710 = vector.shape_cast %swap3A_709 : vector<16xi32> to vector<16xi32>
        %swap3A_711 = vector.shape_cast %add3A_707 : vector<16xi32> to vector<16xi32>
        tpu.vector_store %arg6[%swap3A_708], %swap3A_711 {strides = array<i32>} : memref<256xi32, #tpu.memory_space<vmem>>, vector<16xi32>,
        %get3A_712 = arith.constant 144 : index
        %get3A_713 = tpu.vector_load %arg6[%get3A_712] {strides = array<i32>} : memref<256xi32, #tpu.memory_space<vmem>>, vector<16xi32>,
        %get3A_714 = vector.shape_cast %get3A_713 : vector<16xi32> to vector<16xi32>
        %add3A_715 = vector.broadcast %mul3A_8 : i32 to vector<16xi32>
        %add3A_716 = arith.addi %get3A_714, %add3A_715 : vector<16xi32>
        %swap3A_717 = arith.constant 144 : index
        %swap3A_718 = tpu.vector_load %arg6[%swap3A_717] {strides = array<i32>} : memref<256xi32, #tpu.memory_space<vmem>>, vector<16xi32>,
        %swap3A_719 = vector.shape_cast %swap3A_718 : vector<16xi32> to vector<16xi32>
        %swap3A_720 = vector.shape_cast %add3A_716 : vector<16xi32> to vector<16xi32>
        tpu.vector_store %arg6[%swap3A_717], %swap3A_720 {strides = array<i32>} : memref<256xi32, #tpu.memory_space<vmem>>, vector<16xi32>,
        %get3A_721 = arith.constant 160 : index
        %get3A_722 = tpu.vector_load %arg6[%get3A_721] {strides = array<i32>} : memref<256xi32, #tpu.memory_space<vmem>>, vector<16xi32>,
        %get3A_723 = vector.shape_cast %get3A_722 : vector<16xi32> to vector<16xi32>
        %add3A_724 = vector.broadcast %mul3A_8 : i32 to vector<16xi32>
        %add3A_725 = arith.addi %get3A_723, %add3A_724 : vector<16xi32>
        %swap3A_726 = arith.constant 160 : index
        %swap3A_727 = tpu.vector_load %arg6[%swap3A_726] {strides = array<i32>} : memref<256xi32, #tpu.memory_space<vmem>>, vector<16xi32>,
        %swap3A_728 = vector.shape_cast %swap3A_727 : vector<16xi32> to vector<16xi32>
        %swap3A_729 = vector.shape_cast %add3A_725 : vector<16xi32> to vector<16xi32>
        tpu.vector_store %arg6[%swap3A_726], %swap3A_729 {strides = array<i32>} : memref<256xi32, #tpu.memory_space<vmem>>, vector<16xi32>,
        %get3A_730 = arith.constant 176 : index
        %get3A_731 = tpu.vector_load %arg6[%get3A_730] {strides = array<i32>} : memref<256xi32, #tpu.memory_space<vmem>>, vector<16xi32>,
        %get3A_732 = vector.shape_cast %get3A_731 : vector<16xi32> to vector<16xi32>
        %add3A_733 = vector.broadcast %mul3A_8 : i32 to vector<16xi32>
        %add3A_734 = arith.addi %get3A_732, %add3A_733 : vector<16xi32>
        %swap3A_735 = arith.constant 176 : index
        %swap3A_736 = tpu.vector_load %arg6[%swap3A_735] {strides = array<i32>} : memref<256xi32, #tpu.memory_space<vmem>>, vector<16xi32>,
        %swap3A_737 = vector.shape_cast %swap3A_736 : vector<16xi32> to vector<16xi32>
        %swap3A_738 = vector.shape_cast %add3A_734 : vector<16xi32> to vector<16xi32>
        tpu.vector_store %arg6[%swap3A_735], %swap3A_738 {strides = array<i32>} : memref<256xi32, #tpu.memory_space<vmem>>, vector<16xi32>,
        %get3A_739 = arith.constant 192 : index
        %get3A_740 = tpu.vector_load %arg6[%get3A_739] {strides = array<i32>} : memref<256xi32, #tpu.memory_space<vmem>>, vector<16xi32>,
        %get3A_741 = vector.shape_cast %get3A_740 : vector<16xi32> to vector<16xi32>
        %add3A_742 = vector.broadcast %mul3A_8 : i32 to vector<16xi32>
        %add3A_743 = arith.addi %get3A_741, %add3A_742 : vector<16xi32>
        %swap3A_744 = arith.constant 192 : index
        %swap3A_745 = tpu.vector_load %arg6[%swap3A_744] {strides = array<i32>} : memref<256xi32, #tpu.memory_space<vmem>>, vector<16xi32>,
        %swap3A_746 = vector.shape_cast %swap3A_745 : vector<16xi32> to vector<16xi32>
        %swap3A_747 = vector.shape_cast %add3A_743 : vector<16xi32> to vector<16xi32>
        tpu.vector_store %arg6[%swap3A_744], %swap3A_747 {strides = array<i32>} : memref<256xi32, #tpu.memory_space<vmem>>, vector<16xi32>,
        %get3A_748 = arith.constant 208 : index
        %get3A_749 = tpu.vector_load %arg6[%get3A_748] {strides = array<i32>} : memref<256xi32, #tpu.memory_space<vmem>>, vector<16xi32>,
        %get3A_750 = vector.shape_cast %get3A_749 : vector<16xi32> to vector<16xi32>
        %add3A_751 = vector.broadcast %mul3A_8 : i32 to vector<16xi32>
        %add3A_752 = arith.addi %get3A_750, %add3A_751 : vector<16xi32>
        %swap3A_753 = arith.constant 208 : index
        %swap3A_754 = tpu.vector_load %arg6[%swap3A_753] {strides = array<i32>} : memref<256xi32, #tpu.memory_space<vmem>>, vector<16xi32>,
        %swap3A_755 = vector.shape_cast %swap3A_754 : vector<16xi32> to vector<16xi32>
        %swap3A_756 = vector.shape_cast %add3A_752 : vector<16xi32> to vector<16xi32>
        tpu.vector_store %arg6[%swap3A_753], %swap3A_756 {strides = array<i32>} : memref<256xi32, #tpu.memory_space<vmem>>, vector<16xi32>,
        %get3A_757 = arith.constant 224 : index
        %get3A_758 = tpu.vector_load %arg6[%get3A_757] {strides = array<i32>} : memref<256xi32, #tpu.memory_space<vmem>>, vector<16xi32>,
        %get3A_759 = vector.shape_cast %get3A_758 : vector<16xi32> to vector<16xi32>
        %add3A_760 = vector.broadcast %mul3A_8 : i32 to vector<16xi32>
        %add3A_761 = arith.addi %get3A_759, %add3A_760 : vector<16xi32>
        %swap3A_762 = arith.constant 224 : index
        %swap3A_763 = tpu.vector_load %arg6[%swap3A_762] {strides = array<i32>} : memref<256xi32, #tpu.memory_space<vmem>>, vector<16xi32>,
        %swap3A_764 = vector.shape_cast %swap3A_763 : vector<16xi32> to vector<16xi32>
        %swap3A_765 = vector.shape_cast %add3A_761 : vector<16xi32> to vector<16xi32>
        tpu.vector_store %arg6[%swap3A_762], %swap3A_765 {strides = array<i32>} : memref<256xi32, #tpu.memory_space<vmem>>, vector<16xi32>,
        %get3A_766 = arith.constant 240 : index
        %get3A_767 = tpu.vector_load %arg6[%get3A_766] {strides = array<i32>} : memref<256xi32, #tpu.memory_space<vmem>>, vector<16xi32>,
        %get3A_768 = vector.shape_cast %get3A_767 : vector<16xi32> to vector<16xi32>
        %add3A_769 = vector.broadcast %mul3A_8 : i32 to vector<16xi32>
        %add3A_770 = arith.addi %get3A_768, %add3A_769 : vector<16xi32>
        %swap3A_771 = arith.constant 240 : index
        %swap3A_772 = tpu.vector_load %arg6[%swap3A_771] {strides = array<i32>} : memref<256xi32, #tpu.memory_space<vmem>>, vector<16xi32>,
        %swap3A_773 = vector.shape_cast %swap3A_772 : vector<16xi32> to vector<16xi32>
        %swap3A_774 = vector.shape_cast %add3A_770 : vector<16xi32> to vector<16xi32>
        tpu.vector_store %arg6[%swap3A_771], %swap3A_774 {strides = array<i32>} : memref<256xi32, #tpu.memory_space<vmem>>, vector<16xi32>,
        %dma_start3A_775 = arith.constant 0 : i32
        %dma_start3A_776 = arith.constant 0 : i32
        %dma_start3A_777 = tpu.memref_slice %arg2[%dma_start3A_775, %dma_start3A_776] : memref<20000x64xbf16, #tpu.memory_space<hbm>> -> memref<20000x64xbf16, #tpu.memory_space<hbm>>
        tpu.enqueue_indirect_dma source(%dma_start3A_777 : memref<20000x64xbf16, #tpu.memory_space<hbm>>) target(%arg18 : memref<256x64xbf16, #tpu.memory_space<vmem>>) offsets(%arg6 : memref<256xi32, #tpu.memory_space<vmem>>) semaphore(%arg37 : memref<!tpu.dma_semaphore, #tpu.memory_space<semaphore_mem>>)
      } else {
      }
      %dma_wait3A_578 = arith.constant 0 : i32
      %dma_wait3A_579 = arith.constant 0 : i32
      %dma_wait3A_580 = tpu.memref_slice %arg2[%dma_wait3A_578, %dma_wait3A_579] : memref<20000x64xbf16, #tpu.memory_space<hbm>> -> memref<20000x64xbf16, #tpu.memory_space<hbm>>
      tpu.wait_indirect_dma semaphore(%arg41 : memref<!tpu.dma_semaphore, #tpu.memory_space<semaphore_mem>>) src(%dma_wait3A_580 : memref<20000x64xbf16, #tpu.memory_space<hbm>>) dst(%arg22 : memref<256x64xbf16, #tpu.memory_space<vmem>>)
      %dma_start3A_581 = arith.constant 0 : i32
      %dma_start3A_582 = arith.constant 0 : i32
      %dma_start3A_583 = tpu.memref_slice %arg29[%dma_start3A_581, %dma_start3A_582] : memref<10000x64xbf16, #tpu.memory_space<vmem_shared>> -> memref<10000x64xbf16, #tpu.memory_space<vmem_shared>>
      tpu.enqueue_indirect_dma source(%arg22 : memref<256x64xbf16, #tpu.memory_space<vmem>>) target(%dma_start3A_583 : memref<10000x64xbf16, #tpu.memory_space<vmem_shared>>) offsets(%arg16 : memref<256xi32, #tpu.memory_space<vmem>>) semaphore(%arg47 : memref<!tpu.dma_semaphore, #tpu.memory_space<semaphore_mem>>) {add = true}
      %eq3A_584 = arith.constant 0 : i32
      %eq3A_585 = arith.cmpi eq, %arg0, %eq3A_584 : i32
      %convert_element_type3A_586 = arith.extui %eq3A_585 : i1 to i32
      %cond3A_587 = arith.constant 0 : i32
      %cond3A_588 = arith.cmpi ne, %convert_element_type3A_586, %cond3A_587 : i32
      scf.if %cond3A_588 {
        %dma_start3A_623 = arith.constant 0 : i32
        %dma_start3A_624 = arith.constant 0 : i32
        %dma_start3A_625 = tpu.memref_slice %arg30[%dma_start3A_623, %dma_start3A_624] : memref<10000x16xf32, #tpu.memory_space<vmem_shared>> -> memref<10000x16xf32, #tpu.memory_space<vmem_shared>>
        tpu.enqueue_indirect_dma source(%arg27 : memref<256x16xf32, #tpu.memory_space<vmem>>) target(%dma_start3A_625 : memref<10000x16xf32, #tpu.memory_space<vmem_shared>>) offsets(%arg16 : memref<256xi32, #tpu.memory_space<vmem>>) semaphore(%arg53 : memref<!tpu.dma_semaphore, #tpu.memory_space<semaphore_mem>>) {add = true}
      } else {
      }
      %mul3A_589 = arith.constant 6 : i32
      %mul3A_590 = arith.muli %scan3A_420, %mul3A_589 : i32
      %add3A_591 = arith.constant 5 : i32
      %add3A_592 = arith.addi %mul3A_590, %add3A_591 : i32
      %ge3A_593 = arith.constant 3 : i32
      %ge3A_594 = arith.cmpi sge, %add3A_592, %ge3A_593 : i32
      %convert_element_type3A_595 = arith.extui %ge3A_594 : i1 to i32
      %cond3A_596 = arith.constant 0 : i32
      %cond3A_597 = arith.cmpi ne, %convert_element_type3A_595, %cond3A_596 : i32
      scf.if %cond3A_597 {
        %dma_wait3A_623 = arith.constant 0 : i32
        %dma_wait3A_624 = arith.constant 0 : i32
        %dma_wait3A_625 = tpu.memref_slice %arg29[%dma_wait3A_623, %dma_wait3A_624] : memref<10000x64xbf16, #tpu.memory_space<vmem_shared>> -> memref<10000x64xbf16, #tpu.memory_space<vmem_shared>>
        tpu.wait_indirect_dma semaphore(%arg45 : memref<!tpu.dma_semaphore, #tpu.memory_space<semaphore_mem>>) src(%arg20 : memref<256x64xbf16, #tpu.memory_space<vmem>>) dst(%dma_wait3A_625 : memref<10000x64xbf16, #tpu.memory_space<vmem_shared>>)
        %eq3A_626 = arith.constant 0 : i32
        %eq3A_627 = arith.cmpi eq, %arg0, %eq3A_626 : i32
        %convert_element_type3A_628 = arith.extui %eq3A_627 : i1 to i32
        %cond3A_629 = arith.constant 0 : i32
        %cond3A_630 = arith.cmpi ne, %convert_element_type3A_628, %cond3A_629 : i32
        scf.if %cond3A_630 {
          %dma_wait3A_631 = arith.constant 0 : i32
          %dma_wait3A_632 = arith.constant 0 : i32
          %dma_wait3A_633 = tpu.memref_slice %arg30[%dma_wait3A_631, %dma_wait3A_632] : memref<10000x16xf32, #tpu.memory_space<vmem_shared>> -> memref<10000x16xf32, #tpu.memory_space<vmem_shared>>
          tpu.wait_indirect_dma semaphore(%arg51 : memref<!tpu.dma_semaphore, #tpu.memory_space<semaphore_mem>>) src(%arg27 : memref<256x16xf32, #tpu.memory_space<vmem>>) dst(%dma_wait3A_633 : memref<10000x16xf32, #tpu.memory_space<vmem_shared>>)
        } else {
        }
      } else {
      }
      %add3A_598 = arith.constant 3 : i32
      %add3A_599 = arith.addi %add3A_592, %add3A_598 : i32
      %lt3A_600 = arith.constant 78 : i32
      %lt3A_601 = arith.cmpi slt, %add3A_599, %lt3A_600 : i32
      %convert_element_type3A_602 = arith.extui %lt3A_601 : i1 to i32
      %cond3A_603 = arith.constant 0 : i32
      %cond3A_604 = arith.cmpi ne, %convert_element_type3A_602, %cond3A_603 : i32
      scf.if %cond3A_604 {
        %add3A_623 = arith.constant 3 : i32
        %add3A_624 = arith.addi %add3A_592, %add3A_623 : i32
        %mul3A_625 = arith.constant 256 : i32
        %mul3A_626 = arith.muli %add3A_624, %mul3A_625 : i32
        %add3A_627 = arith.addi %mul3A_31, %mul3A_626 : i32
        %dma_start3A_628 = tpu.memref_slice %arg3[%add3A_627] : memref<640000xi32, #tpu.memory_space<hbm>> -> memref<256xi32, #tpu.memory_space<hbm>>
        %dma_start3A_629 = tpu.memref_slice %arg3[%add3A_627] : memref<640000xi32, #tpu.memory_space<hbm>> -> memref<256xi32, #tpu.memory_space<hbm>>
        tpu.enqueue_dma source(%dma_start3A_629 : memref<256xi32, #tpu.memory_space<hbm>>) target(%arg8 : memref<256xi32, #tpu.memory_space<vmem>>) target_semaphore(%arg33 : memref<!tpu.dma_semaphore, #tpu.memory_space<semaphore_mem>>)
        %add3A_630 = arith.constant 320000 : i32
        %add3A_631 = arith.addi %add3A_630, %add3A_627 : i32
        %dma_start3A_632 = tpu.memref_slice %arg3[%add3A_631] : memref<640000xi32, #tpu.memory_space<hbm>> -> memref<256xi32, #tpu.memory_space<hbm>>
        %dma_start3A_633 = tpu.memref_slice %arg3[%add3A_631] : memref<640000xi32, #tpu.memory_space<hbm>> -> memref<256xi32, #tpu.memory_space<hbm>>
        tpu.enqueue_dma source(%dma_start3A_633 : memref<256xi32, #tpu.memory_space<hbm>>) target(%arg14 : memref<256xi32, #tpu.memory_space<vmem>>) target_semaphore(%arg33 : memref<!tpu.dma_semaphore, #tpu.memory_space<semaphore_mem>>)
      } else {
      }
      %add3A_605 = arith.constant 2 : i32
      %add3A_606 = arith.addi %add3A_592, %add3A_605 : i32
      %lt3A_607 = arith.constant 78 : i32
      %lt3A_608 = arith.cmpi slt, %add3A_606, %lt3A_607 : i32
      %convert_element_type3A_609 = arith.extui %lt3A_608 : i1 to i32
      %cond3A_610 = arith.constant 0 : i32
      %cond3A_611 = arith.cmpi ne, %convert_element_type3A_609, %cond3A_610 : i32
      scf.if %cond3A_611 {
        %dma_wait3A_623 = arith.constant 0 : i32
        %dma_wait3A_624 = tpu.memref_slice %arg3[%dma_wait3A_623] : memref<640000xi32, #tpu.memory_space<hbm>> -> memref<256xi32, #tpu.memory_space<hbm>>
        %dma_wait3A_625 = arith.constant 0 : i32
        %dma_wait3A_626 = tpu.memref_slice %arg3[%dma_wait3A_625] : memref<640000xi32, #tpu.memory_space<hbm>> -> memref<256xi32, #tpu.memory_space<hbm>>
        tpu.wait_dma2 semaphore(%arg32 : memref<!tpu.dma_semaphore, #tpu.memory_space<semaphore_mem>>) src(%dma_wait3A_626 : memref<256xi32, #tpu.memory_space<hbm>>) dst(%arg7 : memref<256xi32, #tpu.memory_space<vmem>>)
        %dma_wait3A_627 = arith.constant 0 : i32
        %dma_wait3A_628 = tpu.memref_slice %arg3[%dma_wait3A_627] : memref<640000xi32, #tpu.memory_space<hbm>> -> memref<256xi32, #tpu.memory_space<hbm>>
        %dma_wait3A_629 = arith.constant 0 : i32
        %dma_wait3A_630 = tpu.memref_slice %arg3[%dma_wait3A_629] : memref<640000xi32, #tpu.memory_space<hbm>> -> memref<256xi32, #tpu.memory_space<hbm>>
        tpu.wait_dma2 semaphore(%arg32 : memref<!tpu.dma_semaphore, #tpu.memory_space<semaphore_mem>>) src(%dma_wait3A_630 : memref<256xi32, #tpu.memory_space<hbm>>) dst(%arg13 : memref<256xi32, #tpu.memory_space<vmem>>)
        %get3A_631 = arith.constant 0 : index
        %get3A_632 = tpu.vector_load %arg7[%get3A_631] {strides = array<i32>} : memref<256xi32, #tpu.memory_space<vmem>>, vector<16xi32>,
        %get3A_633 = vector.shape_cast %get3A_632 : vector<16xi32> to vector<16xi32>
        %add3A_634 = vector.broadcast %mul3A_8 : i32 to vector<16xi32>
        %add3A_635 = arith.addi %get3A_633, %add3A_634 : vector<16xi32>
        %swap3A_636 = arith.constant 0 : index
        %swap3A_637 = tpu.vector_load %arg7[%swap3A_636] {strides = array<i32>} : memref<256xi32, #tpu.memory_space<vmem>>, vector<16xi32>,
        %swap3A_638 = vector.shape_cast %swap3A_637 : vector<16xi32> to vector<16xi32>
        %swap3A_639 = vector.shape_cast %add3A_635 : vector<16xi32> to vector<16xi32>
        tpu.vector_store %arg7[%swap3A_636], %swap3A_639 {strides = array<i32>} : memref<256xi32, #tpu.memory_space<vmem>>, vector<16xi32>,
        %get3A_640 = arith.constant 16 : index
        %get3A_641 = tpu.vector_load %arg7[%get3A_640] {strides = array<i32>} : memref<256xi32, #tpu.memory_space<vmem>>, vector<16xi32>,
        %get3A_642 = vector.shape_cast %get3A_641 : vector<16xi32> to vector<16xi32>
        %add3A_643 = vector.broadcast %mul3A_8 : i32 to vector<16xi32>
        %add3A_644 = arith.addi %get3A_642, %add3A_643 : vector<16xi32>
        %swap3A_645 = arith.constant 16 : index
        %swap3A_646 = tpu.vector_load %arg7[%swap3A_645] {strides = array<i32>} : memref<256xi32, #tpu.memory_space<vmem>>, vector<16xi32>,
        %swap3A_647 = vector.shape_cast %swap3A_646 : vector<16xi32> to vector<16xi32>
        %swap3A_648 = vector.shape_cast %add3A_644 : vector<16xi32> to vector<16xi32>
        tpu.vector_store %arg7[%swap3A_645], %swap3A_648 {strides = array<i32>} : memref<256xi32, #tpu.memory_space<vmem>>, vector<16xi32>,
        %get3A_649 = arith.constant 32 : index
        %get3A_650 = tpu.vector_load %arg7[%get3A_649] {strides = array<i32>} : memref<256xi32, #tpu.memory_space<vmem>>, vector<16xi32>,
        %get3A_651 = vector.shape_cast %get3A_650 : vector<16xi32> to vector<16xi32>
        %add3A_652 = vector.broadcast %mul3A_8 : i32 to vector<16xi32>
        %add3A_653 = arith.addi %get3A_651, %add3A_652 : vector<16xi32>
        %swap3A_654 = arith.constant 32 : index
        %swap3A_655 = tpu.vector_load %arg7[%swap3A_654] {strides = array<i32>} : memref<256xi32, #tpu.memory_space<vmem>>, vector<16xi32>,
        %swap3A_656 = vector.shape_cast %swap3A_655 : vector<16xi32> to vector<16xi32>
        %swap3A_657 = vector.shape_cast %add3A_653 : vector<16xi32> to vector<16xi32>
        tpu.vector_store %arg7[%swap3A_654], %swap3A_657 {strides = array<i32>} : memref<256xi32, #tpu.memory_space<vmem>>, vector<16xi32>,
        %get3A_658 = arith.constant 48 : index
        %get3A_659 = tpu.vector_load %arg7[%get3A_658] {strides = array<i32>} : memref<256xi32, #tpu.memory_space<vmem>>, vector<16xi32>,
        %get3A_660 = vector.shape_cast %get3A_659 : vector<16xi32> to vector<16xi32>
        %add3A_661 = vector.broadcast %mul3A_8 : i32 to vector<16xi32>
        %add3A_662 = arith.addi %get3A_660, %add3A_661 : vector<16xi32>
        %swap3A_663 = arith.constant 48 : index
        %swap3A_664 = tpu.vector_load %arg7[%swap3A_663] {strides = array<i32>} : memref<256xi32, #tpu.memory_space<vmem>>, vector<16xi32>,
        %swap3A_665 = vector.shape_cast %swap3A_664 : vector<16xi32> to vector<16xi32>
        %swap3A_666 = vector.shape_cast %add3A_662 : vector<16xi32> to vector<16xi32>
        tpu.vector_store %arg7[%swap3A_663], %swap3A_666 {strides = array<i32>} : memref<256xi32, #tpu.memory_space<vmem>>, vector<16xi32>,
        %get3A_667 = arith.constant 64 : index
        %get3A_668 = tpu.vector_load %arg7[%get3A_667] {strides = array<i32>} : memref<256xi32, #tpu.memory_space<vmem>>, vector<16xi32>,
        %get3A_669 = vector.shape_cast %get3A_668 : vector<16xi32> to vector<16xi32>
        %add3A_670 = vector.broadcast %mul3A_8 : i32 to vector<16xi32>
        %add3A_671 = arith.addi %get3A_669, %add3A_670 : vector<16xi32>
        %swap3A_672 = arith.constant 64 : index
        %swap3A_673 = tpu.vector_load %arg7[%swap3A_672] {strides = array<i32>} : memref<256xi32, #tpu.memory_space<vmem>>, vector<16xi32>,
        %swap3A_674 = vector.shape_cast %swap3A_673 : vector<16xi32> to vector<16xi32>
        %swap3A_675 = vector.shape_cast %add3A_671 : vector<16xi32> to vector<16xi32>
        tpu.vector_store %arg7[%swap3A_672], %swap3A_675 {strides = array<i32>} : memref<256xi32, #tpu.memory_space<vmem>>, vector<16xi32>,
        %get3A_676 = arith.constant 80 : index
        %get3A_677 = tpu.vector_load %arg7[%get3A_676] {strides = array<i32>} : memref<256xi32, #tpu.memory_space<vmem>>, vector<16xi32>,
        %get3A_678 = vector.shape_cast %get3A_677 : vector<16xi32> to vector<16xi32>
        %add3A_679 = vector.broadcast %mul3A_8 : i32 to vector<16xi32>
        %add3A_680 = arith.addi %get3A_678, %add3A_679 : vector<16xi32>
        %swap3A_681 = arith.constant 80 : index
        %swap3A_682 = tpu.vector_load %arg7[%swap3A_681] {strides = array<i32>} : memref<256xi32, #tpu.memory_space<vmem>>, vector<16xi32>,
        %swap3A_683 = vector.shape_cast %swap3A_682 : vector<16xi32> to vector<16xi32>
        %swap3A_684 = vector.shape_cast %add3A_680 : vector<16xi32> to vector<16xi32>
        tpu.vector_store %arg7[%swap3A_681], %swap3A_684 {strides = array<i32>} : memref<256xi32, #tpu.memory_space<vmem>>, vector<16xi32>,
        %get3A_685 = arith.constant 96 : index
        %get3A_686 = tpu.vector_load %arg7[%get3A_685] {strides = array<i32>} : memref<256xi32, #tpu.memory_space<vmem>>, vector<16xi32>,
        %get3A_687 = vector.shape_cast %get3A_686 : vector<16xi32> to vector<16xi32>
        %add3A_688 = vector.broadcast %mul3A_8 : i32 to vector<16xi32>
        %add3A_689 = arith.addi %get3A_687, %add3A_688 : vector<16xi32>
        %swap3A_690 = arith.constant 96 : index
        %swap3A_691 = tpu.vector_load %arg7[%swap3A_690] {strides = array<i32>} : memref<256xi32, #tpu.memory_space<vmem>>, vector<16xi32>,
        %swap3A_692 = vector.shape_cast %swap3A_691 : vector<16xi32> to vector<16xi32>
        %swap3A_693 = vector.shape_cast %add3A_689 : vector<16xi32> to vector<16xi32>
        tpu.vector_store %arg7[%swap3A_690], %swap3A_693 {strides = array<i32>} : memref<256xi32, #tpu.memory_space<vmem>>, vector<16xi32>,
        %get3A_694 = arith.constant 112 : index
        %get3A_695 = tpu.vector_load %arg7[%get3A_694] {strides = array<i32>} : memref<256xi32, #tpu.memory_space<vmem>>, vector<16xi32>,
        %get3A_696 = vector.shape_cast %get3A_695 : vector<16xi32> to vector<16xi32>
        %add3A_697 = vector.broadcast %mul3A_8 : i32 to vector<16xi32>
        %add3A_698 = arith.addi %get3A_696, %add3A_697 : vector<16xi32>
        %swap3A_699 = arith.constant 112 : index
        %swap3A_700 = tpu.vector_load %arg7[%swap3A_699] {strides = array<i32>} : memref<256xi32, #tpu.memory_space<vmem>>, vector<16xi32>,
        %swap3A_701 = vector.shape_cast %swap3A_700 : vector<16xi32> to vector<16xi32>
        %swap3A_702 = vector.shape_cast %add3A_698 : vector<16xi32> to vector<16xi32>
        tpu.vector_store %arg7[%swap3A_699], %swap3A_702 {strides = array<i32>} : memref<256xi32, #tpu.memory_space<vmem>>, vector<16xi32>,
        %get3A_703 = arith.constant 128 : index
        %get3A_704 = tpu.vector_load %arg7[%get3A_703] {strides = array<i32>} : memref<256xi32, #tpu.memory_space<vmem>>, vector<16xi32>,
        %get3A_705 = vector.shape_cast %get3A_704 : vector<16xi32> to vector<16xi32>
        %add3A_706 = vector.broadcast %mul3A_8 : i32 to vector<16xi32>
        %add3A_707 = arith.addi %get3A_705, %add3A_706 : vector<16xi32>
        %swap3A_708 = arith.constant 128 : index
        %swap3A_709 = tpu.vector_load %arg7[%swap3A_708] {strides = array<i32>} : memref<256xi32, #tpu.memory_space<vmem>>, vector<16xi32>,
        %swap3A_710 = vector.shape_cast %swap3A_709 : vector<16xi32> to vector<16xi32>
        %swap3A_711 = vector.shape_cast %add3A_707 : vector<16xi32> to vector<16xi32>
        tpu.vector_store %arg7[%swap3A_708], %swap3A_711 {strides = array<i32>} : memref<256xi32, #tpu.memory_space<vmem>>, vector<16xi32>,
        %get3A_712 = arith.constant 144 : index
        %get3A_713 = tpu.vector_load %arg7[%get3A_712] {strides = array<i32>} : memref<256xi32, #tpu.memory_space<vmem>>, vector<16xi32>,
        %get3A_714 = vector.shape_cast %get3A_713 : vector<16xi32> to vector<16xi32>
        %add3A_715 = vector.broadcast %mul3A_8 : i32 to vector<16xi32>
        %add3A_716 = arith.addi %get3A_714, %add3A_715 : vector<16xi32>
        %swap3A_717 = arith.constant 144 : index
        %swap3A_718 = tpu.vector_load %arg7[%swap3A_717] {strides = array<i32>} : memref<256xi32, #tpu.memory_space<vmem>>, vector<16xi32>,
        %swap3A_719 = vector.shape_cast %swap3A_718 : vector<16xi32> to vector<16xi32>
        %swap3A_720 = vector.shape_cast %add3A_716 : vector<16xi32> to vector<16xi32>
        tpu.vector_store %arg7[%swap3A_717], %swap3A_720 {strides = array<i32>} : memref<256xi32, #tpu.memory_space<vmem>>, vector<16xi32>,
        %get3A_721 = arith.constant 160 : index
        %get3A_722 = tpu.vector_load %arg7[%get3A_721] {strides = array<i32>} : memref<256xi32, #tpu.memory_space<vmem>>, vector<16xi32>,
        %get3A_723 = vector.shape_cast %get3A_722 : vector<16xi32> to vector<16xi32>
        %add3A_724 = vector.broadcast %mul3A_8 : i32 to vector<16xi32>
        %add3A_725 = arith.addi %get3A_723, %add3A_724 : vector<16xi32>
        %swap3A_726 = arith.constant 160 : index
        %swap3A_727 = tpu.vector_load %arg7[%swap3A_726] {strides = array<i32>} : memref<256xi32, #tpu.memory_space<vmem>>, vector<16xi32>,
        %swap3A_728 = vector.shape_cast %swap3A_727 : vector<16xi32> to vector<16xi32>
        %swap3A_729 = vector.shape_cast %add3A_725 : vector<16xi32> to vector<16xi32>
        tpu.vector_store %arg7[%swap3A_726], %swap3A_729 {strides = array<i32>} : memref<256xi32, #tpu.memory_space<vmem>>, vector<16xi32>,
        %get3A_730 = arith.constant 176 : index
        %get3A_731 = tpu.vector_load %arg7[%get3A_730] {strides = array<i32>} : memref<256xi32, #tpu.memory_space<vmem>>, vector<16xi32>,
        %get3A_732 = vector.shape_cast %get3A_731 : vector<16xi32> to vector<16xi32>
        %add3A_733 = vector.broadcast %mul3A_8 : i32 to vector<16xi32>
        %add3A_734 = arith.addi %get3A_732, %add3A_733 : vector<16xi32>
        %swap3A_735 = arith.constant 176 : index
        %swap3A_736 = tpu.vector_load %arg7[%swap3A_735] {strides = array<i32>} : memref<256xi32, #tpu.memory_space<vmem>>, vector<16xi32>,
        %swap3A_737 = vector.shape_cast %swap3A_736 : vector<16xi32> to vector<16xi32>
        %swap3A_738 = vector.shape_cast %add3A_734 : vector<16xi32> to vector<16xi32>
        tpu.vector_store %arg7[%swap3A_735], %swap3A_738 {strides = array<i32>} : memref<256xi32, #tpu.memory_space<vmem>>, vector<16xi32>,
        %get3A_739 = arith.constant 192 : index
        %get3A_740 = tpu.vector_load %arg7[%get3A_739] {strides = array<i32>} : memref<256xi32, #tpu.memory_space<vmem>>, vector<16xi32>,
        %get3A_741 = vector.shape_cast %get3A_740 : vector<16xi32> to vector<16xi32>
        %add3A_742 = vector.broadcast %mul3A_8 : i32 to vector<16xi32>
        %add3A_743 = arith.addi %get3A_741, %add3A_742 : vector<16xi32>
        %swap3A_744 = arith.constant 192 : index
        %swap3A_745 = tpu.vector_load %arg7[%swap3A_744] {strides = array<i32>} : memref<256xi32, #tpu.memory_space<vmem>>, vector<16xi32>,
        %swap3A_746 = vector.shape_cast %swap3A_745 : vector<16xi32> to vector<16xi32>
        %swap3A_747 = vector.shape_cast %add3A_743 : vector<16xi32> to vector<16xi32>
        tpu.vector_store %arg7[%swap3A_744], %swap3A_747 {strides = array<i32>} : memref<256xi32, #tpu.memory_space<vmem>>, vector<16xi32>,
        %get3A_748 = arith.constant 208 : index
        %get3A_749 = tpu.vector_load %arg7[%get3A_748] {strides = array<i32>} : memref<256xi32, #tpu.memory_space<vmem>>, vector<16xi32>,
        %get3A_750 = vector.shape_cast %get3A_749 : vector<16xi32> to vector<16xi32>
        %add3A_751 = vector.broadcast %mul3A_8 : i32 to vector<16xi32>
        %add3A_752 = arith.addi %get3A_750, %add3A_751 : vector<16xi32>
        %swap3A_753 = arith.constant 208 : index
        %swap3A_754 = tpu.vector_load %arg7[%swap3A_753] {strides = array<i32>} : memref<256xi32, #tpu.memory_space<vmem>>, vector<16xi32>,
        %swap3A_755 = vector.shape_cast %swap3A_754 : vector<16xi32> to vector<16xi32>
        %swap3A_756 = vector.shape_cast %add3A_752 : vector<16xi32> to vector<16xi32>
        tpu.vector_store %arg7[%swap3A_753], %swap3A_756 {strides = array<i32>} : memref<256xi32, #tpu.memory_space<vmem>>, vector<16xi32>,
        %get3A_757 = arith.constant 224 : index
        %get3A_758 = tpu.vector_load %arg7[%get3A_757] {strides = array<i32>} : memref<256xi32, #tpu.memory_space<vmem>>, vector<16xi32>,
        %get3A_759 = vector.shape_cast %get3A_758 : vector<16xi32> to vector<16xi32>
        %add3A_760 = vector.broadcast %mul3A_8 : i32 to vector<16xi32>
        %add3A_761 = arith.addi %get3A_759, %add3A_760 : vector<16xi32>
        %swap3A_762 = arith.constant 224 : index
        %swap3A_763 = tpu.vector_load %arg7[%swap3A_762] {strides = array<i32>} : memref<256xi32, #tpu.memory_space<vmem>>, vector<16xi32>,
        %swap3A_764 = vector.shape_cast %swap3A_763 : vector<16xi32> to vector<16xi32>
        %swap3A_765 = vector.shape_cast %add3A_761 : vector<16xi32> to vector<16xi32>
        tpu.vector_store %arg7[%swap3A_762], %swap3A_765 {strides = array<i32>} : memref<256xi32, #tpu.memory_space<vmem>>, vector<16xi32>,
        %get3A_766 = arith.constant 240 : index
        %get3A_767 = tpu.vector_load %arg7[%get3A_766] {strides = array<i32>} : memref<256xi32, #tpu.memory_space<vmem>>, vector<16xi32>,
        %get3A_768 = vector.shape_cast %get3A_767 : vector<16xi32> to vector<16xi32>
        %add3A_769 = vector.broadcast %mul3A_8 : i32 to vector<16xi32>
        %add3A_770 = arith.addi %get3A_768, %add3A_769 : vector<16xi32>
        %swap3A_771 = arith.constant 240 : index
        %swap3A_772 = tpu.vector_load %arg7[%swap3A_771] {strides = array<i32>} : memref<256xi32, #tpu.memory_space<vmem>>, vector<16xi32>,
        %swap3A_773 = vector.shape_cast %swap3A_772 : vector<16xi32> to vector<16xi32>
        %swap3A_774 = vector.shape_cast %add3A_770 : vector<16xi32> to vector<16xi32>
        tpu.vector_store %arg7[%swap3A_771], %swap3A_774 {strides = array<i32>} : memref<256xi32, #tpu.memory_space<vmem>>, vector<16xi32>,
        %dma_start3A_775 = arith.constant 0 : i32
        %dma_start3A_776 = arith.constant 0 : i32
        %dma_start3A_777 = tpu.memref_slice %arg2[%dma_start3A_775, %dma_start3A_776] : memref<20000x64xbf16, #tpu.memory_space<hbm>> -> memref<20000x64xbf16, #tpu.memory_space<hbm>>
        tpu.enqueue_indirect_dma source(%dma_start3A_777 : memref<20000x64xbf16, #tpu.memory_space<hbm>>) target(%arg19 : memref<256x64xbf16, #tpu.memory_space<vmem>>) offsets(%arg7 : memref<256xi32, #tpu.memory_space<vmem>>) semaphore(%arg38 : memref<!tpu.dma_semaphore, #tpu.memory_space<semaphore_mem>>)
      } else {
      }
      %dma_wait3A_612 = arith.constant 0 : i32
      %dma_wait3A_613 = arith.constant 0 : i32
      %dma_wait3A_614 = tpu.memref_slice %arg2[%dma_wait3A_612, %dma_wait3A_613] : memref<20000x64xbf16, #tpu.memory_space<hbm>> -> memref<20000x64xbf16, #tpu.memory_space<hbm>>
      tpu.wait_indirect_dma semaphore(%arg42 : memref<!tpu.dma_semaphore, #tpu.memory_space<semaphore_mem>>) src(%dma_wait3A_614 : memref<20000x64xbf16, #tpu.memory_space<hbm>>) dst(%arg23 : memref<256x64xbf16, #tpu.memory_space<vmem>>)
      %dma_start3A_615 = arith.constant 0 : i32
      %dma_start3A_616 = arith.constant 0 : i32
      %dma_start3A_617 = tpu.memref_slice %arg29[%dma_start3A_615, %dma_start3A_616] : memref<10000x64xbf16, #tpu.memory_space<vmem_shared>> -> memref<10000x64xbf16, #tpu.memory_space<vmem_shared>>
      tpu.enqueue_indirect_dma source(%arg23 : memref<256x64xbf16, #tpu.memory_space<vmem>>) target(%dma_start3A_617 : memref<10000x64xbf16, #tpu.memory_space<vmem_shared>>) offsets(%arg17 : memref<256xi32, #tpu.memory_space<vmem>>) semaphore(%arg48 : memref<!tpu.dma_semaphore, #tpu.memory_space<semaphore_mem>>) {add = true}
      %eq3A_618 = arith.constant 1 : i32
      %eq3A_619 = arith.cmpi eq, %arg0, %eq3A_618 : i32
      %convert_element_type3A_620 = arith.extui %eq3A_619 : i1 to i32
      %cond3A_621 = arith.constant 0 : i32
      %cond3A_622 = arith.cmpi ne, %convert_element_type3A_620, %cond3A_621 : i32
      scf.if %cond3A_622 {
        %dma_start3A_623 = arith.constant 0 : i32
        %dma_start3A_624 = arith.constant 0 : i32
        %dma_start3A_625 = tpu.memref_slice %arg30[%dma_start3A_623, %dma_start3A_624] : memref<10000x16xf32, #tpu.memory_space<vmem_shared>> -> memref<10000x16xf32, #tpu.memory_space<vmem_shared>>
        tpu.enqueue_indirect_dma source(%arg27 : memref<256x16xf32, #tpu.memory_space<vmem>>) target(%dma_start3A_625 : memref<10000x16xf32, #tpu.memory_space<vmem_shared>>) offsets(%arg17 : memref<256xi32, #tpu.memory_space<vmem>>) semaphore(%arg54 : memref<!tpu.dma_semaphore, #tpu.memory_space<semaphore_mem>>) {add = true}
      } else {
      }
    }
    %scan3A_353 = arith.constant 13 : i32
    %dma_wait3A_354 = arith.constant 0 : i32
    %dma_wait3A_355 = arith.constant 0 : i32
    %dma_wait3A_356 = tpu.memref_slice %arg29[%dma_wait3A_354, %dma_wait3A_355] : memref<10000x64xbf16, #tpu.memory_space<vmem_shared>> -> memref<10000x64xbf16, #tpu.memory_space<vmem_shared>>
    tpu.wait_indirect_dma semaphore(%arg46 : memref<!tpu.dma_semaphore, #tpu.memory_space<semaphore_mem>>) src(%arg21 : memref<256x64xbf16, #tpu.memory_space<vmem>>) dst(%dma_wait3A_356 : memref<10000x64xbf16, #tpu.memory_space<vmem_shared>>)
    %eq3A_357 = arith.constant 1 : i32
    %eq3A_358 = arith.cmpi eq, %arg0, %eq3A_357 : i32
    %convert_element_type3A_359 = arith.extui %eq3A_358 : i1 to i32
    %cond3A_360 = arith.constant 0 : i32
    %cond3A_361 = arith.cmpi ne, %convert_element_type3A_359, %cond3A_360 : i32
    scf.if %cond3A_361 {
      %dma_wait3A_420 = arith.constant 0 : i32
      %dma_wait3A_421 = arith.constant 0 : i32
      %dma_wait3A_422 = tpu.memref_slice %arg30[%dma_wait3A_420, %dma_wait3A_421] : memref<10000x16xf32, #tpu.memory_space<vmem_shared>> -> memref<10000x16xf32, #tpu.memory_space<vmem_shared>>
      tpu.wait_indirect_dma semaphore(%arg52 : memref<!tpu.dma_semaphore, #tpu.memory_space<semaphore_mem>>) src(%arg27 : memref<256x16xf32, #tpu.memory_space<vmem>>) dst(%dma_wait3A_422 : memref<10000x16xf32, #tpu.memory_space<vmem_shared>>)
    } else {
    }
    %dma_wait3A_362 = arith.constant 0 : i32
    %dma_wait3A_363 = arith.constant 0 : i32
    %dma_wait3A_364 = tpu.memref_slice %arg29[%dma_wait3A_362, %dma_wait3A_363] : memref<10000x64xbf16, #tpu.memory_space<vmem_shared>> -> memref<10000x64xbf16, #tpu.memory_space<vmem_shared>>
    tpu.wait_indirect_dma semaphore(%arg47 : memref<!tpu.dma_semaphore, #tpu.memory_space<semaphore_mem>>) src(%arg22 : memref<256x64xbf16, #tpu.memory_space<vmem>>) dst(%dma_wait3A_364 : memref<10000x64xbf16, #tpu.memory_space<vmem_shared>>)
    %eq3A_365 = arith.constant 0 : i32
    %eq3A_366 = arith.cmpi eq, %arg0, %eq3A_365 : i32
    %convert_element_type3A_367 = arith.extui %eq3A_366 : i1 to i32
    %cond3A_368 = arith.constant 0 : i32
    %cond3A_369 = arith.cmpi ne, %convert_element_type3A_367, %cond3A_368 : i32
    scf.if %cond3A_369 {
      %dma_wait3A_420 = arith.constant 0 : i32
      %dma_wait3A_421 = arith.constant 0 : i32
      %dma_wait3A_422 = tpu.memref_slice %arg30[%dma_wait3A_420, %dma_wait3A_421] : memref<10000x16xf32, #tpu.memory_space<vmem_shared>> -> memref<10000x16xf32, #tpu.memory_space<vmem_shared>>
      tpu.wait_indirect_dma semaphore(%arg53 : memref<!tpu.dma_semaphore, #tpu.memory_space<semaphore_mem>>) src(%arg27 : memref<256x16xf32, #tpu.memory_space<vmem>>) dst(%dma_wait3A_422 : memref<10000x16xf32, #tpu.memory_space<vmem_shared>>)
    } else {
    }
    %dma_wait3A_370 = arith.constant 0 : i32
    %dma_wait3A_371 = arith.constant 0 : i32
    %dma_wait3A_372 = tpu.memref_slice %arg29[%dma_wait3A_370, %dma_wait3A_371] : memref<10000x64xbf16, #tpu.memory_space<vmem_shared>> -> memref<10000x64xbf16, #tpu.memory_space<vmem_shared>>
    tpu.wait_indirect_dma semaphore(%arg48 : memref<!tpu.dma_semaphore, #tpu.memory_space<semaphore_mem>>) src(%arg23 : memref<256x64xbf16, #tpu.memory_space<vmem>>) dst(%dma_wait3A_372 : memref<10000x64xbf16, #tpu.memory_space<vmem_shared>>)
    %eq3A_373 = arith.constant 1 : i32
    %eq3A_374 = arith.cmpi eq, %arg0, %eq3A_373 : i32
    %convert_element_type3A_375 = arith.extui %eq3A_374 : i1 to i32
    %cond3A_376 = arith.constant 0 : i32
    %cond3A_377 = arith.cmpi ne, %convert_element_type3A_375, %cond3A_376 : i32
    scf.if %cond3A_377 {
      %dma_wait3A_420 = arith.constant 0 : i32
      %dma_wait3A_421 = arith.constant 0 : i32
      %dma_wait3A_422 = tpu.memref_slice %arg30[%dma_wait3A_420, %dma_wait3A_421] : memref<10000x16xf32, #tpu.memory_space<vmem_shared>> -> memref<10000x16xf32, #tpu.memory_space<vmem_shared>>
      tpu.wait_indirect_dma semaphore(%arg54 : memref<!tpu.dma_semaphore, #tpu.memory_space<semaphore_mem>>) src(%arg27 : memref<256x16xf32, #tpu.memory_space<vmem>>) dst(%dma_wait3A_422 : memref<10000x16xf32, #tpu.memory_space<vmem_shared>>)
    } else {
    }
    %add3A_378 = arith.constant 19968 : i32
    %add3A_379 = arith.addi %mul3A_31, %add3A_378 : i32
    "tpu.region"() ({
      %run_scoped3A = tpu.sem_alloc : memref<!tpu.dma_semaphore, #tpu.memory_space<semaphore_mem>>
      %dma_start3A_420 = tpu.memref_slice %arg3[%add3A_379] : memref<640000xi32, #tpu.memory_space<hbm>> -> memref<32xi32, #tpu.memory_space<hbm>>
      %dma_start3A_421 = tpu.memref_slice %arg3[%add3A_379] : memref<640000xi32, #tpu.memory_space<hbm>> -> memref<32xi32, #tpu.memory_space<hbm>>
      tpu.enqueue_dma source(%dma_start3A_421 : memref<32xi32, #tpu.memory_space<hbm>>) target(%arg24 : memref<32xi32, #tpu.memory_space<vmem>>) target_semaphore(%run_scoped3A : memref<!tpu.dma_semaphore, #tpu.memory_space<semaphore_mem>>)
      %dma_wait3A_422 = tpu.memref_slice %arg3[%add3A_379] : memref<640000xi32, #tpu.memory_space<hbm>> -> memref<32xi32, #tpu.memory_space<hbm>>
      %dma_wait3A_423 = tpu.memref_slice %arg3[%add3A_379] : memref<640000xi32, #tpu.memory_space<hbm>> -> memref<32xi32, #tpu.memory_space<hbm>>
      tpu.wait_dma2 semaphore(%run_scoped3A : memref<!tpu.dma_semaphore, #tpu.memory_space<semaphore_mem>>) src(%dma_wait3A_423 : memref<32xi32, #tpu.memory_space<hbm>>) dst(%arg24 : memref<32xi32, #tpu.memory_space<vmem>>)
      tpu.yield
    }) : () -> ()
    %add3A_380 = arith.constant 320000 : i32
    %add3A_381 = arith.addi %add3A_380, %add3A_379 : i32
    "tpu.region"() ({
      %run_scoped3A = tpu.sem_alloc : memref<!tpu.dma_semaphore, #tpu.memory_space<semaphore_mem>>
      %dma_start3A_420 = tpu.memref_slice %arg3[%add3A_381] : memref<640000xi32, #tpu.memory_space<hbm>> -> memref<32xi32, #tpu.memory_space<hbm>>
      %dma_start3A_421 = tpu.memref_slice %arg3[%add3A_381] : memref<640000xi32, #tpu.memory_space<hbm>> -> memref<32xi32, #tpu.memory_space<hbm>>
      tpu.enqueue_dma source(%dma_start3A_421 : memref<32xi32, #tpu.memory_space<hbm>>) target(%arg25 : memref<32xi32, #tpu.memory_space<vmem>>) target_semaphore(%run_scoped3A : memref<!tpu.dma_semaphore, #tpu.memory_space<semaphore_mem>>)
      %dma_wait3A_422 = tpu.memref_slice %arg3[%add3A_381] : memref<640000xi32, #tpu.memory_space<hbm>> -> memref<32xi32, #tpu.memory_space<hbm>>
      %dma_wait3A_423 = tpu.memref_slice %arg3[%add3A_381] : memref<640000xi32, #tpu.memory_space<hbm>> -> memref<32xi32, #tpu.memory_space<hbm>>
      tpu.wait_dma2 semaphore(%run_scoped3A : memref<!tpu.dma_semaphore, #tpu.memory_space<semaphore_mem>>) src(%dma_wait3A_423 : memref<32xi32, #tpu.memory_space<hbm>>) dst(%arg25 : memref<32xi32, #tpu.memory_space<vmem>>)
      tpu.yield
    }) : () -> ()
    %get3A_382 = arith.constant 0 : index
    %get3A_383 = tpu.vector_load %arg24[%get3A_382] {strides = array<i32>} : memref<32xi32, #tpu.memory_space<vmem>>, vector<16xi32>,
    %get3A_384 = vector.shape_cast %get3A_383 : vector<16xi32> to vector<16xi32>
    %add3A_385 = vector.broadcast %mul3A_8 : i32 to vector<16xi32>
    %add3A_386 = arith.addi %get3A_384, %add3A_385 : vector<16xi32>
    %swap3A_387 = arith.constant 0 : index
    %swap3A_388 = tpu.vector_load %arg24[%swap3A_387] {strides = array<i32>} : memref<32xi32, #tpu.memory_space<vmem>>, vector<16xi32>,
    %swap3A_389 = vector.shape_cast %swap3A_388 : vector<16xi32> to vector<16xi32>
    %swap3A_390 = vector.shape_cast %add3A_386 : vector<16xi32> to vector<16xi32>
    tpu.vector_store %arg24[%swap3A_387], %swap3A_390 {strides = array<i32>} : memref<32xi32, #tpu.memory_space<vmem>>, vector<16xi32>,
    %get3A_391 = arith.constant 16 : index
    %get3A_392 = tpu.vector_load %arg24[%get3A_391] {strides = array<i32>} : memref<32xi32, #tpu.memory_space<vmem>>, vector<16xi32>,
    %get3A_393 = vector.shape_cast %get3A_392 : vector<16xi32> to vector<16xi32>
    %add3A_394 = vector.broadcast %mul3A_8 : i32 to vector<16xi32>
    %add3A_395 = arith.addi %get3A_393, %add3A_394 : vector<16xi32>
    %swap3A_396 = arith.constant 16 : index
    %swap3A_397 = tpu.vector_load %arg24[%swap3A_396] {strides = array<i32>} : memref<32xi32, #tpu.memory_space<vmem>>, vector<16xi32>,
    %swap3A_398 = vector.shape_cast %swap3A_397 : vector<16xi32> to vector<16xi32>
    %swap3A_399 = vector.shape_cast %add3A_395 : vector<16xi32> to vector<16xi32>
    tpu.vector_store %arg24[%swap3A_396], %swap3A_399 {strides = array<i32>} : memref<32xi32, #tpu.memory_space<vmem>>, vector<16xi32>,
    %dma_start3A_400 = arith.constant 0 : i32
    %dma_start3A_401 = arith.constant 0 : i32
    %dma_start3A_402 = tpu.memref_slice %arg2[%dma_start3A_400, %dma_start3A_401] : memref<20000x64xbf16, #tpu.memory_space<hbm>> -> memref<20000x64xbf16, #tpu.memory_space<hbm>>
    tpu.enqueue_indirect_dma source(%dma_start3A_402 : memref<20000x64xbf16, #tpu.memory_space<hbm>>) target(%arg26 : memref<32x64xbf16, #tpu.memory_space<vmem>>) offsets(%arg24 : memref<32xi32, #tpu.memory_space<vmem>>) semaphore(%arg55 : memref<!tpu.dma_semaphore, #tpu.memory_space<semaphore_mem>>)
    %dma_wait3A_403 = arith.constant 0 : i32
    %dma_wait3A_404 = arith.constant 0 : i32
    %dma_wait3A_405 = tpu.memref_slice %arg2[%dma_wait3A_403, %dma_wait3A_404] : memref<20000x64xbf16, #tpu.memory_space<hbm>> -> memref<20000x64xbf16, #tpu.memory_space<hbm>>
    tpu.wait_indirect_dma semaphore(%arg55 : memref<!tpu.dma_semaphore, #tpu.memory_space<semaphore_mem>>) src(%dma_wait3A_405 : memref<20000x64xbf16, #tpu.memory_space<hbm>>) dst(%arg26 : memref<32x64xbf16, #tpu.memory_space<vmem>>)
    "tpu.region"() ({
      %run_scoped3A = tpu.sem_alloc : memref<!tpu.dma_semaphore, #tpu.memory_space<semaphore_mem>>
      %dma_start3A_420 = arith.constant 0 : i32
      %dma_start3A_421 = arith.constant 0 : i32
      %dma_start3A_422 = tpu.memref_slice %arg29[%dma_start3A_420, %dma_start3A_421] : memref<10000x64xbf16, #tpu.memory_space<vmem_shared>> -> memref<10000x64xbf16, #tpu.memory_space<vmem_shared>>
      tpu.enqueue_indirect_dma source(%arg26 : memref<32x64xbf16, #tpu.memory_space<vmem>>) target(%dma_start3A_422 : memref<10000x64xbf16, #tpu.memory_space<vmem_shared>>) offsets(%arg25 : memref<32xi32, #tpu.memory_space<vmem>>) semaphore(%run_scoped3A : memref<!tpu.dma_semaphore, #tpu.memory_space<semaphore_mem>>) {add = true}
      %dma_wait3A_423 = arith.constant 0 : i32
      %dma_wait3A_424 = arith.constant 0 : i32
      %dma_wait3A_425 = tpu.memref_slice %arg29[%dma_wait3A_423, %dma_wait3A_424] : memref<10000x64xbf16, #tpu.memory_space<vmem_shared>> -> memref<10000x64xbf16, #tpu.memory_space<vmem_shared>>
      tpu.wait_indirect_dma semaphore(%run_scoped3A : memref<!tpu.dma_semaphore, #tpu.memory_space<semaphore_mem>>) src(%arg26 : memref<32x64xbf16, #tpu.memory_space<vmem>>) dst(%dma_wait3A_425 : memref<10000x64xbf16, #tpu.memory_space<vmem_shared>>)
      tpu.yield
    }) : () -> ()
    %eq3A_406 = arith.constant 1 : i32
    %eq3A_407 = arith.cmpi eq, %arg0, %eq3A_406 : i32
    %convert_element_type3A_408 = arith.extui %eq3A_407 : i1 to i32
    %cond3A_409 = arith.constant 0 : i32
    %cond3A_410 = arith.cmpi ne, %convert_element_type3A_408, %cond3A_409 : i32
    scf.if %cond3A_410 {
      "tpu.region"() ({
        %run_scoped3A = tpu.sem_alloc : memref<!tpu.dma_semaphore, #tpu.memory_space<semaphore_mem>>
        %dma_start3A_420 = arith.constant 0 : i32
        %dma_start3A_421 = arith.constant 0 : i32
        %dma_start3A_422 = tpu.memref_slice %arg27[%dma_start3A_420, %dma_start3A_421] : memref<256x16xf32, #tpu.memory_space<vmem>> -> memref<32x16xf32, #tpu.memory_space<vmem>>
        %dma_start3A_423 = arith.constant 0 : i32
        %dma_start3A_424 = arith.constant 0 : i32
        %dma_start3A_425 = tpu.memref_slice %arg30[%dma_start3A_423, %dma_start3A_424] : memref<10000x16xf32, #tpu.memory_space<vmem_shared>> -> memref<10000x16xf32, #tpu.memory_space<vmem_shared>>
        tpu.enqueue_indirect_dma source(%dma_start3A_422 : memref<32x16xf32, #tpu.memory_space<vmem>>) target(%dma_start3A_425 : memref<10000x16xf32, #tpu.memory_space<vmem_shared>>) offsets(%arg25 : memref<32xi32, #tpu.memory_space<vmem>>) semaphore(%run_scoped3A : memref<!tpu.dma_semaphore, #tpu.memory_space<semaphore_mem>>) {add = true}
        %dma_wait3A_426 = arith.constant 0 : i32
        %dma_wait3A_427 = arith.constant 0 : i32
        %dma_wait3A_428 = tpu.memref_slice %arg27[%dma_wait3A_426, %dma_wait3A_427] : memref<256x16xf32, #tpu.memory_space<vmem>> -> memref<32x16xf32, #tpu.memory_space<vmem>>
        %dma_wait3A_429 = arith.constant 0 : i32
        %dma_wait3A_430 = arith.constant 0 : i32
        %dma_wait3A_431 = tpu.memref_slice %arg30[%dma_wait3A_429, %dma_wait3A_430] : memref<10000x16xf32, #tpu.memory_space<vmem_shared>> -> memref<10000x16xf32, #tpu.memory_space<vmem_shared>>
        tpu.wait_indirect_dma semaphore(%run_scoped3A : memref<!tpu.dma_semaphore, #tpu.memory_space<semaphore_mem>>) src(%dma_wait3A_428 : memref<32x16xf32, #tpu.memory_space<vmem>>) dst(%dma_wait3A_431 : memref<10000x16xf32, #tpu.memory_space<vmem_shared>>)
        tpu.yield
      }) : () -> ()
    } else {
    }
    %barrier3A_411 = arith.constant 0 : index
    tpu.barrier barrier_id(%barrier3A_411)
    %mul3A_412 = arith.constant 10000 : i32
    %mul3A_413 = arith.muli %arg0, %mul3A_412 : i32
    %add3A_414 = arith.addi %mul3A_413, %mul3A_21 : i32
    "tpu.region"() ({
      %run_scoped3A = tpu.sem_alloc : memref<!tpu.dma_semaphore, #tpu.memory_space<semaphore_mem>>
      %dma_start3A_420 = arith.constant 0 : i32
      %dma_start3A_421 = tpu.memref_slice %arg4[%add3A_414, %dma_start3A_420] : memref<20000x64xbf16, #tpu.memory_space<hbm>> -> memref<624x64xbf16, #tpu.memory_space<hbm>>
      %dma_start3A_422 = arith.constant 0 : i32
      %dma_start3A_423 = tpu.memref_slice %arg29[%mul3A_21, %dma_start3A_422] : memref<10000x64xbf16, #tpu.memory_space<vmem_shared>> -> memref<624x64xbf16, #tpu.memory_space<vmem_shared>>
      tpu.enqueue_dma source(%dma_start3A_423 : memref<624x64xbf16, #tpu.memory_space<vmem_shared>>) target(%dma_start3A_421 : memref<624x64xbf16, #tpu.memory_space<hbm>>) target_semaphore(%run_scoped3A : memref<!tpu.dma_semaphore, #tpu.memory_space<semaphore_mem>>)
      %dma_wait3A_424 = arith.constant 0 : i32
      %dma_wait3A_425 = tpu.memref_slice %arg4[%add3A_414, %dma_wait3A_424] : memref<20000x64xbf16, #tpu.memory_space<hbm>> -> memref<624x64xbf16, #tpu.memory_space<hbm>>
      %dma_wait3A_426 = arith.constant 0 : i32
      %dma_wait3A_427 = tpu.memref_slice %arg29[%mul3A_21, %dma_wait3A_426] : memref<10000x64xbf16, #tpu.memory_space<vmem_shared>> -> memref<624x64xbf16, #tpu.memory_space<vmem_shared>>
      tpu.wait_dma2 semaphore(%run_scoped3A : memref<!tpu.dma_semaphore, #tpu.memory_space<semaphore_mem>>) src(%dma_wait3A_427 : memref<624x64xbf16, #tpu.memory_space<vmem_shared>>) dst(%dma_wait3A_425 : memref<624x64xbf16, #tpu.memory_space<hbm>>)
      tpu.yield
    }) : () -> ()
    "tpu.region"() ({
      %run_scoped3A = tpu.sem_alloc : memref<!tpu.dma_semaphore, #tpu.memory_space<semaphore_mem>>
      %dma_start3A_420 = arith.constant 0 : i32
      %dma_start3A_421 = tpu.memref_slice %arg5[%add3A_414, %dma_start3A_420] : memref<20000x16xf32, #tpu.memory_space<hbm>> -> memref<624x16xf32, #tpu.memory_space<hbm>>
      %dma_start3A_422 = arith.constant 0 : i32
      %dma_start3A_423 = tpu.memref_slice %arg30[%mul3A_21, %dma_start3A_422] : memref<10000x16xf32, #tpu.memory_space<vmem_shared>> -> memref<624x16xf32, #tpu.memory_space<vmem_shared>>
      tpu.enqueue_dma source(%dma_start3A_423 : memref<624x16xf32, #tpu.memory_space<vmem_shared>>) target(%dma_start3A_421 : memref<624x16xf32, #tpu.memory_space<hbm>>) target_semaphore(%run_scoped3A : memref<!tpu.dma_semaphore, #tpu.memory_space<semaphore_mem>>)
      %dma_wait3A_424 = arith.constant 0 : i32
      %dma_wait3A_425 = tpu.memref_slice %arg5[%add3A_414, %dma_wait3A_424] : memref<20000x16xf32, #tpu.memory_space<hbm>> -> memref<624x16xf32, #tpu.memory_space<hbm>>
      %dma_wait3A_426 = arith.constant 0 : i32
      %dma_wait3A_427 = tpu.memref_slice %arg30[%mul3A_21, %dma_wait3A_426] : memref<10000x16xf32, #tpu.memory_space<vmem_shared>> -> memref<624x16xf32, #tpu.memory_space<vmem_shared>>
      tpu.wait_dma2 semaphore(%run_scoped3A : memref<!tpu.dma_semaphore, #tpu.memory_space<semaphore_mem>>) src(%dma_wait3A_427 : memref<624x16xf32, #tpu.memory_space<vmem_shared>>) dst(%dma_wait3A_425 : memref<624x16xf32, #tpu.memory_space<hbm>>)
      tpu.yield
    }) : () -> ()
    %eq3A_415 = arith.constant 0 : i32
    %eq3A_416 = arith.cmpi eq, %arg1, %eq3A_415 : i32
    %convert_element_type3A_417 = arith.extui %eq3A_416 : i1 to i32
    %cond3A_418 = arith.constant 0 : i32
    %cond3A_419 = arith.cmpi ne, %convert_element_type3A_417, %cond3A_418 : i32
    scf.if %cond3A_419 {
      %mul3A_420 = arith.constant 10000 : i32
      %mul3A_421 = arith.muli %arg0, %mul3A_420 : i32
      %add3A_422 = arith.constant 9984 : i32
      %add3A_423 = arith.addi %mul3A_421, %add3A_422 : i32
      "tpu.region"() ({
        %run_scoped3A = tpu.sem_alloc : memref<!tpu.dma_semaphore, #tpu.memory_space<semaphore_mem>>
        %dma_start3A_428 = arith.constant 0 : i32
        %dma_start3A_429 = tpu.memref_slice %arg4[%add3A_423, %dma_start3A_428] : memref<20000x64xbf16, #tpu.memory_space<hbm>> -> memref<16x64xbf16, #tpu.memory_space<hbm>>
        %dma_start3A_430 = arith.constant 9984 : i32
        %dma_start3A_431 = arith.constant 0 : i32
        %dma_start3A_432 = tpu.memref_slice %arg29[%dma_start3A_430, %dma_start3A_431] : memref<10000x64xbf16, #tpu.memory_space<vmem_shared>> -> memref<16x64xbf16, #tpu.memory_space<vmem_shared>>
        tpu.enqueue_dma source(%dma_start3A_432 : memref<16x64xbf16, #tpu.memory_space<vmem_shared>>) target(%dma_start3A_429 : memref<16x64xbf16, #tpu.memory_space<hbm>>) target_semaphore(%run_scoped3A : memref<!tpu.dma_semaphore, #tpu.memory_space<semaphore_mem>>)
        %dma_wait3A_433 = arith.constant 0 : i32
        %dma_wait3A_434 = tpu.memref_slice %arg4[%add3A_423, %dma_wait3A_433] : memref<20000x64xbf16, #tpu.memory_space<hbm>> -> memref<16x64xbf16, #tpu.memory_space<hbm>>
        %dma_wait3A_435 = arith.constant 9984 : i32
        %dma_wait3A_436 = arith.constant 0 : i32
        %dma_wait3A_437 = tpu.memref_slice %arg29[%dma_wait3A_435, %dma_wait3A_436] : memref<10000x64xbf16, #tpu.memory_space<vmem_shared>> -> memref<16x64xbf16, #tpu.memory_space<vmem_shared>>
        tpu.wait_dma2 semaphore(%run_scoped3A : memref<!tpu.dma_semaphore, #tpu.memory_space<semaphore_mem>>) src(%dma_wait3A_437 : memref<16x64xbf16, #tpu.memory_space<vmem_shared>>) dst(%dma_wait3A_434 : memref<16x64xbf16, #tpu.memory_space<hbm>>)
        tpu.yield
      }) : () -> ()
      %mul3A_424 = arith.constant 10000 : i32
      %mul3A_425 = arith.muli %arg0, %mul3A_424 : i32
      %add3A_426 = arith.constant 9984 : i32
      %add3A_427 = arith.addi %mul3A_425, %add3A_426 : i32
      "tpu.region"() ({
        %run_scoped3A = tpu.sem_alloc : memref<!tpu.dma_semaphore, #tpu.memory_space<semaphore_mem>>
        %dma_start3A_428 = arith.constant 0 : i32
        %dma_start3A_429 = tpu.memref_slice %arg5[%add3A_427, %dma_start3A_428] : memref<20000x16xf32, #tpu.memory_space<hbm>> -> memref<16x16xf32, #tpu.memory_space<hbm>>
        %dma_start3A_430 = arith.constant 9984 : i32
        %dma_start3A_431 = arith.constant 0 : i32
        %dma_start3A_432 = tpu.memref_slice %arg30[%dma_start3A_430, %dma_start3A_431] : memref<10000x16xf32, #tpu.memory_space<vmem_shared>> -> memref<16x16xf32, #tpu.memory_space<vmem_shared>>
        tpu.enqueue_dma source(%dma_start3A_432 : memref<16x16xf32, #tpu.memory_space<vmem_shared>>) target(%dma_start3A_429 : memref<16x16xf32, #tpu.memory_space<hbm>>) target_semaphore(%run_scoped3A : memref<!tpu.dma_semaphore, #tpu.memory_space<semaphore_mem>>)
        %dma_wait3A_433 = arith.constant 0 : i32
        %dma_wait3A_434 = tpu.memref_slice %arg5[%add3A_427, %dma_wait3A_433] : memref<20000x16xf32, #tpu.memory_space<hbm>> -> memref<16x16xf32, #tpu.memory_space<hbm>>
        %dma_wait3A_435 = arith.constant 9984 : i32
        %dma_wait3A_436 = arith.constant 0 : i32
        %dma_wait3A_437 = tpu.memref_slice %arg30[%dma_wait3A_435, %dma_wait3A_436] : memref<10000x16xf32, #tpu.memory_space<vmem_shared>> -> memref<16x16xf32, #tpu.memory_space<vmem_shared>>
        tpu.wait_dma2 semaphore(%run_scoped3A : memref<!tpu.dma_semaphore, #tpu.memory_space<semaphore_mem>>) src(%dma_wait3A_437 : memref<16x16xf32, #tpu.memory_space<vmem_shared>>) dst(%dma_wait3A_434 : memref<16x16xf32, #tpu.memory_space<hbm>>)
        tpu.yield
      }) : () -> ()
    } else {
    }
    return
  }
}

module attributes {stable_mosaic.version = 14 : i64} {
  func.func @_tc_self_body(%arg0: i32, %arg1: memref<2000x128xf32, #tpu.memory_space<vmem>>, %arg2: memref<2x128x128xf32, #tpu.memory_space<vmem>>, %arg3: memref<1x128xf32, #tpu.memory_space<vmem>>, %arg4: memref<2000x128xf32, #tpu.memory_space<vmem>>) attributes {dimension_semantics = [#tpu.dimension_semantics<arbitrary>], iteration_bounds = array<i64: 5>, scalar_prefetch = 0 : i64, scratch_operands = 0 : i64, tpu.core_type = #tpu.core_type<tc>, window_params = [{transform_indices = @transform_0, window_bounds = array<i64: 2000, 128>}, {pipeline_mode = #tpu.pipeline_mode<synchronous>, transform_indices = @transform_1, window_bounds = array<i64: 2, 128, 128>}, {pipeline_mode = #tpu.pipeline_mode<synchronous>, transform_indices = @transform_2, window_bounds = array<i64: 1, 128>}, {transform_indices = @transform_3, window_bounds = array<i64: 2000, 128>}]} {
    %get3A = arith.constant 0 : index
    %get3A_0 = arith.constant 0 : index
    %get3A_1 = vector.load %arg1[%get3A, %get3A_0] : memref<2000x128xf32, #tpu.memory_space<vmem>>, vector<2000x128xf32>
    %get3A_2 = arith.constant 0 : index
    %get3A_3 = arith.constant 0 : index
    %get3A_4 = arith.constant 0 : index
    %get3A_5 = vector.load %arg2[%get3A_2, %get3A_3, %get3A_4] : memref<2x128x128xf32, #tpu.memory_space<vmem>>, vector<1x128x128xf32>
    %get3A_6 = vector.shape_cast %get3A_5 : vector<1x128x128xf32> to vector<128x128xf32>
    %dot_general3A = arith.constant dense<0.000000e+00> : vector<2000x128xf32>
    %dot_general3A_7 = tpu.matmul %get3A_1, %get3A_6, %dot_general3A {dimension_numbers = #tpu.dot_dimension_numbers<[1], [0], [0], [1], [0, 0, 1, 1], [], []>, transpose_lhs_hint = false} : vector<2000x128xf32>, vector<128x128xf32>, vector<2000x128xf32> -> vector<2000x128xf32>
    %get3A_8 = arith.constant 0 : index
    %get3A_9 = arith.constant 0 : index
    %get3A_10 = vector.load %arg3[%get3A_8, %get3A_9] : memref<1x128xf32, #tpu.memory_space<vmem>>, vector<1x128xf32>
    %add3A = vector.broadcast %get3A_10 : vector<1x128xf32> to vector<2000x128xf32>
    %add3A_11 = arith.addf %dot_general3A_7, %add3A : vector<2000x128xf32>
    %swap3A = arith.constant 0 : index
    %swap3A_12 = arith.constant 0 : index
    %swap3A_13 = vector.load %arg4[%swap3A, %swap3A_12] : memref<2000x128xf32, #tpu.memory_space<vmem>>, vector<2000x128xf32>
    tpu.vector_store %arg4[%swap3A, %swap3A_12], %add3A_11 {strides = array<i32>} : memref<2000x128xf32, #tpu.memory_space<vmem>>, vector<2000x128xf32>,
    return
  }
  func.func @transform_0(%arg0: i32) -> (i32, i32) {
    %c0_i32 = arith.constant 0 : i32
    %c0_i32_0 = arith.constant 0 : i32
    return %arg0, %c0_i32 : i32, i32
  }
  func.func @transform_1(%arg0: i32) -> (i32, i32, i32) {
    %c0_i32 = arith.constant 0 : i32
    %c0_i32_0 = arith.constant 0 : i32
    %c0_i32_1 = arith.constant 0 : i32
    %c0_i32_2 = arith.constant 0 : i32
    return %c0_i32, %c0_i32_0, %c0_i32_1 : i32, i32, i32
  }
  func.func @transform_2(%arg0: i32) -> (i32, i32) {
    %c0_i32 = arith.constant 0 : i32
    %c0_i32_0 = arith.constant 0 : i32
    %c0_i32_1 = arith.constant 0 : i32
    return %c0_i32, %c0_i32_0 : i32, i32
  }
  func.func @transform_3(%arg0: i32) -> (i32, i32) {
    %c0_i32 = arith.constant 0 : i32
    %c0_i32_0 = arith.constant 0 : i32
    return %arg0, %c0_i32 : i32, i32
  }
}

module attributes {stable_mosaic.version = 14 : i64} {
  func.func @_tc_body(%arg0: i32, %arg1: memref<2000x128xf32, #tpu.memory_space<vmem>>, %arg2: memref<2x2000x64xbf16, #tpu.memory_space<vmem>>, %arg3: memref<2x2000x16xf32, #tpu.memory_space<vmem>>, %arg4: memref<2x128x128xf32, #tpu.memory_space<vmem>>, %arg5: memref<2000x128xf32, #tpu.memory_space<vmem>>) attributes {dimension_semantics = [#tpu.dimension_semantics<arbitrary>], iteration_bounds = array<i64: 5>, scalar_prefetch = 0 : i64, scratch_operands = 0 : i64, tpu.core_type = #tpu.core_type<tc>, window_params = [{transform_indices = @transform_0, window_bounds = array<i64: 2000, 128>}, {transform_indices = @transform_1, window_bounds = array<i64: 2, 2000, 64>}, {transform_indices = @transform_2, window_bounds = array<i64: 2, 2000, 16>}, {pipeline_mode = #tpu.pipeline_mode<synchronous>, transform_indices = @transform_3, window_bounds = array<i64: 2, 128, 128>}, {transform_indices = @transform_4, window_bounds = array<i64: 2000, 128>}]} {
    %get3A = arith.constant 0 : index
    %get3A_0 = arith.constant 0 : index
    %get3A_1 = arith.constant 0 : index
    %get3A_2 = vector.load %arg2[%get3A, %get3A_0, %get3A_1] : memref<2x2000x64xbf16, #tpu.memory_space<vmem>>, vector<1x2000x64xbf16>
    %get3A_3 = vector.shape_cast %get3A_2 : vector<1x2000x64xbf16> to vector<2000x64xbf16>
    %get3A_4 = arith.constant 1 : index
    %get3A_5 = arith.constant 0 : index
    %get3A_6 = arith.constant 0 : index
    %get3A_7 = vector.load %arg2[%get3A_4, %get3A_5, %get3A_6] : memref<2x2000x64xbf16, #tpu.memory_space<vmem>>, vector<1x2000x64xbf16>
    %get3A_8 = vector.shape_cast %get3A_7 : vector<1x2000x64xbf16> to vector<2000x64xbf16>
    %concatenate3A = tpu.concatenate %get3A_3, %get3A_8 in 1 : vector<2000x64xbf16>, vector<2000x64xbf16> -> vector<2000x128xbf16>
    %convert_element_type3A = arith.extf %concatenate3A : vector<2000x128xbf16> to vector<2000x128xf32>
    %get3A_9 = arith.constant 0 : index
    %get3A_10 = arith.constant 0 : index
    %get3A_11 = arith.constant 0 : index
    %get3A_12 = vector.load %arg3[%get3A_9, %get3A_10, %get3A_11] : memref<2x2000x16xf32, #tpu.memory_space<vmem>>, vector<1x2000x16xf32>
    %get3A_13 = vector.shape_cast %get3A_12 : vector<1x2000x16xf32> to vector<2000x16xf32>
    %get3A_14 = arith.constant 1 : index
    %get3A_15 = arith.constant 0 : index
    %get3A_16 = arith.constant 0 : index
    %get3A_17 = vector.load %arg3[%get3A_14, %get3A_15, %get3A_16] : memref<2x2000x16xf32, #tpu.memory_space<vmem>>, vector<1x2000x16xf32>
    %get3A_18 = vector.shape_cast %get3A_17 : vector<1x2000x16xf32> to vector<2000x16xf32>
    %add3A = arith.addf %get3A_13, %get3A_18 : vector<2000x16xf32>
    %reduce_sum3A = arith.constant dense<0.000000e+00> : vector<2000xf32>
    %reduce_sum3A_19 = vector.multi_reduction <add>, %add3A, %reduce_sum3A [1] : vector<2000x16xf32> to vector<2000xf32>
    %broadcast_in_dim3A = vector.shape_cast %reduce_sum3A_19 : vector<2000xf32> to vector<2000x1xf32>
    %max3A = arith.constant 1.000000e+00 : f32
    %max3A_20 = vector.broadcast %max3A : f32 to vector<2000x1xf32>
    %max3A_21 = arith.maximumf %broadcast_in_dim3A, %max3A_20 : vector<2000x1xf32>
    %div3A = vector.broadcast %max3A_21 : vector<2000x1xf32> to vector<2000x128xf32>
    %div3A_22 = arith.divf %convert_element_type3A, %div3A : vector<2000x128xf32>
    %get3A_23 = arith.constant 0 : index
    %get3A_24 = arith.constant 0 : index
    %get3A_25 = vector.load %arg1[%get3A_23, %get3A_24] : memref<2000x128xf32, #tpu.memory_space<vmem>>, vector<2000x128xf32>
    %get3A_26 = arith.constant 1 : index
    %get3A_27 = arith.constant 0 : index
    %get3A_28 = arith.constant 0 : index
    %get3A_29 = vector.load %arg4[%get3A_26, %get3A_27, %get3A_28] : memref<2x128x128xf32, #tpu.memory_space<vmem>>, vector<1x128x128xf32>
    %get3A_30 = vector.shape_cast %get3A_29 : vector<1x128x128xf32> to vector<128x128xf32>
    %dot_general3A = arith.constant dense<0.000000e+00> : vector<2000x128xf32>
    %dot_general3A_31 = tpu.matmul %div3A_22, %get3A_30, %dot_general3A {dimension_numbers = #tpu.dot_dimension_numbers<[1], [0], [0], [1], [0, 0, 1, 1], [], []>, transpose_lhs_hint = false} : vector<2000x128xf32>, vector<128x128xf32>, vector<2000x128xf32> -> vector<2000x128xf32>
    %add3A_32 = arith.addf %get3A_25, %dot_general3A_31 : vector<2000x128xf32>
    %swap3A = arith.constant 0 : index
    %swap3A_33 = arith.constant 0 : index
    %swap3A_34 = vector.load %arg5[%swap3A, %swap3A_33] : memref<2000x128xf32, #tpu.memory_space<vmem>>, vector<2000x128xf32>
    tpu.vector_store %arg5[%swap3A, %swap3A_33], %add3A_32 {strides = array<i32>} : memref<2000x128xf32, #tpu.memory_space<vmem>>, vector<2000x128xf32>,
    return
  }
  func.func @transform_0(%arg0: i32) -> (i32, i32) {
    %c0_i32 = arith.constant 0 : i32
    %c0_i32_0 = arith.constant 0 : i32
    return %arg0, %c0_i32 : i32, i32
  }
  func.func @transform_1(%arg0: i32) -> (i32, i32, i32) {
    %c0_i32 = arith.constant 0 : i32
    %c0_i32_0 = arith.constant 0 : i32
    %c0_i32_1 = arith.constant 0 : i32
    return %c0_i32, %arg0, %c0_i32_0 : i32, i32, i32
  }
  func.func @transform_2(%arg0: i32) -> (i32, i32, i32) {
    %c0_i32 = arith.constant 0 : i32
    %c0_i32_0 = arith.constant 0 : i32
    %c0_i32_1 = arith.constant 0 : i32
    return %c0_i32, %arg0, %c0_i32_0 : i32, i32, i32
  }
  func.func @transform_3(%arg0: i32) -> (i32, i32, i32) {
    %c0_i32 = arith.constant 0 : i32
    %c0_i32_0 = arith.constant 0 : i32
    %c0_i32_1 = arith.constant 0 : i32
    %c0_i32_2 = arith.constant 0 : i32
    return %c0_i32, %c0_i32_0, %c0_i32_1 : i32, i32, i32
  }
  func.func @transform_4(%arg0: i32) -> (i32, i32) {
    %c0_i32 = arith.constant 0 : i32
    %c0_i32_0 = arith.constant 0 : i32
    return %arg0, %c0_i32 : i32, i32
  }
}

</mosaic_0001>

<sc_bundles>
// kernel: kernel.5.cloned.1.call-start
scs
__scs_entry_jumppad:
0x0: {  	(pc) =	sbr.rel $0x88, $3  }
0x1: {  	(tag) =	ssettag $0x0;
	lr =	simm.s32 $0x1  }
0x2: {  	[smem:$0x3F9D] =	sst lr;
	_ =	strace $0xD0000000  }
0x3: {  	_ = 	snop  }
0x4: {  	_ = 	snop  }
0x5: {  	_ = 	snop  }
0x6: {  	_ = 	snop  }
0x7: {  	_ = 	snop  }
__scs_overlays_trampoline_lowered:
0x8: {  	[smem:$0x3FAC] =	sst s0  }
0x9: {  	[smem:$0x3FAD] =	sst s1  }
0xa: {  	[smem:$0x3FAE] =	sst s2  }
0xb: {  	[smem:$0x3FAF] =	sst s3  }
0xc: {  	[smem:$0x3FB0] =	sst s4  }
0xd: {  	[smem:$0x3FB1] =	sst s5  }
0xe: {  	[smem:$0x3FB2] =	sst s6  }
0xf: {  	[smem:$0x3FB3] =	sst s7  }
0x10: {  	[smem:$0x3FB4] =	sst s8  }
0x11: {  	[smem:$0x3FB5] =	sst s9;
	s0 =	simm.s32 @!p0 $0x0  }
0x12: {  	s1 =	sld [smem:$0x3F9B];
	s0 =	simm.s32 @p0 $0x1  }
0x13: {  	[smem:$0x3FB6] =	sst s0;
	s0 =	simm.s32 @!p1 $0x0  }
0x14: {  	s2 =	sld [smem:$0x3F9A];
	s0 =	simm.s32 @p1 $0x1  }
0x15: {  	[smem:$0x3FB7] =	sst s0;
	s0 =	simm.s32 @!p2 $0x0  }
0x16: {  	s3 =	sld [smem:$0x3FDB];
	s0 =	simm.s32 @p2 $0x1  }
0x17: {  	s4 =	simm.s32 $0x1BF5;
	[smem:$0x3FB9] =	sst s0  }
0x18: {  	s0 =	sld [smem:$0x3F9C];
	_ =	swait.ge [sflag:s4], $0x0  }
0x19: {  	s7 =	sld [smem:$0x3F9D]  }
0x1a: {  	s8 =	sadd.s32 $0xFFFFE003, lr  }
0x1b: {  	s9 =	sadd.s32 $0xFFFFFEF7, lr;
	s5 =	simm.s32 $0xFFFFFFFF;
	p2 =	slt.u32 s8, $0xFFFFF086  }
0x1c: {  	p1 =	slt.u32 s9, $0xF7A;
	s5 =	simm.s32 @!p2 $0x0  }
0x1d: {  	s5 =	simm.s32 @p1 $0x1;
	p0 =	seq.s32 s7, s2  }
0x1e: {  	s7 =	smul.u32 @!p0 $0xF7A, s2;
	p2 =	seq.s32 @!p0 s5, $0x0  }
0x1f: {  	s9 =	smul.u32 $0xF7A, s1;
	s8 =	simm.s32 @!p0 $0x1BF5;
	p2 =	por !p2, p0  }
0x20: {  	[sflag:s8] =	ssyncset.s32 @!p0 $0xFFFFF086;
	s6 =	sadd.s32 @!p0 s3, s7;
	s7 =	simm.s32 @!p0 $0x108  }
0x21: {  	s3 =	sadd.s32 s3, s9;
	s6 =	sadd.s32 @!p0 $0x88, s6;
	s7 =	simm.s32 @p2 $0x1082  }
0x22: {  	[simem:s7], [sflag:s8] =	dma.local @!p0 [hbm:s6], $0xF7A  }
0x23: {  	s9 =	sor.u32 $0xD0000000, s2;
	s6 =	simm.s32 $0x108;
	_ =	swait.ge @!p0 [sflag:s8], $0x0  }
0x24: {  	s3 =	sadd.s32 $0x88, s3;
	s6 =	simm.s32 @!p1 $0x1082;
	[sflag:s4] =	ssyncset.s32 $0xFFFFF086  }
0x25: {  	[simem:s6], [sflag:s4] =	dma.local [hbm:s3], $0xF7A  }
0x26: {  	[smem:$0x3F9D] =	sst s1;
	(tag) =	ssettag s2;
	_ =	strace s9  }
0x27: {  	s1 =	sld [smem:$0x3FAD]  }
0x28: {  	s2 =	sld [smem:$0x3FAE]  }
0x29: {  	s4 =	sld [smem:$0x3FB0]  }
0x2a: {  	p0 =	seq.s32 s5, $0x0;
	s5 =	sld [smem:$0x3FB1]  }
0x2b: {  	s6 =	sld [smem:$0x3FB2]  }
0x2c: {  	s7 =	sld [smem:$0x3FB3]  }
0x2d: {  	s3 =	simm.s32 $0x108;
	s8 =	sld [smem:$0x3FB4]  }
0x2e: {  	s3 =	simm.s32 @!p0 $0x1082;
	s9 =	sld [smem:$0x3FB5]  }
0x2f: {  	lr =	sadd.s32 s0, s3;
	s0 =	sld [smem:$0x3FAC]  }
0x30: {  	s3 =	sld [smem:$0x3FAF]  }
0x31: {  	[smem:$0x3FB8] =	sst s10  }
0x32: {  	s10 =	sld [smem:$0x3FB6];
	_ =	sdelay $0x3  }
0x33: {  	p0 =	seq.s32 s10, $0x1;
	s10 =	sld [smem:$0x3FB8];
	_ =	sdelay $0x3  }
0x34: {  	[smem:$0x3FB8] =	sst s10  }
0x35: {  	s10 =	sld [smem:$0x3FB7];
	_ =	sdelay $0x3  }
0x36: {  	p1 =	seq.s32 s10, $0x1;
	s10 =	sld [smem:$0x3FB8];
	_ =	sdelay $0x3  }
0x37: {  	[smem:$0x3FB8] =	sst s10  }
0x38: {  	s10 =	sld [smem:$0x3FB9]  }
0x39: {  	_ = 	snop;
	(pc) =	sbr.ind lr, $3  }
0x3a: {  	_ = 	snop  }
0x3b: {  	_ = 	snop  }
0x3c: {  	p2 =	seq.s32 s10, $0x1;
	s10 =	sld [smem:$0x3FB8]  }
0x3d: {  	_ =	shalt  }
0x3e: {  	_ =	shalt  }
0x3f: {  	_ =	shalt  }
0x40: {  	_ =	shalt  }
0x41: {  	_ =	shalt  }
0x42: {  	_ =	shalt  }
0x43: {  	_ =	shalt  }
0x44: {  	_ =	shalt  }
0x45: {  	_ =	shalt  }
0x46: {  	_ =	shalt  }
0x47: {  	_ =	shalt  }
0x48: {  	_ =	shalt  }
0x49: {  	_ =	shalt  }
0x4a: {  	_ =	shalt  }
0x4b: {  	_ =	shalt  }
0x4c: {  	_ =	shalt  }
0x4d: {  	_ =	shalt  }
0x4e: {  	_ =	shalt  }
0x4f: {  	_ =	shalt  }
0x50: {  	_ =	shalt  }
0x51: {  	_ =	shalt  }
0x52: {  	_ =	shalt  }
0x53: {  	_ =	shalt  }
0x54: {  	_ =	shalt  }
0x55: {  	_ =	shalt  }
0x56: {  	_ =	shalt  }
0x57: {  	_ =	shalt  }
0x58: {  	_ =	shalt  }
0x59: {  	_ =	shalt  }
0x5a: {  	_ =	shalt  }
0x5b: {  	_ =	shalt  }
0x5c: {  	_ =	shalt  }
0x5d: {  	_ =	shalt  }
0x5e: {  	_ =	shalt  }
0x5f: {  	_ =	shalt  }
0x60: {  	_ =	shalt  }
0x61: {  	_ =	shalt  }
0x62: {  	_ =	shalt  }
0x63: {  	_ =	shalt  }
0x64: {  	_ =	shalt  }
0x65: {  	_ =	shalt  }
0x66: {  	_ =	shalt  }
0x67: {  	_ =	shalt  }
0x68: {  	_ =	shalt  }
0x69: {  	_ =	shalt  }
0x6a: {  	_ =	shalt  }
0x6b: {  	_ =	shalt  }
0x6c: {  	_ =	shalt  }
0x6d: {  	_ =	shalt  }
0x6e: {  	_ =	shalt  }
0x6f: {  	_ =	shalt  }
0x70: {  	_ =	shalt  }
0x71: {  	_ =	shalt  }
0x72: {  	_ =	shalt  }
0x73: {  	_ =	shalt  }
0x74: {  	_ =	shalt  }
0x75: {  	_ =	shalt  }
0x76: {  	_ =	shalt  }
0x77: {  	_ =	shalt  }
0x78: {  	_ =	shalt  }
0x79: {  	_ =	shalt  }
0x7a: {  	_ =	shalt  }
0x7b: {  	_ =	shalt  }
0x7c: {  	_ =	shalt  }
0x7d: {  	_ =	shalt  }
0x7e: {  	_ =	shalt  }
0x7f: {  	_ =	shalt  }
0x80: {  	_ =	shalt  }
0x81: {  	_ =	shalt  }
0x82: {  	_ =	shalt  }
0x83: {  	_ =	shalt  }
0x84: {  	_ =	shalt  }
0x85: {  	_ =	shalt  }
0x86: {  	_ =	shalt  }
0x87: {  	_ =	shalt  }
.Lfunc_end0:
.L_simem_size_0:
called_computation_lowered:
.L_overlay_start_0:
0x88: {  	s2 =	sld [smem:$0x3FD9]  }
0x89: {  	s3 =	sld [smem:$0x3FFE];
	_ =	sdelay $0x1  }
0x8a: {  	s1 =	srdreg.scid  }
0x8b: {  	s0 =	sand.u32 $0x1, s1  }
0x8c: {  	s17 =	sshll.u32 s0, $0xA;
	s2 =	sadd.s32 s3, s2  }
0x8d: {  	s2 =	sadd.s32 s2, s17  }
0x8e: {  	[smem:$0x3FC4] =	sst s2  }
0x8f: {  	_ = 	snop  }
0x90: {  	s2 =	sld [smem:$0x3FD0];
	(tm) =	ssettm $0x1  }
0x91: {  	s18 =	sld [smem:$0x3FFB];
	_ =	sdelay $0x3  }
0x92: {  	_ =	strace s18  }
0x93: {  	s3 =	sld [smem:$0x3FFC];
	_ =	sdelay $0x3  }
0x94: {  	_ =	strace s3  }
0x95: {  	s3 =	sld [smem:$0x3FFD];
	_ =	sdelay $0x3  }
0x96: {  	_ =	strace s3  }
0x97: {  	_ =	strace $0x8FFFFFFF  }
0x98: {  	s19 =	sld [smem:$0x3FDB];
	_ =	sdelay $0x1  }
0x99: {  	s4 =	simm.s32 $_scs_section_size  }
0x9a: {  	s5 =	simm.s32 $_size__tile_overlayer_lowered;
	s6 =	simm.s32 $_tile_overlayer_lowered  }
0x9b: {  	s22 =	simm.s32 $0x1BFF;
	s21 =	sshll.u32 s6, $0x1;
	s3 =	sadd.s32 s4, s19  }
0x9c: {  	s7 =	simm.s32 $0x0;
	s20 =	sshll.u32 s5, $0x1;
	s5 =	sadd.s32 s21, s3  }
0x9d: {  	[timem:s7], [sflag:s22] =	dma.local [hbm:s5], s20  }
0x9e: {  	_ =	swait.ge [sflag:s22], s20  }
0x9f: {  	s4 =	ssub.s32 $0x0, s20;
	[sflag:s22] =	ssyncset.done $0x0  }
0xa0: {  	[sflag:s22] =	ssyncadd.s32 s4;
	_ =	sdelay $0x1  }
0xa1: {  	s23 =	simm.s32 $0x1B8B  }
0xa2: {  	_ =	swait.ge [sflag:s23], $0x1  }
0xa3: {  	[sflag:s23] =	ssyncset.done $0x0  }
0xa4: {  	s25 =	simm.s32 $0x1B8E;
	s24 =	sld [smem:$0x3FFE];
	[sflag:s23] =	ssyncadd.s32 $0xFFFFFFFF  }
0xa5: {  	s26 =	simm.s32 $execute0_lowered;
	[smem:$0x3FD2] =	sst s25  }
0xa6: {  	s5 =	sshll.u32 s26, $0x1;
	_ =	strace $0x80000046;
	[dreg:$0x1] =	wrdreg $0xFFFFFFFF  }
0xa7: {  	s28 =	simm.s32 $_size_execute0_lowered;
	s3 =	sadd.s32 s3, s5;
	[dreg:$0x0] =	wrdreg $0x0  }
0xa8: {  	s5 =	sshll.u32 s28, $0x1;
	[dreg:$0x2] =	wrdreg s3  }
0xa9: {  	[dreg:$0x3] =	wrdreg s5  }
0xaa: {  	[dreg:$0x4] =	wrdreg $0xC0  }
0xab: {  	_ =	task [dreg:s7], $0x5FFFF  }
0xac: {  	[dreg:$0x1] =	wrdreg $0xFFFFFFFF  }
0xad: {  	[dreg:$0x0] =	wrdreg $0x60  }
0xae: {  	[dreg:$0x2] =	wrdreg s2  }
0xaf: {  	[dreg:$0x3] =	wrdreg s24  }
0xb0: {  	[dreg:$0x4] =	wrdreg $0x107400  }
0xb1: {  	[dreg:$0x5] =	wrdreg $0x155600  }
0xb2: {  	[dreg:$0x6] =	wrdreg $0x9  }
0xb3: {  	_ =	task.clear_ibuf [dreg:s7], $0x7FFFF;
	_ =	strace $0x90000046  }
0xb4: {  	s29 =	simm.s32 $0x9;
	_ =	strace $0x80000048  }
0xb5: {  	_ =	swait.ge [sflag:s29], $0x1  }
0xb6: {  	[sflag:s29] =	ssyncadd.s32 $0xFFFFFFFF  }
0xb7: {  	_ =	strace $0x90000048  }
0xb8: {  	_ =	sfence  }
0xb9: {  	s30 =	sld [smem:$0x0];
	_ =	sdelay $0x2  }
0xba: {  	s31 =	sshll.u32 s1, $0xD;
	s1 =	sshrl.u32 s1, $0x2  }
0xbb: {  	s3 =	sand.u32 $0x4000, s31;
	s1 =	sadd.s32 s1, s30  }
0xbc: {  	s0 =	sor.u32 s3, s0;
	s1 =	sshll.u32 s1, $0x11  }
0xbd: {  	s0 =	sor.u32 s1, s0  }
0xbe: {  	s0 =	sadd.s32 $0x8F2B, s0  }
0xbf: {  	[sflag:s0] =	ssyncadd.remote.s32 $0x1  }
0xc0: {  	_ =	sfence.sel $0xFFFF  }
0xc1: {  	[dreg:$0x0] =	wrdreg $0xFFFFFFFF;
	(pc) =	sbr.abs _section_cstart, $3  }
0xc2: {  	[dreg:$0x1] =	wrdreg $0xFFFFFFFF  }
0xc3: {  	_ =	task.clear_ibuf [dreg:s7], $0x2FFFF;
	_ =	strace $0x9FFFFFFF  }
0xc4: {  	(tm) =	ssettm $0x7FFFFFFF  }
0xc5: {  	_ =	shalt  }
tec
execute0_lowered:
.L_overlay_start_1:
0x0: {  	(tag) =	ssettag $0x1  }
0x1: {  	s1 =	rddreg [dreg:$0x0]  }
0x2: {  	s0 =	rddreg [dreg:$0x1]  }
0x3: {  	s2 =	rddreg [dreg:$0x2]  }
0x4: {  	s3 =	rddreg [dreg:$0x3];
	s4 =	simm.s32 $0x0  }
0x5: {  	s5 =	srdreg.scid;
	s14 =	stileid.u32;
	s31 =	simm.s32 $0xA  }
0x6: {  	s30 =	simm.s32 $0xB;
	s29 =	simm.s32 $0x500;
	s8 =	smul.u32 $0x13800, s14  }
0x7: {  	[smem:$0x7FF] =	sst s4;
	s13 =	sand.u32 $0x1, s5;
	s10 =	smul.u32 $0x270, s14  }
0x8: {  	s6 =	sadd.s32 $0x1000, s0;
	s7 =	sadd.s32 $0x14A00, s0;
	s12 =	smul.u32 $0x9C00, s14  }
0x9: {  	s0 =	sadd.s32 $0x28400, s0;
	s17 =	smul.u32 $0x4E20, s14;
	s28 =	sadd.s32 $0x27000, s3  }
0xa: {  	p0 =	sne.s32 s14, $0x0;
	_ =	strace $0x80000047;
	s5 =	smul.u32 $0x2710, s13  }
0xb: {  	s9 =	ssub.s32 $0x2, s13;
	[dreg:$0x5] =	wrdreg s13;
	s8 =	sshrl.u32 s8, $0x2  }
0xc: {  	[dreg:$0xb] =	wrdreg s28;
	s20 =	sshrl.u32 s12, $0x2;
	s16 =	sadd.s32 s8, s2  }
0xd: {  	p1 =	sne.s32 s13, $0x0;
	s24 =	sadd.s32 s20, s3;
	[dreg:$0x6] =	wrdreg s16  }
0xe: {  	p2 =	seq.s32 s13, $0x0;
	s20 =	sadd.s32 $0x4E000, s2;
	[dreg:$0x9] =	wrdreg s24  }
0xf: {  	s11 =	sshrl.u32 s9, $0x1;
	s18 =	sadd.s32 $0x1A00, s16;
	[dreg:$0xa] =	wrdreg s20  }
0x10: {  	s8 =	sshrl.u32 s17, $0x3;
	s19 =	sadd.s32 $0x3400, s16;
	[dreg:$0x7] =	wrdreg s18  }
0x11: {  	s21 =	sadd.s32 s10, s5;
	s12 =	sadd.s32 s6, s8;
	[dreg:$0x8] =	wrdreg s19  }
0x12: {  	s25 =	sadd.s32 $0x2700, s5;
	s22 =	sadd.s32 $0x9C40, s12;
	[dreg:$0xc] =	wrdreg s12  }
0x13: {  	s23 =	sshll.u32 s21, $0x2;
	s15 =	sadd.s32 $0x20, s12;
	[dreg:$0xd] =	wrdreg s22  }
0x14: {  	s26 =	sshll.u32 s25, $0x2;
	s10 =	sadd.s32 s7, s23;
	[dreg:$0xe] =	wrdreg s15  }
0x15: {  	s9 =	ssub.s32 s9, s11;
	s7 =	sadd.s32 s7, s26;
	[dreg:$0xf] =	wrdreg s10  }
0x16: {  	s8 =	sshll.u32 s21, $0x1;
	s17 =	sadd.s32 $0x9C60, s12;
	[dreg:$0x10] =	wrdreg s7  }
0x17: {  	s11 =	simm.s32 $0x0;
	s8 =	sadd.s32 s0, s8;
	[dreg:$0x11] =	wrdreg s17  }
0x18: {  	s18 =	sshll.u32 s25, $0x1;
	s19 =	sadd.s32 $0x40, s12;
	[dreg:$0x12] =	wrdreg s8  }
0x19: {  	s21 =	sadd.s32 $0x9C80, s12;
	s23 =	smax.u32 s9, $0x1;
	[dreg:$0x14] =	wrdreg s19  }
0x1a: {  	s25 =	sadd.s32 $0x9C0, s12;
	s26 =	sadd.s32 $0xA600, s12;
	[dreg:$0x15] =	wrdreg s21  }
0x1b: {  	s12 =	simm.s32 $0x9;
	s9 =	simm.s32 $0x1;
	[dreg:$0x16] =	wrdreg s23  }
0x1c: {  	s15 =	smul.u32 $0x9C4, s14;
	s0 =	sadd.s32 s0, s18;
	[dreg:$0x17] =	wrdreg s25  }
.Ltmp0:
0x1d: {  	[dreg:$0x18] =	wrdreg s26;
	s21 =	simm.s32 $0x1A;
	(pc) =	sbr.rel .LBB2_1-.Ltmp0, $4  }
0x1e: {  	s17 =	simm.s32 $0x3;
	s19 =	simm.s32 $0x7;
	s23 =	simm.s32 $0x4  }
0x1f: {  	s25 =	simm.s32 $0x8;
	s10 =	simm.s32 $0x5;
	s7 =	simm.s32 $0x6  }
0x20: {  	v0 =	vimm.f32 $0.0e+00;
	vm0 =	vcmask $0x300;
	s8 =	simm.s32 $0xC;
	s26 =	simm.s32 $0x4C00;
	[dreg:$0x13] =	wrdreg s0  }
0x21: {  	v2 =	vimm.bf16 $0.0e+00;
	v3 =	vsel vm0, $0x3F800000, v0;
	v1 =	vmov s5;
	s0 =	simm.s32 $0x100;
	s22 =	sadd.s32 s15, s6;
	s6 =	simm.s32 $0x2  }
.LBB2_11:
0x22: {  	s11 =	simm.s32 $0x10  }
0x23: {  	_ =	swait.ge [sflag:s11], $0x2000  }
0x24: {  	[sflag:s11] =	ssyncset.done $0x0  }
0x25: {  	s14 =	simm.s32 @p1 $0x16;
	[sflag:s11] =	ssyncadd.s32 $0xFFFFE000  }
0x26: {  	_ =	swait.ge @p1 [sflag:s14], $0x1000  }
0x27: {  	[sflag:s14] =	ssyncset.done @p1 $0x0  }
0x28: {  	[sflag:s14] =	ssyncadd.s32 @p1 $0xFFFFF000;
	s14 =	simm.s32 @p1 $0x11  }
0x29: {  	_ =	swait.ge @p1 [sflag:s14], $0x2000  }
0x2a: {  	[sflag:s14] =	ssyncset.done @p1 $0x0  }
0x2b: {  	[sflag:s14] =	ssyncadd.s32 @p1 $0xFFFFE000;
	s14 =	simm.s32 @p1 $0x12  }
0x2c: {  	_ =	swait.ge @p1 [sflag:s14], $0x2000  }
0x2d: {  	[sflag:s14] =	ssyncset.done @p1 $0x0  }
0x2e: {  	[sflag:s14] =	ssyncadd.s32 @p1 $0xFFFFE000;
	s14 =	simm.s32 @p1 $0x18  }
0x2f: {  	_ =	swait.ge @p1 [sflag:s14], $0x1000  }
0x30: {  	[sflag:s14] =	ssyncset.done @p1 $0x0  }
0x31: {  	[sflag:s14] =	ssyncadd.s32 @p1 $0xFFFFF000;
	s14 =	simm.s32 @!p1 $0x11  }
0x32: {  	_ =	swait.ge @!p1 [sflag:s14], $0x2000  }
0x33: {  	[sflag:s14] =	ssyncset.done @!p1 $0x0  }
0x34: {  	[sflag:s14] =	ssyncadd.s32 @!p1 $0xFFFFE000;
	s14 =	simm.s32 @!p1 $0x17  }
0x35: {  	_ =	swait.ge @!p1 [sflag:s14], $0x1000  }
0x36: {  	[sflag:s14] =	ssyncset.done @!p1 $0x0  }
0x37: {  	[sflag:s14] =	ssyncadd.s32 @!p1 $0xFFFFF000;
	s14 =	simm.s32 @!p1 $0x12  }
0x38: {  	_ =	swait.ge @!p1 [sflag:s14], $0x2000  }
0x39: {  	s18 =	simm.s32 $0xCC00;
	[sflag:s14] =	ssyncset.done @!p1 $0x0  }
0x3a: {  	s21 =	simm.s32 $0x1A;
	s16 =	rddreg [dreg:$0x17];
	[sflag:s14] =	ssyncadd.s32 @!p1 $0xFFFFE000  }
0x3b: {  	[tilespmem:s18], [sflag:$0x1A] =	stream.linear.gather [hbm4b:s16+s4], $0x20, $0x38;
	[tilespmem:$0x17C70] =	vst v63  }
0x3c: {  	_ =	swait.ge [sflag:s21], $0x20  }
0x3d: {  	[sflag:s21] =	ssyncset.done $0x0  }
0x3e: {  	s13 =	simm.s32 $0xCC20;
	s20 =	rddreg [dreg:$0x18];
	[sflag:s21] =	ssyncadd.s32 $0xFFFFFFE0  }
0x3f: {  	[tilespmem:s13], [sflag:$0x1A] =	stream.linear.gather [hbm4b:s20+s4], $0x20, $0x38;
	[tilespmem:$0x17C70] =	vst v63  }
0x40: {  	_ =	swait.ge [sflag:s21], $0x20  }
0x41: {  	[sflag:s21] =	ssyncset.done $0x0  }
0x42: {  	[sflag:s21] =	ssyncadd.s32 $0xFFFFFFE0  }
0x43: {  	v4 =	vld [tilespmem:$0xCC00]  }
0x44: {  	v5 =	vld [tilespmem:$0xCC10];
	_ =	sdelay $0x3  }
0x45: {  	v4 =	vadd.s32 v1, v4  }
0x46: {  	[tilespmem:$0xCC00] =	vst v4;
	v4 =	vadd.s32 v1, v5  }
0x47: {  	s24 =	simm.s32 $0x20;
	s15 =	simm.s32 $0xCC40;
	s16 =	simm.s32 $0x19;
	[tilespmem:$0xCC10] =	vst v4  }
0x48: {  	[tilespmem:s15], [sflag:$0x19] =	stream.indirect.gather [hbm4b:s1+s24], $0x20, s18, s24, $0xb8;
	[tilespmem:$0x17C70] =	vst v63  }
0x49: {  	_ =	swait.ge [sflag:s16], $0x400  }
0x4a: {  	[sflag:s16] =	ssyncset.done $0x0  }
0x4b: {  	[sflag:s16] =	ssyncadd.s32 $0xFFFFFC00  }
0x4c: {  	[spmem:s2] =	stream.indirect.scatter.add.bf16 [tilespmem:s15], [sflag:$0x1A], $0x20, s13, s24, $0xb8;
	[tilespmem:$0x17C70] =	vst v63  }
0x4d: {  	_ =	swait.ge [sflag:s21], $0x400  }
0x4e: {  	[sflag:s21] =	ssyncset.done $0x0  }
0x4f: {  	s14 =	simm.s32 @!p2 $0x20;
	s15 =	simm.s32 @!p2 $0xCC20;
	[sflag:s21] =	ssyncadd.s32 $0xFFFFFC00  }
0x50: {  	[spmem:s3] =	stream.indirect.scatter.add.f32 @!p2 [tilespmem:s5], [sflag:$0x1A], $0x10, s15, s14, $0xb8;
	[tilespmem:$0x17C70] =	vst v63  }
0x51: {  	s5 =	simm.s32 @!p2 $0x1A  }
0x52: {  	_ =	swait.ge @!p2 [sflag:s5], $0x200  }
0x53: {  	[sflag:s5] =	ssyncset.done @!p2 $0x0  }
0x54: {  	[sflag:s5] =	ssyncadd.s32 @!p2 $0xFFFFFE00  }
0x55: {  	s18 =	stileid.u32;
	[bflag:$0x0] =	sbarrier.arrive $0xFFFF  }
0x56: {  	s5 =	sshll.u32 s18, $0x6;
	s16 =	rddreg [dreg:$0x6]  }
0x57: {  	s5 =	sor.u32 $0x1C1A, s5;
	s24 =	rddreg [dreg:$0xf];
	s20 =	sshrl.u32 s16, $0x3  }
0x58: {  	[hbm:s24], [sflag:s5] =	dma.local [spmem:s20], $0x9C0  }
0x59: {  	_ =	swait.ge [sflag:s21], $0x9C0  }
0x5a: {  	[sflag:s21] =	ssyncset.done $0x0;
	s24 =	rddreg [dreg:$0x9]  }
0x5b: {  	s13 =	rddreg [dreg:$0x12];
	[sflag:s21] =	ssyncadd.s32 $0xFFFFF640;
	s11 =	sshrl.u32 s24, $0x3  }
0x5c: {  	[hbm:s13], [sflag:s5] =	dma.local [spmem:s11], $0x4E0  }
0x5d: {  	_ =	swait.ge [sflag:s21], $0x4E0  }
0x5e: {  	[sflag:s21] =	ssyncset.done $0x0;
	s20 =	rddreg [dreg:$0xa]  }
0x5f: {  	s15 =	rddreg [dreg:$0x10];
	[sflag:s21] =	ssyncadd.s32 $0xFFFFFB20;
	s14 =	sshrl.u32 @!p0 s20, $0x3  }
0x60: {  	[hbm:s15], [sflag:s5] =	dma.local @!p0 [spmem:s14], $0x40  }
0x61: {  	s14 =	simm.s32 @!p0 $0x1A  }
0x62: {  	_ =	swait.ge @!p0 [sflag:s14], $0x40  }
0x63: {  	[sflag:s14] =	ssyncset.done @!p0 $0x0;
	s28 =	rddreg [dreg:$0xb]  }
0x64: {  	s18 =	rddreg [dreg:$0x13];
	[sflag:s14] =	ssyncadd.s32 @!p0 $0xFFFFFFC0;
	s15 =	sshrl.u32 @!p0 s28, $0x3  }
0x65: {  	[hbm:s18], [sflag:s5] =	dma.local @!p0 [spmem:s15], $0x20  }
0x66: {  	_ =	swait.ge @!p0 [sflag:s14], $0x20  }
0x67: {  	s15 =	rddreg [dreg:$0x19]  }
0x68: {  	s18 =	rddreg [dreg:$0x16];
	s11 =	sadd.s32 $0x1, s15  }
0x69: {  	p3 =	sne.s32 s11, s18  }
.Ltmp1:
0x6a: {  	_ = 	snop;
	(pc) =	sbr.rel @!p3 .LBB2_12-.Ltmp1, $3  }
0x6b: {  	_ =	sdelay $0x1  }
0x6c: {  	[sflag:s14] =	ssyncset.done @!p0 $0x0  }
0x6d: {  	[sflag:s14] =	ssyncadd.s32 @!p0 $0xFFFFFFE0  }
.LBB2_1:
0x6e: {  	s5 =	simm.s32 $0xC10;
	s14 =	simm.s32 $0x0  }
.LBB2_2:
0x6f: {  	p3 =	sne.s32 s14, $0x3FC0  }
.Ltmp2:
0x70: {  	_ = 	snop;
	(pc) =	sbr.rel @p3 .LBB2_2-.Ltmp2, $4  }
0x71: {  	_ = 	snop  }
0x72: {  	[tilespmem:s5+$0xFFFFFFF0] =	vst v2  }
0x73: {  	[tilespmem:s5+$0x0] =	vst v2;
	s15 =	sshra.s32 s14, $0x2  }
0x74: {  	s5 =	sadd.s32 $0x20, s5;
	s14 =	sadd.s32 $0x40, s14;
	[tilespmem:s15+$0xD040] =	vst v3  }
0x75: {  	s5 =	simm.s32 $0x40;
	s14 =	simm.s32 $0x0  }
.LBB2_4:
0x76: {  	p3 =	sne.s32 s5, $0x9BC0;
	[tilespmem:s14+$0xE040] =	vst v0;
	s14 =	smov.u32 s5;
	s5 =	sadd.s32 $0x40, s5  }
.Ltmp3:
0x77: {  	(pc) =	sbr.rel @p3 .LBB2_4-.Ltmp3, $2  }
0x78: {  	_ =	sdelay $0x2  }
0x79: {  	s14 =	sshra.s32 s14, $0x2  }
0x7a: {  	[dreg:$0x19] =	wrdreg s11;
	[tilespmem:s14+$0xE040] =	vst v0;
	s15 =	simm.s32 $0xC00  }
0x7b: {  	[spmem:s16] =	stream.linear.scatter [tilespmem:s15], [sflag:$0x1A], $0x1A00, $0x38;
	[tilespmem:$0x17C70] =	vst v63  }
0x7c: {  	_ =	swait.ge [sflag:s21], $0x1A00  }
0x7d: {  	[sflag:s21] =	ssyncset.done $0x0  }
0x7e: {  	s5 =	rddreg [dreg:$0x7];
	[sflag:s21] =	ssyncadd.s32 $0xFFFFE600  }
0x7f: {  	[spmem:s5] =	stream.linear.scatter [tilespmem:s15], [sflag:$0x1A], $0x1A00, $0x38;
	[tilespmem:$0x17C70] =	vst v63  }
0x80: {  	_ =	swait.ge [sflag:s21], $0x1A00  }
0x81: {  	[sflag:s21] =	ssyncset.done $0x0  }
0x82: {  	s16 =	rddreg [dreg:$0x8];
	[sflag:s21] =	ssyncadd.s32 $0xFFFFE600  }
0x83: {  	[spmem:s16] =	stream.linear.scatter [tilespmem:s15], [sflag:$0x1A], $0x1A00, $0x38;
	[tilespmem:$0x17C70] =	vst v63  }
0x84: {  	_ =	swait.ge [sflag:s21], $0x1A00  }
0x85: {  	[sflag:s21] =	ssyncset.done $0x0  }
0x86: {  	s18 =	simm.s32 $0xE040;
	[sflag:s21] =	ssyncadd.s32 $0xFFFFE600  }
0x87: {  	[spmem:s24] =	stream.linear.scatter [tilespmem:s18], [sflag:$0x1A], $0x2700, $0x38;
	[tilespmem:$0x17C70] =	vst v63  }
0x88: {  	_ =	swait.ge [sflag:s21], $0x2700  }
0x89: {  	[sflag:s21] =	ssyncset.done $0x0  }
0x8a: {  	s5 =	simm.s32 @!p0 $0xC00;
	[sflag:s21] =	ssyncadd.s32 $0xFFFFD900  }
0x8b: {  	[spmem:s20] =	stream.linear.scatter @!p0 [tilespmem:s5], [sflag:$0x1A], $0x200, $0x38;
	[tilespmem:$0x17C70] =	vst v63  }
0x8c: {  	s5 =	simm.s32 @!p0 $0x1A  }
0x8d: {  	_ =	swait.ge @!p0 [sflag:s5], $0x200  }
0x8e: {  	[sflag:s5] =	ssyncset.done @!p0 $0x0  }
0x8f: {  	s14 =	simm.s32 @!p0 $0xE040;
	[sflag:s5] =	ssyncadd.s32 @!p0 $0xFFFFFE00  }
0x90: {  	[spmem:s28] =	stream.linear.scatter @!p0 [tilespmem:s14], [sflag:$0x1A], $0x100, $0x38;
	[tilespmem:$0x17C70] =	vst v63  }
0x91: {  	_ =	swait.ge @!p0 [sflag:s5], $0x100  }
0x92: {  	[sflag:s5] =	ssyncset.done @!p0 $0x0  }
0x93: {  	[sflag:s5] =	ssyncadd.s32 @!p0 $0xFFFFFF00  }
0x94: {  	[bflag:$0x0] =	sbarrier.arrive $0xFFFF  }
0x95: {  	s14 =	simm.s32 $0x0;
	s24 =	rddreg [dreg:$0xc]  }
0x96: {  	[tilespmem:s14], [sflag:$0x1A] =	stream.linear.gather [hbm4b:s24+s14], $0x100, $0x38;
	[tilespmem:$0x17C70] =	vst v63  }
0x97: {  	_ =	swait.ge [sflag:s21], $0x100  }
0x98: {  	[sflag:s21] =	ssyncset.done $0x0  }
0x99: {  	s11 =	simm.s32 $0x600;
	s28 =	rddreg [dreg:$0xd];
	[sflag:s21] =	ssyncadd.s32 $0xFFFFFF00  }
0x9a: {  	[tilespmem:s11], [sflag:$0x1A] =	stream.linear.gather [hbm4b:s28+s14], $0x100, $0x38;
	[tilespmem:$0x17C70] =	vst v63  }
0x9b: {  	_ =	swait.ge [sflag:s21], $0x100  }
0x9c: {  	[sflag:s21] =	ssyncset.done $0x0  }
0x9d: {  	[sflag:s21] =	ssyncadd.s32 $0xFFFFFF00  }
0x9e: {  	v4 =	vld [tilespmem:$0x0]  }
0x9f: {  	v5 =	vld [tilespmem:$0x10]  }
0xa0: {  	v6 =	vld [tilespmem:$0x20]  }
0xa1: {  	v7 =	vld [tilespmem:$0x30]  }
0xa2: {  	v8 =	vld [tilespmem:$0x40]  }
0xa3: {  	v9 =	vld [tilespmem:$0x50];
	v4 =	vadd.s32 v1, v4  }
0xa4: {  	[tilespmem:$0x0] =	vst v4;
	v4 =	vadd.s32 v1, v5;
	v5 =	vld [tilespmem:$0x60]  }
0xa5: {  	v44 =	vld [tilespmem:$0x70];
	[tilespmem:$0x10] =	vst v4;
	v4 =	vadd.s32 v1, v6  }
0xa6: {  	v45 =	vld [tilespmem:$0x80];
	[tilespmem:$0x20] =	vst v4;
	v4 =	vadd.s32 v1, v7  }
0xa7: {  	v46 =	vld [tilespmem:$0x90];
	[tilespmem:$0x30] =	vst v4;
	v4 =	vadd.s32 v1, v8  }
0xa8: {  	v47 =	vld [tilespmem:$0xA0];
	[tilespmem:$0x40] =	vst v4;
	v4 =	vadd.s32 v1, v9  }
0xa9: {  	[tilespmem:$0x50] =	vst v4;
	v4 =	vadd.s32 v1, v5;
	v5 =	vld [tilespmem:$0xB0]  }
0xaa: {  	v48 =	vld [tilespmem:$0xC0];
	[tilespmem:$0x60] =	vst v4;
	v4 =	vadd.s32 v1, v44  }
0xab: {  	v49 =	vld [tilespmem:$0xD0];
	[tilespmem:$0x70] =	vst v4;
	v4 =	vadd.s32 v1, v45  }
0xac: {  	v50 =	vld [tilespmem:$0xE0];
	[tilespmem:$0x80] =	vst v4;
	v4 =	vadd.s32 v1, v46  }
0xad: {  	v51 =	vld [tilespmem:$0xF0];
	[tilespmem:$0x90] =	vst v4;
	v4 =	vadd.s32 v1, v47  }
0xae: {  	[tilespmem:$0xA0] =	vst v4;
	v4 =	vadd.s32 v1, v5  }
0xaf: {  	[tilespmem:$0xB0] =	vst v4;
	v4 =	vadd.s32 v1, v48  }
0xb0: {  	[tilespmem:$0xC0] =	vst v4;
	v4 =	vadd.s32 v1, v49  }
0xb1: {  	[tilespmem:$0xD0] =	vst v4;
	v4 =	vadd.s32 v1, v50  }
0xb2: {  	[tilespmem:$0xE0] =	vst v4;
	v4 =	vadd.s32 v1, v51  }
0xb3: {  	[tilespmem:$0xF0] =	vst v4  }
0xb4: {  	[tilespmem:s15], [sflag:$0x7] =	stream.indirect.gather [hbm4b:s1+s0], $0x20, s14, s0, $0xb8;
	[tilespmem:$0x17C70] =	vst v63  }
0xb5: {  	s13 =	rddreg [dreg:$0xe]  }
0xb6: {  	[tilespmem:s0], [sflag:$0x2] =	stream.linear.gather [hbm4b:s13+s14], $0x100, $0x38;
	[tilespmem:$0x17C70] =	vst v63  }
0xb7: {  	s16 =	simm.s32 $0x700;
	s15 =	rddreg [dreg:$0x11]  }
0xb8: {  	[tilespmem:s16], [sflag:$0x2] =	stream.linear.gather [hbm4b:s15+s14], $0x100, $0x38;
	[tilespmem:$0x17C70] =	vst v63  }
0xb9: {  	_ =	swait.ge [sflag:s6], $0x100  }
0xba: {  	[sflag:s6] =	ssyncset.done $0x0  }
0xbb: {  	[sflag:s6] =	ssyncadd.s32 $0xFFFFFF00  }
0xbc: {  	_ =	swait.ge [sflag:s6], $0x100  }
0xbd: {  	[sflag:s6] =	ssyncset.done $0x0  }
0xbe: {  	[sflag:s6] =	ssyncadd.s32 $0xFFFFFF00  }
0xbf: {  	v4 =	vld [tilespmem:$0x100]  }
0xc0: {  	v5 =	vld [tilespmem:$0x110]  }
0xc1: {  	v52 =	vld [tilespmem:$0x120]  }
0xc2: {  	v53 =	vld [tilespmem:$0x130]  }
0xc3: {  	v54 =	vld [tilespmem:$0x140]  }
0xc4: {  	v55 =	vld [tilespmem:$0x150];
	v4 =	vadd.s32 v1, v4  }
0xc5: {  	[tilespmem:$0x100] =	vst v4;
	v4 =	vadd.s32 v1, v5;
	v5 =	vld [tilespmem:$0x160]  }
0xc6: {  	v56 =	vld [tilespmem:$0x170];
	[tilespmem:$0x110] =	vst v4;
	v4 =	vadd.s32 v1, v52  }
0xc7: {  	v57 =	vld [tilespmem:$0x180];
	[tilespmem:$0x120] =	vst v4;
	v4 =	vadd.s32 v1, v53  }
0xc8: {  	v58 =	vld [tilespmem:$0x190];
	[tilespmem:$0x130] =	vst v4;
	v4 =	vadd.s32 v1, v54  }
0xc9: {  	v59 =	vld [tilespmem:$0x1A0];
	[tilespmem:$0x140] =	vst v4;
	v4 =	vadd.s32 v1, v55  }
0xca: {  	[tilespmem:$0x150] =	vst v4;
	v4 =	vadd.s32 v1, v5;
	v5 =	vld [tilespmem:$0x1B0]  }
0xcb: {  	v60 =	vld [tilespmem:$0x1C0];
	[tilespmem:$0x160] =	vst v4;
	v4 =	vadd.s32 v1, v56  }
0xcc: {  	v61 =	vld [tilespmem:$0x1D0];
	[tilespmem:$0x170] =	vst v4;
	v4 =	vadd.s32 v1, v57  }
0xcd: {  	v62 =	vld [tilespmem:$0x1E0];
	[tilespmem:$0x180] =	vst v4;
	v4 =	vadd.s32 v1, v58  }
0xce: {  	v63 =	vld [tilespmem:$0x1F0];
	[tilespmem:$0x190] =	vst v4;
	v4 =	vadd.s32 v1, v59  }
0xcf: {  	[tilespmem:$0x1A0] =	vst v4;
	v4 =	vadd.s32 v1, v5  }
0xd0: {  	[tilespmem:$0x1B0] =	vst v4;
	v4 =	vadd.s32 v1, v60  }
0xd1: {  	[tilespmem:$0x1C0] =	vst v4;
	v4 =	vadd.s32 v1, v61  }
0xd2: {  	[tilespmem:$0x1D0] =	vst v4;
	v4 =	vadd.s32 v1, v62  }
0xd3: {  	[tilespmem:$0x1E0] =	vst v4;
	v4 =	vadd.s32 v1, v63  }
0xd4: {  	s18 =	simm.s32 $0x2C00;
	[tilespmem:$0x1F0] =	vst v4  }
0xd5: {  	[tilespmem:s18], [sflag:$0x8] =	stream.indirect.gather [hbm4b:s1+s0], $0x20, s0, s0, $0xb8;
	[tilespmem:$0x17C70] =	vst v63  }
.Ltmp4:
0xd6: {  	_ = 	snop;
	(pc) =	sbr.rel .LBB2_6-.Ltmp4, $4  }
0xd7: {  	s21 =	simm.s32 $0x200;
	s20 =	rddreg [dreg:$0x14]  }
0xd8: {  	[tilespmem:s21], [sflag:$0x3] =	stream.linear.gather [hbm4b:s20+s14], $0x100, $0x38;
	[tilespmem:$0x17C70] =	vst v63  }
0xd9: {  	s28 =	simm.s32 $0x800;
	s24 =	rddreg [dreg:$0x15]  }
0xda: {  	[tilespmem:s28], [sflag:$0x3] =	stream.linear.gather [hbm4b:s24+s14], $0x100, $0x38;
	[tilespmem:$0x17C70] =	vst v63  }
.LBB2_10:
0xdb: {  	s14 =	sadd.s32 $0xC0, s14  }
0xdc: {  	_ =	swait.ge [sflag:s8], $0x2000;
	p3 =	sne.s32 s14, $0x9C0  }
.Ltmp5:
0xdd: {  	[sflag:s8] =	ssyncset.done $0x0;
	(pc) =	sbr.rel @!p3 .LBB2_11-.Ltmp5, $4  }
0xde: {  	s5 =	simm.s32 $0xB00;
	[sflag:s8] =	ssyncadd.s32 $0xFFFFE000  }
0xdf: {  	[spmem:s2] =	stream.indirect.scatter.add.bf16 [tilespmem:s21], [sflag:$0x12], $0x20, s5, s0, $0xb8;
	[tilespmem:$0x17C70] =	vst v63  }
0xe0: {  	s15 =	simm.s32 @!p2 $0x100;
	s16 =	simm.s32 @!p2 $0xB00;
	s5 =	simm.s32 @!p2 $0xD040  }
0xe1: {  	[spmem:s3] =	stream.indirect.scatter.add.f32 @!p2 [tilespmem:s5], [sflag:$0x18], $0x10, s16, s15, $0xb8;
	[tilespmem:$0x17C70] =	vst v63  }
.LBB2_6:
0xe2: {  	p3 =	seq.s32 s14, $0x0  }
0xe3: {  	s15 =	rddreg [dreg:$0x5];
	s5 =	simm.s32 @!p3 $0x10  }
0xe4: {  	p4 =	seq.s32 @!p3 s15, $0x0;
	_ =	swait.ge @!p3 [sflag:s5], $0x2000  }
0xe5: {  	p4 =	por p4, p3;
	[sflag:s5] =	ssyncset.done @!p3 $0x0  }
0xe6: {  	[sflag:s5] =	ssyncadd.s32 @!p3 $0xFFFFE000;
	s5 =	simm.s32 @!p4 $0x16  }
0xe7: {  	_ =	swait.ge @!p4 [sflag:s5], $0x1000  }
0xe8: {  	s28 =	sadd.s32 s14, s22;
	[sflag:s5] =	ssyncset.done @!p4 $0x0  }
0xe9: {  	s18 =	simm.s32 $0x300;
	s13 =	sadd.s32 $0x60, s28;
	[sflag:s5] =	ssyncadd.s32 @!p4 $0xFFFFF000  }
0xea: {  	[tilespmem:s18], [sflag:$0x4] =	stream.linear.gather [hbm4b:s13+s4], $0x100, $0x38;
	[tilespmem:$0x17C70] =	vst v63  }
0xeb: {  	s24 =	simm.s32 $0x900;
	s15 =	sadd.s32 $0x9CA0, s28  }
0xec: {  	[tilespmem:s24], [sflag:$0x4] =	stream.linear.gather [hbm4b:s15+s4], $0x100, $0x38;
	[tilespmem:$0x17C70] =	vst v63  }
0xed: {  	_ =	swait.ge [sflag:s17], $0x100  }
0xee: {  	[sflag:s17] =	ssyncset.done $0x0  }
0xef: {  	[sflag:s17] =	ssyncadd.s32 $0xFFFFFF00  }
0xf0: {  	_ =	swait.ge [sflag:s17], $0x100  }
0xf1: {  	[sflag:s17] =	ssyncset.done $0x0  }
0xf2: {  	[sflag:s17] =	ssyncadd.s32 $0xFFFFFF00  }
0xf3: {  	v4 =	vld [tilespmem:$0x200]  }
0xf4: {  	v5 =	vld [tilespmem:$0x210]  }
0xf5: {  	v6 =	vld [tilespmem:$0x220]  }
0xf6: {  	v7 =	vld [tilespmem:$0x230]  }
0xf7: {  	v8 =	vld [tilespmem:$0x240]  }
0xf8: {  	v9 =	vld [tilespmem:$0x250];
	v4 =	vadd.s32 v1, v4  }
0xf9: {  	[tilespmem:$0x200] =	vst v4;
	v4 =	vadd.s32 v1, v5;
	v5 =	vld [tilespmem:$0x260]  }
0xfa: {  	v20 =	vld [tilespmem:$0x270];
	[tilespmem:$0x210] =	vst v4;
	v4 =	vadd.s32 v1, v6  }
0xfb: {  	v21 =	vld [tilespmem:$0x280];
	[tilespmem:$0x220] =	vst v4;
	v4 =	vadd.s32 v1, v7  }
0xfc: {  	v22 =	vld [tilespmem:$0x290];
	[tilespmem:$0x230] =	vst v4;
	v4 =	vadd.s32 v1, v8  }
0xfd: {  	v23 =	vld [tilespmem:$0x2A0];
	[tilespmem:$0x240] =	vst v4;
	v4 =	vadd.s32 v1, v9  }
0xfe: {  	[tilespmem:$0x250] =	vst v4;
	v4 =	vadd.s32 v1, v5;
	v5 =	vld [tilespmem:$0x2B0]  }
0xff: {  	v24 =	vld [tilespmem:$0x2C0];
	[tilespmem:$0x260] =	vst v4;
	v4 =	vadd.s32 v1, v20  }
0x100: {  	v25 =	vld [tilespmem:$0x2D0];
	[tilespmem:$0x270] =	vst v4;
	v4 =	vadd.s32 v1, v21  }
0x101: {  	v26 =	vld [tilespmem:$0x2E0];
	[tilespmem:$0x280] =	vst v4;
	v4 =	vadd.s32 v1, v22  }
0x102: {  	v27 =	vld [tilespmem:$0x2F0];
	[tilespmem:$0x290] =	vst v4;
	v4 =	vadd.s32 v1, v23  }
0x103: {  	[tilespmem:$0x2A0] =	vst v4;
	v4 =	vadd.s32 v1, v5  }
0x104: {  	[tilespmem:$0x2B0] =	vst v4;
	v4 =	vadd.s32 v1, v24  }
0x105: {  	[tilespmem:$0x2C0] =	vst v4;
	v4 =	vadd.s32 v1, v25  }
0x106: {  	[tilespmem:$0x2D0] =	vst v4;
	v4 =	vadd.s32 v1, v26  }
0x107: {  	[tilespmem:$0x2E0] =	vst v4;
	v4 =	vadd.s32 v1, v27  }
0x108: {  	s16 =	simm.s32 $0x200;
	[tilespmem:$0x2F0] =	vst v4  }
0x109: {  	[tilespmem:s26], [sflag:$0x9] =	stream.indirect.gather [hbm4b:s1+s0], $0x20, s16, s0, $0xb8;
	[tilespmem:$0x17C70] =	vst v63  }
0x10a: {  	p3 =	seq.s32 @p1 s14, $0x0;
	_ =	swait.ge [sflag:s19], $0x2000  }
0x10b: {  	s20 =	simm.s32 $0x600;
	p3 =	por p3, !p1;
	[sflag:s19] =	ssyncset.done $0x0  }
0x10c: {  	s11 =	simm.s32 $0xC00;
	s5 =	simm.s32 @!p3 $0x11;
	[sflag:s19] =	ssyncadd.s32 $0xFFFFE000  }
0x10d: {  	[spmem:s2] =	stream.indirect.scatter.add.bf16 [tilespmem:s11], [sflag:$0xD], $0x20, s20, s0, $0xb8;
	[tilespmem:$0x17C70] =	vst v63  }
0x10e: {  	p4 =	seq.s32 @!p1 s14, $0x0;
	_ =	swait.ge @!p3 [sflag:s5], $0x2000  }
0x10f: {  	p4 =	por p4, p1;
	s15 =	simm.s32 @!p1 $0xD040;
	[sflag:s5] =	ssyncset.done @!p3 $0x0  }
0x110: {  	s16 =	simm.s32 @!p1 $0x600;
	[sflag:s5] =	ssyncadd.s32 @!p3 $0xFFFFE000;
	s5 =	simm.s32 @!p1 $0x100  }
0x111: {  	[spmem:s3] =	stream.indirect.scatter.add.f32 @!p1 [tilespmem:s15], [sflag:$0x13], $0x10, s16, s5, $0xb8;
	[tilespmem:$0x17C70] =	vst v63  }
0x112: {  	s16 =	simm.s32 @!p4 $0x11  }
0x113: {  	_ =	swait.ge @!p4 [sflag:s16], $0x2000  }
0x114: {  	[sflag:s16] =	ssyncset.done @!p4 $0x0  }
0x115: {  	[sflag:s16] =	ssyncadd.s32 @!p4 $0xFFFFE000;
	s16 =	simm.s32 @!p4 $0x17  }
0x116: {  	_ =	swait.ge @!p4 [sflag:s16], $0x1000  }
0x117: {  	[sflag:s16] =	ssyncset.done @!p4 $0x0  }
0x118: {  	s21 =	sadd.s32 $0x80, s28;
	s13 =	simm.s32 $0x400;
	[sflag:s16] =	ssyncadd.s32 @!p4 $0xFFFFF000  }
0x119: {  	[tilespmem:s13], [sflag:$0x5] =	stream.linear.gather [hbm4b:s21+s4], $0x100, $0x38;
	[tilespmem:$0x17C70] =	vst v63  }
0x11a: {  	s11 =	sadd.s32 $0x9CC0, s28;
	s20 =	simm.s32 $0xA00  }
0x11b: {  	[tilespmem:s20], [sflag:$0x5] =	stream.linear.gather [hbm4b:s11+s4], $0x100, $0x38;
	[tilespmem:$0x17C70] =	vst v63  }
0x11c: {  	_ =	swait.ge [sflag:s23], $0x100  }
0x11d: {  	[sflag:s23] =	ssyncset.done $0x0  }
0x11e: {  	[sflag:s23] =	ssyncadd.s32 $0xFFFFFF00  }
0x11f: {  	_ =	swait.ge [sflag:s23], $0x100  }
0x120: {  	[sflag:s23] =	ssyncset.done $0x0  }
0x121: {  	[sflag:s23] =	ssyncadd.s32 $0xFFFFFF00  }
0x122: {  	v4 =	vld [tilespmem:$0x300]  }
0x123: {  	v5 =	vld [tilespmem:$0x310]  }
0x124: {  	v28 =	vld [tilespmem:$0x320]  }
0x125: {  	v29 =	vld [tilespmem:$0x330]  }
0x126: {  	v30 =	vld [tilespmem:$0x340]  }
0x127: {  	v31 =	vld [tilespmem:$0x350];
	v4 =	vadd.s32 v1, v4  }
0x128: {  	[tilespmem:$0x300] =	vst v4;
	v4 =	vadd.s32 v1, v5;
	v5 =	vld [tilespmem:$0x360]  }
0x129: {  	v32 =	vld [tilespmem:$0x370];
	[tilespmem:$0x310] =	vst v4;
	v4 =	vadd.s32 v1, v28  }
0x12a: {  	v33 =	vld [tilespmem:$0x380];
	[tilespmem:$0x320] =	vst v4;
	v4 =	vadd.s32 v1, v29  }
0x12b: {  	v34 =	vld [tilespmem:$0x390];
	[tilespmem:$0x330] =	vst v4;
	v4 =	vadd.s32 v1, v30  }
0x12c: {  	v35 =	vld [tilespmem:$0x3A0];
	[tilespmem:$0x340] =	vst v4;
	v4 =	vadd.s32 v1, v31  }
0x12d: {  	[tilespmem:$0x350] =	vst v4;
	v4 =	vadd.s32 v1, v5;
	v5 =	vld [tilespmem:$0x3B0]  }
0x12e: {  	v36 =	vld [tilespmem:$0x3C0];
	[tilespmem:$0x360] =	vst v4;
	v4 =	vadd.s32 v1, v32  }
0x12f: {  	v37 =	vld [tilespmem:$0x3D0];
	[tilespmem:$0x370] =	vst v4;
	v4 =	vadd.s32 v1, v33  }
0x130: {  	v38 =	vld [tilespmem:$0x3E0];
	[tilespmem:$0x380] =	vst v4;
	v4 =	vadd.s32 v1, v34  }
0x131: {  	v39 =	vld [tilespmem:$0x3F0];
	[tilespmem:$0x390] =	vst v4;
	v4 =	vadd.s32 v1, v35  }
0x132: {  	[tilespmem:$0x3A0] =	vst v4;
	v4 =	vadd.s32 v1, v5  }
0x133: {  	[tilespmem:$0x3B0] =	vst v4;
	v4 =	vadd.s32 v1, v36  }
0x134: {  	[tilespmem:$0x3C0] =	vst v4;
	v4 =	vadd.s32 v1, v37  }
0x135: {  	[tilespmem:$0x3D0] =	vst v4;
	v4 =	vadd.s32 v1, v38  }
0x136: {  	[tilespmem:$0x3E0] =	vst v4;
	v4 =	vadd.s32 v1, v39  }
0x137: {  	s11 =	simm.s32 $0x6C00;
	[tilespmem:$0x3F0] =	vst v4  }
0x138: {  	[tilespmem:s11], [sflag:$0xA] =	stream.indirect.gather [hbm4b:s1+s0], $0x20, s18, s0, $0xb8;
	[tilespmem:$0x17C70] =	vst v63  }
0x139: {  	_ =	swait.ge [sflag:s25], $0x2000  }
0x13a: {  	[sflag:s25] =	ssyncset.done $0x0  }
0x13b: {  	s20 =	simm.s32 $0x2C00;
	s18 =	simm.s32 $0x700;
	[sflag:s25] =	ssyncadd.s32 $0xFFFFE000  }
0x13c: {  	[spmem:s2] =	stream.indirect.scatter.add.bf16 [tilespmem:s20], [sflag:$0xE], $0x20, s18, s0, $0xb8;
	[tilespmem:$0x17C70] =	vst v63  }
0x13d: {  	s16 =	simm.s32 @p1 $0x100;
	s18 =	simm.s32 @p1 $0x700;
	s20 =	simm.s32 @p1 $0xD040  }
0x13e: {  	[spmem:s3] =	stream.indirect.scatter.add.f32 @p1 [tilespmem:s20], [sflag:$0x14], $0x10, s18, s16, $0xb8;
	[tilespmem:$0x17C70] =	vst v63  }
0x13f: {  	s16 =	simm.s32 @!p3 $0x12  }
0x140: {  	_ =	swait.ge @!p3 [sflag:s16], $0x2000  }
0x141: {  	[sflag:s16] =	ssyncset.done @!p3 $0x0  }
0x142: {  	[sflag:s16] =	ssyncadd.s32 @!p3 $0xFFFFE000;
	s16 =	simm.s32 @!p3 $0x18  }
0x143: {  	_ =	swait.ge @!p3 [sflag:s16], $0x1000  }
0x144: {  	[sflag:s16] =	ssyncset.done @!p3 $0x0  }
0x145: {  	[sflag:s16] =	ssyncadd.s32 @!p3 $0xFFFFF000;
	s16 =	simm.s32 @!p4 $0x12  }
0x146: {  	_ =	swait.ge @!p4 [sflag:s16], $0x2000  }
0x147: {  	[sflag:s16] =	ssyncset.done @!p4 $0x0  }
0x148: {  	s20 =	sadd.s32 $0xA0, s28;
	[sflag:s16] =	ssyncadd.s32 @!p4 $0xFFFFE000  }
0x149: {  	[tilespmem:s29], [sflag:$0x6] =	stream.linear.gather [hbm4b:s20+s4], $0x100, $0x38;
	[tilespmem:$0x17C70] =	vst v63  }
0x14a: {  	s21 =	simm.s32 $0xB00;
	s18 =	sadd.s32 $0x9CE0, s28  }
0x14b: {  	[tilespmem:s21], [sflag:$0x6] =	stream.linear.gather [hbm4b:s18+s4], $0x100, $0x38;
	[tilespmem:$0x17C70] =	vst v63  }
0x14c: {  	_ =	swait.ge [sflag:s10], $0x100  }
0x14d: {  	[sflag:s10] =	ssyncset.done $0x0  }
0x14e: {  	[sflag:s10] =	ssyncadd.s32 $0xFFFFFF00  }
0x14f: {  	_ =	swait.ge [sflag:s10], $0x100  }
0x150: {  	[sflag:s10] =	ssyncset.done $0x0  }
0x151: {  	[sflag:s10] =	ssyncadd.s32 $0xFFFFFF00  }
0x152: {  	v4 =	vld [tilespmem:$0x400]  }
0x153: {  	v5 =	vld [tilespmem:$0x410]  }
0x154: {  	v40 =	vld [tilespmem:$0x420]  }
0x155: {  	v41 =	vld [tilespmem:$0x430]  }
0x156: {  	v42 =	vld [tilespmem:$0x440]  }
0x157: {  	v43 =	vld [tilespmem:$0x450];
	v4 =	vadd.s32 v1, v4  }
0x158: {  	[tilespmem:$0x400] =	vst v4;
	v4 =	vadd.s32 v1, v5;
	v5 =	vld [tilespmem:$0x460]  }
0x159: {  	v44 =	vld [tilespmem:$0x470];
	[tilespmem:$0x410] =	vst v4;
	v4 =	vadd.s32 v1, v40  }
0x15a: {  	v45 =	vld [tilespmem:$0x480];
	[tilespmem:$0x420] =	vst v4;
	v4 =	vadd.s32 v1, v41  }
0x15b: {  	v46 =	vld [tilespmem:$0x490];
	[tilespmem:$0x430] =	vst v4;
	v4 =	vadd.s32 v1, v42  }
0x15c: {  	v47 =	vld [tilespmem:$0x4A0];
	[tilespmem:$0x440] =	vst v4;
	v4 =	vadd.s32 v1, v43  }
0x15d: {  	[tilespmem:$0x450] =	vst v4;
	v4 =	vadd.s32 v1, v5;
	v5 =	vld [tilespmem:$0x4B0]  }
0x15e: {  	v48 =	vld [tilespmem:$0x4C0];
	[tilespmem:$0x460] =	vst v4;
	v4 =	vadd.s32 v1, v44  }
0x15f: {  	v49 =	vld [tilespmem:$0x4D0];
	[tilespmem:$0x470] =	vst v4;
	v4 =	vadd.s32 v1, v45  }
0x160: {  	v50 =	vld [tilespmem:$0x4E0];
	[tilespmem:$0x480] =	vst v4;
	v4 =	vadd.s32 v1, v46  }
0x161: {  	v51 =	vld [tilespmem:$0x4F0];
	[tilespmem:$0x490] =	vst v4;
	v4 =	vadd.s32 v1, v47  }
0x162: {  	[tilespmem:$0x4A0] =	vst v4;
	v4 =	vadd.s32 v1, v5  }
0x163: {  	[tilespmem:$0x4B0] =	vst v4;
	v4 =	vadd.s32 v1, v48  }
0x164: {  	[tilespmem:$0x4C0] =	vst v4;
	v4 =	vadd.s32 v1, v49  }
0x165: {  	[tilespmem:$0x4D0] =	vst v4;
	v4 =	vadd.s32 v1, v50  }
0x166: {  	[tilespmem:$0x4E0] =	vst v4;
	v4 =	vadd.s32 v1, v51  }
0x167: {  	s20 =	simm.s32 $0x8C00;
	[tilespmem:$0x4F0] =	vst v4  }
0x168: {  	[tilespmem:s20], [sflag:$0xB] =	stream.indirect.gather [hbm4b:s1+s0], $0x20, s13, s0, $0xb8;
	[tilespmem:$0x17C70] =	vst v63  }
0x169: {  	_ =	swait.ge [sflag:s12], $0x2000  }
0x16a: {  	[sflag:s12] =	ssyncset.done $0x0  }
0x16b: {  	s16 =	simm.s32 @p1 $0xD;
	s21 =	simm.s32 $0x800;
	[sflag:s12] =	ssyncadd.s32 $0xFFFFE000  }
0x16c: {  	[spmem:s2] =	stream.indirect.scatter.add.bf16 [tilespmem:s26], [sflag:$0xF], $0x20, s21, s0, $0xb8;
	[tilespmem:$0x17C70] =	vst v63  }
0x16d: {  	_ =	swait.ge @p1 [sflag:s16], $0x2000  }
0x16e: {  	[sflag:s16] =	ssyncset.done @p1 $0x0  }
0x16f: {  	[sflag:s16] =	ssyncadd.s32 @p1 $0xFFFFE000;
	s16 =	simm.s32 @!p1 $0x800  }
0x170: {  	[spmem:s3] =	stream.indirect.scatter.add.f32 @!p1 [tilespmem:s15], [sflag:$0x15], $0x10, s16, s5, $0xb8;
	[tilespmem:$0x17C70] =	vst v63  }
0x171: {  	s16 =	simm.s32 @!p1 $0xD  }
0x172: {  	_ =	swait.ge @!p1 [sflag:s16], $0x2000  }
0x173: {  	[sflag:s16] =	ssyncset.done @!p1 $0x0  }
0x174: {  	[sflag:s16] =	ssyncadd.s32 @!p1 $0xFFFFE000;
	s16 =	simm.s32 @!p1 $0x13  }
0x175: {  	p3 =	seq.s32 s14, $0x900;
	_ =	swait.ge @!p1 [sflag:s16], $0x1000  }
0x176: {  	s18 =	sadd.s32 @!p3 s14, s22;
	[sflag:s16] =	ssyncset.done @!p1 $0x0  }
0x177: {  	s20 =	simm.s32 @!p3 $0x0;
	[sflag:s16] =	ssyncadd.s32 @!p1 $0xFFFFF000;
	s16 =	sadd.s32 @!p3 $0xC0, s18  }
0x178: {  	[tilespmem:s20], [sflag:$0x1] =	stream.linear.gather @!p3 [hbm4b:s16+s20], $0x100, $0x38;
	[tilespmem:$0x17C70] =	vst v63  }
0x179: {  	s16 =	sadd.s32 @!p3 $0x9D00, s18;
	s18 =	simm.s32 @!p3 $0x600  }
0x17a: {  	[tilespmem:s18], [sflag:$0x1] =	stream.linear.gather @!p3 [hbm4b:s16+s20], $0x100, $0x38;
	[tilespmem:$0x17C70] =	vst v63  }
0x17b: {  	_ =	swait.ge [sflag:s7], $0x100  }
0x17c: {  	[sflag:s7] =	ssyncset.done $0x0  }
0x17d: {  	[sflag:s7] =	ssyncadd.s32 $0xFFFFFF00  }
0x17e: {  	_ =	swait.ge [sflag:s7], $0x100  }
0x17f: {  	[sflag:s7] =	ssyncset.done $0x0  }
0x180: {  	[sflag:s7] =	ssyncadd.s32 $0xFFFFFF00  }
0x181: {  	v4 =	vld [tilespmem:$0x500]  }
0x182: {  	v5 =	vld [tilespmem:$0x510]  }
0x183: {  	v52 =	vld [tilespmem:$0x520]  }
0x184: {  	v53 =	vld [tilespmem:$0x530]  }
0x185: {  	v54 =	vld [tilespmem:$0x540]  }
0x186: {  	v55 =	vld [tilespmem:$0x550];
	v4 =	vadd.s32 v1, v4  }
0x187: {  	[tilespmem:$0x500] =	vst v4;
	v4 =	vadd.s32 v1, v5;
	v5 =	vld [tilespmem:$0x560]  }
0x188: {  	v56 =	vld [tilespmem:$0x570];
	[tilespmem:$0x510] =	vst v4;
	v4 =	vadd.s32 v1, v52  }
0x189: {  	v57 =	vld [tilespmem:$0x580];
	[tilespmem:$0x520] =	vst v4;
	v4 =	vadd.s32 v1, v53  }
0x18a: {  	v58 =	vld [tilespmem:$0x590];
	[tilespmem:$0x530] =	vst v4;
	v4 =	vadd.s32 v1, v54  }
0x18b: {  	v59 =	vld [tilespmem:$0x5A0];
	[tilespmem:$0x540] =	vst v4;
	v4 =	vadd.s32 v1, v55  }
0x18c: {  	[tilespmem:$0x550] =	vst v4;
	v4 =	vadd.s32 v1, v5;
	v5 =	vld [tilespmem:$0x5B0]  }
0x18d: {  	v60 =	vld [tilespmem:$0x5C0];
	[tilespmem:$0x560] =	vst v4;
	v4 =	vadd.s32 v1, v56  }
0x18e: {  	v61 =	vld [tilespmem:$0x5D0];
	[tilespmem:$0x570] =	vst v4;
	v4 =	vadd.s32 v1, v57  }
0x18f: {  	v62 =	vld [tilespmem:$0x5E0];
	[tilespmem:$0x580] =	vst v4;
	v4 =	vadd.s32 v1, v58  }
0x190: {  	v63 =	vld [tilespmem:$0x5F0];
	[tilespmem:$0x590] =	vst v4;
	v4 =	vadd.s32 v1, v59  }
0x191: {  	[tilespmem:$0x5A0] =	vst v4;
	v4 =	vadd.s32 v1, v5  }
0x192: {  	[tilespmem:$0x5B0] =	vst v4;
	v4 =	vadd.s32 v1, v60  }
0x193: {  	[tilespmem:$0x5C0] =	vst v4;
	v4 =	vadd.s32 v1, v61  }
0x194: {  	[tilespmem:$0x5D0] =	vst v4;
	v4 =	vadd.s32 v1, v62  }
0x195: {  	[tilespmem:$0x5E0] =	vst v4;
	v4 =	vadd.s32 v1, v63  }
0x196: {  	s21 =	simm.s32 $0xAC00;
	[tilespmem:$0x5F0] =	vst v4  }
0x197: {  	[tilespmem:s21], [sflag:$0xC] =	stream.indirect.gather [hbm4b:s1+s0], $0x20, s29, s0, $0xb8;
	[tilespmem:$0x17C70] =	vst v63  }
0x198: {  	_ =	swait.ge [sflag:s31], $0x2000  }
0x199: {  	[sflag:s31] =	ssyncset.done $0x0  }
0x19a: {  	s16 =	simm.s32 @p2 $0xE;
	[sflag:s31] =	ssyncadd.s32 $0xFFFFE000  }
0x19b: {  	[spmem:s2] =	stream.indirect.scatter.add.bf16 [tilespmem:s11], [sflag:$0x10], $0x20, s24, s0, $0xb8;
	[tilespmem:$0x17C70] =	vst v63  }
0x19c: {  	_ =	swait.ge @p2 [sflag:s16], $0x2000  }
0x19d: {  	s18 =	simm.s32 @!p2 $0x900;
	[sflag:s16] =	ssyncset.done @p2 $0x0  }
0x19e: {  	s20 =	simm.s32 @!p2 $0xD040;
	[sflag:s16] =	ssyncadd.s32 @p2 $0xFFFFE000;
	s16 =	simm.s32 @!p2 $0x100  }
0x19f: {  	[spmem:s3] =	stream.indirect.scatter.add.f32 @!p2 [tilespmem:s20], [sflag:$0x16], $0x10, s18, s16, $0xb8;
	[tilespmem:$0x17C70] =	vst v63  }
0x1a0: {  	s16 =	simm.s32 @!p2 $0xE  }
0x1a1: {  	_ =	swait.ge @!p2 [sflag:s16], $0x2000  }
.Ltmp6:
0x1a2: {  	[sflag:s16] =	ssyncset.done @!p2 $0x0;
	(pc) =	sbr.rel @p3 .LBB2_8-.Ltmp6, $4  }
0x1a3: {  	[sflag:s16] =	ssyncadd.s32 @!p2 $0xFFFFE000;
	s16 =	simm.s32 @!p2 $0x14  }
0x1a4: {  	_ =	swait.ge @!p2 [sflag:s16], $0x1000  }
0x1a5: {  	[sflag:s16] =	ssyncset.done @!p2 $0x0  }
0x1a6: {  	[sflag:s16] =	ssyncadd.s32 @!p2 $0xFFFFF000  }
0x1a7: {  	s16 =	sadd.s32 $0xE0, s28  }
0x1a8: {  	[tilespmem:s0], [sflag:$0x2] =	stream.linear.gather [hbm4b:s16+s4], $0x100, $0x38;
	[tilespmem:$0x17C70] =	vst v63  }
0x1a9: {  	s24 =	sadd.s32 $0x9D20, s28;
	s18 =	simm.s32 $0x700  }
0x1aa: {  	[tilespmem:s18], [sflag:$0x2] =	stream.linear.gather [hbm4b:s24+s4], $0x100, $0x38;
	[tilespmem:$0x17C70] =	vst v63  }
0x1ab: {  	_ =	swait.ge [sflag:s9], $0x100  }
0x1ac: {  	[sflag:s9] =	ssyncset.done $0x0  }
0x1ad: {  	[sflag:s9] =	ssyncadd.s32 $0xFFFFFF00  }
0x1ae: {  	_ =	swait.ge [sflag:s9], $0x100  }
0x1af: {  	[sflag:s9] =	ssyncset.done $0x0  }
0x1b0: {  	[sflag:s9] =	ssyncadd.s32 $0xFFFFFF00  }
0x1b1: {  	v4 =	vld [tilespmem:$0x0]  }
0x1b2: {  	v5 =	vld [tilespmem:$0x10]  }
0x1b3: {  	v6 =	vld [tilespmem:$0x20]  }
0x1b4: {  	v7 =	vld [tilespmem:$0x30]  }
0x1b5: {  	v8 =	vld [tilespmem:$0x40]  }
0x1b6: {  	v9 =	vld [tilespmem:$0x50];
	v4 =	vadd.s32 v1, v4  }
0x1b7: {  	[tilespmem:$0x0] =	vst v4;
	v4 =	vadd.s32 v1, v5;
	v5 =	vld [tilespmem:$0x60]  }
0x1b8: {  	v56 =	vld [tilespmem:$0x70];
	[tilespmem:$0x10] =	vst v4;
	v4 =	vadd.s32 v1, v6  }
0x1b9: {  	v57 =	vld [tilespmem:$0x80];
	[tilespmem:$0x20] =	vst v4;
	v4 =	vadd.s32 v1, v7  }
0x1ba: {  	v58 =	vld [tilespmem:$0x90];
	[tilespmem:$0x30] =	vst v4;
	v4 =	vadd.s32 v1, v8  }
0x1bb: {  	v59 =	vld [tilespmem:$0xA0];
	[tilespmem:$0x40] =	vst v4;
	v4 =	vadd.s32 v1, v9  }
0x1bc: {  	[tilespmem:$0x50] =	vst v4;
	v4 =	vadd.s32 v1, v5;
	v5 =	vld [tilespmem:$0xB0]  }
0x1bd: {  	v60 =	vld [tilespmem:$0xC0];
	[tilespmem:$0x60] =	vst v4;
	v4 =	vadd.s32 v1, v56  }
0x1be: {  	v61 =	vld [tilespmem:$0xD0];
	[tilespmem:$0x70] =	vst v4;
	v4 =	vadd.s32 v1, v57  }
0x1bf: {  	v62 =	vld [tilespmem:$0xE0];
	[tilespmem:$0x80] =	vst v4;
	v4 =	vadd.s32 v1, v58  }
0x1c0: {  	v63 =	vld [tilespmem:$0xF0];
	[tilespmem:$0x90] =	vst v4;
	v4 =	vadd.s32 v1, v59  }
0x1c1: {  	[tilespmem:$0xA0] =	vst v4;
	v4 =	vadd.s32 v1, v5  }
0x1c2: {  	[tilespmem:$0xB0] =	vst v4;
	v4 =	vadd.s32 v1, v60  }
0x1c3: {  	[tilespmem:$0xC0] =	vst v4;
	v4 =	vadd.s32 v1, v61  }
0x1c4: {  	[tilespmem:$0xD0] =	vst v4;
	v4 =	vadd.s32 v1, v62  }
0x1c5: {  	[tilespmem:$0xE0] =	vst v4;
	v4 =	vadd.s32 v1, v63  }
0x1c6: {  	s11 =	simm.s32 $0xC00;
	[tilespmem:$0xF0] =	vst v4  }
0x1c7: {  	[tilespmem:s11], [sflag:$0x7] =	stream.indirect.gather [hbm4b:s1+s0], $0x20, s4, s0, $0xb8;
	[tilespmem:$0x17C70] =	vst v63  }
.LBB2_8:
0x1c8: {  	_ =	swait.ge [sflag:s30], $0x2000  }
0x1c9: {  	s13 =	simm.s32 $0xA00;
	[sflag:s30] =	ssyncset.done $0x0  }
0x1ca: {  	s11 =	simm.s32 $0x8C00;
	s16 =	simm.s32 @p1 $0xF;
	[sflag:s30] =	ssyncadd.s32 $0xFFFFE000  }
0x1cb: {  	[spmem:s2] =	stream.indirect.scatter.add.bf16 [tilespmem:s11], [sflag:$0x11], $0x20, s13, s0, $0xb8;
	[tilespmem:$0x17C70] =	vst v63  }
0x1cc: {  	_ =	swait.ge @p1 [sflag:s16], $0x2000  }
0x1cd: {  	[sflag:s16] =	ssyncset.done @p1 $0x0  }
0x1ce: {  	[sflag:s16] =	ssyncadd.s32 @p1 $0xFFFFE000;
	s16 =	simm.s32 @!p1 $0xA00  }
0x1cf: {  	[spmem:s3] =	stream.indirect.scatter.add.f32 @!p1 [tilespmem:s15], [sflag:$0x17], $0x10, s16, s5, $0xb8;
	[tilespmem:$0x17C70] =	vst v63  }
0x1d0: {  	s5 =	simm.s32 @!p1 $0xF  }
0x1d1: {  	_ =	swait.ge @!p1 [sflag:s5], $0x2000  }
.Ltmp7:
0x1d2: {  	[sflag:s5] =	ssyncset.done @!p1 $0x0;
	(pc) =	sbr.rel @p3 .LBB2_10-.Ltmp7, $4  }
0x1d3: {  	[sflag:s5] =	ssyncadd.s32 @!p1 $0xFFFFE000;
	s5 =	simm.s32 @!p1 $0x15  }
0x1d4: {  	_ =	swait.ge @!p1 [sflag:s5], $0x1000  }
0x1d5: {  	[sflag:s5] =	ssyncset.done @!p1 $0x0  }
0x1d6: {  	[sflag:s5] =	ssyncadd.s32 @!p1 $0xFFFFF000  }
0x1d7: {  	s5 =	sadd.s32 $0x100, s28;
	s15 =	simm.s32 $0x200  }
0x1d8: {  	[tilespmem:s15], [sflag:$0x3] =	stream.linear.gather [hbm4b:s5+s4], $0x100, $0x38;
	[tilespmem:$0x17C70] =	vst v63  }
0x1d9: {  	s20 =	sadd.s32 $0x9D40, s28;
	s24 =	simm.s32 $0x800  }
0x1da: {  	[tilespmem:s24], [sflag:$0x3] =	stream.linear.gather [hbm4b:s20+s4], $0x100, $0x38;
	[tilespmem:$0x17C70] =	vst v63  }
0x1db: {  	_ =	swait.ge [sflag:s6], $0x100  }
0x1dc: {  	[sflag:s6] =	ssyncset.done $0x0  }
0x1dd: {  	[sflag:s6] =	ssyncadd.s32 $0xFFFFFF00  }
0x1de: {  	_ =	swait.ge [sflag:s6], $0x100  }
0x1df: {  	[sflag:s6] =	ssyncset.done $0x0  }
0x1e0: {  	[sflag:s6] =	ssyncadd.s32 $0xFFFFFF00  }
0x1e1: {  	v4 =	vld [tilespmem:$0x100]  }
0x1e2: {  	v5 =	vld [tilespmem:$0x110]  }
0x1e3: {  	v6 =	vld [tilespmem:$0x120]  }
0x1e4: {  	v7 =	vld [tilespmem:$0x130]  }
0x1e5: {  	v8 =	vld [tilespmem:$0x140]  }
0x1e6: {  	v9 =	vld [tilespmem:$0x150];
	v4 =	vadd.s32 v1, v4  }
0x1e7: {  	[tilespmem:$0x100] =	vst v4;
	v4 =	vadd.s32 v1, v5;
	v5 =	vld [tilespmem:$0x160]  }
0x1e8: {  	v56 =	vld [tilespmem:$0x170];
	[tilespmem:$0x110] =	vst v4;
	v4 =	vadd.s32 v1, v6  }
0x1e9: {  	v57 =	vld [tilespmem:$0x180];
	[tilespmem:$0x120] =	vst v4;
	v4 =	vadd.s32 v1, v7  }
0x1ea: {  	v58 =	vld [tilespmem:$0x190];
	[tilespmem:$0x130] =	vst v4;
	v4 =	vadd.s32 v1, v8  }
0x1eb: {  	v59 =	vld [tilespmem:$0x1A0];
	[tilespmem:$0x140] =	vst v4;
	v4 =	vadd.s32 v1, v9  }
0x1ec: {  	[tilespmem:$0x150] =	vst v4;
	v4 =	vadd.s32 v1, v5;
	v5 =	vld [tilespmem:$0x1B0]  }
0x1ed: {  	v60 =	vld [tilespmem:$0x1C0];
	[tilespmem:$0x160] =	vst v4;
	v4 =	vadd.s32 v1, v56  }
0x1ee: {  	v61 =	vld [tilespmem:$0x1D0];
	[tilespmem:$0x170] =	vst v4;
	v4 =	vadd.s32 v1, v57  }
0x1ef: {  	v62 =	vld [tilespmem:$0x1E0];
	[tilespmem:$0x180] =	vst v4;
	v4 =	vadd.s32 v1, v58  }
0x1f0: {  	v63 =	vld [tilespmem:$0x1F0];
	[tilespmem:$0x190] =	vst v4;
	v4 =	vadd.s32 v1, v59  }
0x1f1: {  	[tilespmem:$0x1A0] =	vst v4;
	v4 =	vadd.s32 v1, v5  }
0x1f2: {  	[tilespmem:$0x1B0] =	vst v4;
	v4 =	vadd.s32 v1, v60  }
.Ltmp8:
0x1f3: {  	[tilespmem:$0x1C0] =	vst v4;
	v4 =	vadd.s32 v1, v61;
	(pc) =	sbr.rel .LBB2_10-.Ltmp8, $4  }
0x1f4: {  	[tilespmem:$0x1D0] =	vst v4;
	v4 =	vadd.s32 v1, v62  }
0x1f5: {  	[tilespmem:$0x1E0] =	vst v4;
	v4 =	vadd.s32 v1, v63  }
0x1f6: {  	s28 =	simm.s32 $0x2C00;
	[tilespmem:$0x1F0] =	vst v4  }
0x1f7: {  	[tilespmem:s28], [sflag:$0x8] =	stream.indirect.gather [hbm4b:s1+s0], $0x20, s0, s0, $0xb8;
	[tilespmem:$0x17C70] =	vst v63  }
.LBB2_12:
0x1f8: {  	_ =	sfence.sel $0x180000  }
0x1f9: {  	[bflag:$0x0] =	sbarrier.arrive $0xFFFF  }
0x1fa: {  	_ =	strace $0x90000047  }
0x1fb: {  	[bflag:$0x2] =	sbarrier.arrive $0xFFFF  }
0x1fc: {  	s0 =	rddreg [dreg:$0x4]  }
0x1fd: {  	s0 =	sadd.s32 @!p0 $0x100000, s0  }
0x1fe: {  	[sflag:s0] =	ssyncadd.tile.s32 @!p0 $0x1;
	_ =	shalt  }
.Lfunc_end2:
_tile_overlayer_lowered:
.L_overlay_start_2:
0x1ff: {  	(tag) =	ssettag $0x2  }
0x200: {  	s0 =	rddreg [dreg:$0x0];
	s2 =	stileid.u32  }
0x201: {  	s1 =	rddreg [dreg:$0x1];
	p0 =	sne.s32 s2, $0x0  }
0x202: {  	s3 =	rddreg [dreg:$0x2];
	[bflag:$0x3] =	sbarrier.arrive $0xFFFF;
	s2 =	simm.s32 @!p0 $0x1C1A  }
0x203: {  	[timem:s3], [sflag:s2] =	dma.local @!p0 [hbm:s0], s1  }
0x204: {  	s0 =	simm.s32 @!p0 $0x1A  }
0x205: {  	_ =	swait.ge @!p0 [sflag:s0], s1  }
0x206: {  	s1 =	ssub.s32 @!p0 $0x0, s1;
	[sflag:s0] =	ssyncset.done @!p0 $0x0  }
0x207: {  	[sflag:s0] =	ssyncadd.s32 @!p0 s1  }
0x208: {  	[bflag:$0x3] =	sbarrier.arrive $0xFFFF  }
0x209: {  	_ =	shalt  }

</sc_bundles>
